<compile_context>
chip_gen: v7x
topology: tpu7x:2x2x1
jax: 0.10.2.dev20260603
libtpu: 0.0.44.dev20260713+nightly
codegen_flags: <defaults>
</compile_context>

<pallas_src>
import functools

import jax
import jax.numpy as jnp
from jax import lax
from jax.experimental import pallas as pl
from jax.experimental.pallas import tpu as pltpu
from jax.experimental.pallas import tpu_sc as plsc

N, E, D, NSUB = 10000, 320000, 128, 500
NP = 10240
SBINS = 512
NW = 32
C = 128
NCH = 80
EW = NCH * C
EP = NW * EW
RPS = NP // 16
RB = 1024
GB = NP // RB

f32 = jnp.float32
i32 = jnp.int32
_Z = lambda: jnp.int32(0)

_mesh = plsc.VectorSubcoreMesh(core_axis_name="c", subcore_axis_name="s")



@functools.partial(
    pl.kernel,
    out_type=(jax.ShapeDtypeStruct((2, NP), f32),
              jax.ShapeDtypeStruct((2, NP), f32)),
    mesh=_mesh,
    scratch_types=[pltpu.VMEM((NCH, C), i32), pltpu.VMEM((NCH, C), i32),
                   pltpu.VMEM((C,), f32),
                   pltpu.VMEM_SHARED((NP,), f32),
                   pltpu.VMEM_SHARED((NP,), f32),
                   pltpu.SemaphoreType.DMA, pltpu.SemaphoreType.DMA],
)
def _hist_sc(src_h, dst_h, zflat_h, dego_h, degi_h,
             sidx_all, didx_all, ones_c,
             dego_sh, degi_sh, sA, sB):
    c = lax.axis_index("c")
    s = lax.axis_index("s")
    w = s * 2 + c
    pltpu.sync_copy(zflat_h.at[pl.ds(0, RPS)], dego_sh.at[pl.ds(s * RPS, RPS)])
    pltpu.sync_copy(zflat_h.at[pl.ds(0, RPS)], degi_sh.at[pl.ds(s * RPS, RPS)])

    for k in range(C // 16):
        ones_c[pl.ds(k * 16, 16)] = jnp.ones((16,), f32)
    pltpu.sync_copy(src_h.at[w], sidx_all)
    pltpu.sync_copy(dst_h.at[w], didx_all)
    plsc.subcore_barrier()

    def ebody(j, carry):
        i0 = j * 4
        ds_ = []
        for k in range(4):
            ds_.append(pltpu.async_copy(
                ones_c, dego_sh.at[sidx_all.at[i0 + k]], sA, add=True))
            ds_.append(pltpu.async_copy(
                ones_c, degi_sh.at[didx_all.at[i0 + k]], sB, add=True))
        for d in ds_:
            d.wait()
        return carry

    lax.fori_loop(jnp.int32(0), jnp.int32(NCH // 4), ebody, jnp.int32(0))
    plsc.subcore_barrier()
    pltpu.sync_copy(dego_sh.at[pl.ds(s * RPS, RPS)],
                    dego_h.at[c, pl.ds(s * RPS, RPS)])
    pltpu.sync_copy(degi_sh.at[pl.ds(s * RPS, RPS)],
                    degi_h.at[c, pl.ds(s * RPS, RPS)])


@functools.partial(
    pl.kernel,
    out_type=jax.ShapeDtypeStruct((2, NP, D), f32),
    mesh=_mesh,
    scratch_types=[pltpu.VMEM((C,), i32), pltpu.VMEM((C,), i32),
                   pltpu.VMEM((C,), i32), pltpu.VMEM((C,), i32),
                   pltpu.VMEM((C, D), f32), pltpu.VMEM((C, D), f32),
                   pltpu.VMEM_SHARED((NP, D), f32),
                   pltpu.SemaphoreType.DMA, pltpu.SemaphoreType.DMA,
                   pltpu.SemaphoreType.DMA],
)
def _spmm_sc(y_h, src_h, dst_h, zrows_h, part_h,
             si0, si1, di0, di1, rows0, rows1, acc_sh, g0, g1, zs):
    c = lax.axis_index("c")
    s = lax.axis_index("s")
    w = s * 2 + c
    for k in range(RPS // 64):
        pltpu.async_copy(zrows_h.at[pl.ds(0, 64)],
                         acc_sh.at[pl.ds(s * RPS + k * 64, 64)], zs)
    for k in range(RPS // 64):
        pltpu.make_async_copy(zrows_h.at[pl.ds(0, 64)],
                              acc_sh.at[pl.ds(s * RPS + k * 64, 64)], zs).wait()
    plsc.subcore_barrier()
    base0 = w * EW
    pltpu.sync_copy(src_h.at[pl.ds(base0, C)], si0)
    pltpu.sync_copy(dst_h.at[pl.ds(base0, C)], di0)
    pltpu.async_copy(y_h.at[si0], rows0, g0)
    pltpu.sync_copy(src_h.at[pl.ds(base0 + C, C)], si1)
    pltpu.sync_copy(dst_h.at[pl.ds(base0 + C, C)], di1)
    pltpu.async_copy(y_h.at[si1], rows1, g1)

    def jbody(j, carry):
        i0 = j * 2
        pltpu.make_async_copy(y_h.at[si0], rows0, g0).wait()
        pltpu.sync_copy(rows0, acc_sh.at[di0], add=True)

        @pl.when(j < NCH // 2 - 1)
        def _():
            b = base0 + (i0 + 2) * C
            pltpu.sync_copy(src_h.at[pl.ds(b, C)], si0)
            pltpu.sync_copy(dst_h.at[pl.ds(b, C)], di0)
            pltpu.async_copy(y_h.at[si0], rows0, g0)

        pltpu.make_async_copy(y_h.at[si1], rows1, g1).wait()
        pltpu.sync_copy(rows1, acc_sh.at[di1], add=True)

        @pl.when(j < NCH // 2 - 1)
        def _():
            b2 = base0 + (i0 + 3) * C
            pltpu.sync_copy(src_h.at[pl.ds(b2, C)], si1)
            pltpu.sync_copy(dst_h.at[pl.ds(b2, C)], di1)
            pltpu.async_copy(y_h.at[si1], rows1, g1)

        return carry

    lax.fori_loop(jnp.int32(0), jnp.int32(NCH // 2), jbody, jnp.int32(0))
    plsc.subcore_barrier()
    pltpu.sync_copy(acc_sh.at[pl.ds(s * RPS, RPS)],
                    part_h.at[c, pl.ds(s * RPS, RPS)])



def _enc1_body(x_ref, dgo_ref, dgi_ref, w1_ref, y_ref, ns_ref, nd_ref):
    dgo = dgo_ref[0] + dgo_ref[1]
    dgi = dgi_ref[0] + dgi_ref[1]
    ns = jnp.where(dgo > 0, lax.rsqrt(dgo), 0.0)
    nd = jnp.where(dgi > 0, lax.rsqrt(dgi), 0.0)
    ns_ref[...] = ns
    nd_ref[...] = nd
    y_ref[...] = jnp.dot(x_ref[...] * ns, w1_ref[...],
                         preferred_element_type=f32)


def _enc1_call(x_p, dego3, degi3, W1):
    return pl.pallas_call(
        _enc1_body,
        grid=(GB,),
        in_specs=[
            pl.BlockSpec((RB, D), lambda i: (i, _Z())),
            pl.BlockSpec((2, RB, 1), lambda i: (_Z(), i, _Z())),
            pl.BlockSpec((2, RB, 1), lambda i: (_Z(), i, _Z())),
            pl.BlockSpec((D, D), lambda i: (_Z(), _Z())),
        ],
        out_specs=[
            pl.BlockSpec((RB, D), lambda i: (i, _Z())),
            pl.BlockSpec((RB, 1), lambda i: (i, _Z())),
            pl.BlockSpec((RB, 1), lambda i: (i, _Z())),
        ],
        out_shape=[jax.ShapeDtypeStruct((NP, D), f32),
                   jax.ShapeDtypeStruct((NP, 1), f32),
                   jax.ShapeDtypeStruct((NP, 1), f32)],
    )(x_p, dego3, degi3, W1)


def _enc2_body(p_ref, ns_ref, nd_ref, b1_ref, a1_ref, w2_ref, y2_ref):
    t = (p_ref[0] + p_ref[1]) * nd_ref[...] + b1_ref[...]
    h = jnp.where(t >= 0, t, a1_ref[...] * t)
    y2_ref[...] = jnp.dot(h * ns_ref[...], w2_ref[...],
                          preferred_element_type=f32)


def _enc2_call(part1, ns, nd, b1, a1, W2):
    return pl.pallas_call(
        _enc2_body,
        grid=(GB,),
        in_specs=[
            pl.BlockSpec((2, RB, D), lambda i: (_Z(), i, _Z())),
            pl.BlockSpec((RB, 1), lambda i: (i, _Z())),
            pl.BlockSpec((RB, 1), lambda i: (i, _Z())),
            pl.BlockSpec((1, D), lambda i: (_Z(), _Z())),
            pl.BlockSpec((1, 1), lambda i: (_Z(), _Z())),
            pl.BlockSpec((D, D), lambda i: (_Z(), _Z())),
        ],
        out_specs=pl.BlockSpec((RB, D), lambda i: (i, _Z())),
        out_shape=jax.ShapeDtypeStruct((NP, D), f32),
    )(part1, ns, nd, b1, a1, W2)


def _tail_body(p_ref, nd_ref, b2_ref, a2_ref, sid_ref, fcw_ref,
               fcb_ref, g_ref, out_ref, emb_acc, pres_acc, bits_s):
    i = pl.program_id(0)

    @pl.when(i < GB)
    def _():
        t = (p_ref[0] + p_ref[1]) * nd_ref[...] + b2_ref[...]
        h2 = jnp.where(t >= 0, t, a2_ref[...] * t)
        oh = (sid_ref[...] == lax.broadcasted_iota(i32, (1, SBINS), 1))
        ohf = oh.astype(f32)
        contrib = lax.dot_general(ohf, h2, (((0,), (0,)), ((), ())),
                                  preferred_element_type=f32)
        pcontrib = lax.dot_general(ohf, jnp.ones((RB, 1), f32),
                                   (((0,), (0,)), ((), ())),
                                   preferred_element_type=f32)

        @pl.when(i == 0)
        def _():
            emb_acc[...] = contrib
            pres_acc[...] = pcontrib

        @pl.when(i > 0)
        def _():
            emb_acc[...] = emb_acc[...] + contrib
            pres_acc[...] = pres_acc[...] + pcontrib

    @pl.when(i == GB)
    def _():
        emb = emb_acc[...]
        ind = (pres_acc[...] > 0).astype(f32)
        row_i = lax.broadcasted_iota(i32, (SBINS, SBINS), 0)
        col_i = lax.broadcasted_iota(i32, (SBINS, SBINS), 1)
        tril = (row_i > col_i).astype(f32)
        rank = jnp.dot(tril, ind, preferred_element_type=f32)
        onehot = (rank.astype(i32) == col_i).astype(f32)
        gsel = jnp.dot(onehot, g_ref[...], preferred_element_type=f32)
        logits = lax.dot_general(emb, fcw_ref[...], (((1,), (1,)), ((), ())),
                                 preferred_element_type=f32)
        z = logits + fcb_ref[...] + gsel
        bit = (z[:, 1:2] > z[:, 0:1]).astype(f32)
        bits_s[...] = jnp.concatenate([1.0 - bit, bit], axis=1)

    @pl.when(i > GB)
    def _():
        mask = (sid_ref[...] == lax.broadcasted_iota(i32, (1, SBINS), 1))
        out_ref[...] = jnp.dot(mask.astype(f32), bits_s[...],
                               preferred_element_type=f32)


def _tail_call(part2, nd, b2, a2, sid2, fc_w, fc_b, g):
    blk1 = lambda i: jnp.minimum(i, GB - 1)
    blksid = lambda i: jnp.where(i < GB, i, jnp.maximum(i - GB - 1, 0))
    return pl.pallas_call(
        _tail_body,
        grid=(2 * GB + 1,),
        in_specs=[
            pl.BlockSpec((2, RB, D), lambda i: (_Z(), blk1(i), _Z())),
            pl.BlockSpec((RB, 1), lambda i: (blk1(i), _Z())),
            pl.BlockSpec((1, D), lambda i: (_Z(), _Z())),
            pl.BlockSpec((1, 1), lambda i: (_Z(), _Z())),
            pl.BlockSpec((RB, 1), lambda i: (blksid(i), _Z())),
            pl.BlockSpec((2, D), lambda i: (_Z(), _Z())),
            pl.BlockSpec((1, 2), lambda i: (_Z(), _Z())),
            pl.BlockSpec((SBINS, 2), lambda i: (_Z(), _Z())),
        ],
        out_specs=pl.BlockSpec((RB, 2), lambda i: (jnp.maximum(i - GB - 1, 0), _Z())),
        out_shape=jax.ShapeDtypeStruct((NP, 2), f32),
        scratch_shapes=[pltpu.VMEM((SBINS, D), f32),
                        pltpu.VMEM((SBINS, 1), f32),
                        pltpu.VMEM((SBINS, 2), f32)],
    )(part2, nd, b2, a2, sid2, fc_w, fc_b, g)


def _gumbel_const():
    u = jax.random.uniform(jax.random.key(42), (NSUB, 2),
                           dtype=jnp.float64, minval=1e-10, maxval=1.0)
    g = -jnp.log(-jnp.log(u))
    return jnp.zeros((SBINS, 2), f32).at[:NSUB].set(g.astype(f32))


def kernel(x, edge_index, subgraph_id, W1, b1, a1, W2, b2, a2, fc_w, fc_b):
    W1, b1, a1 = W1.astype(f32), b1.astype(f32), a1.astype(f32)
    W2, b2, a2 = W2.astype(f32), b2.astype(f32), a2.astype(f32)
    fc_w, fc_b = fc_w.astype(f32), fc_b.astype(f32)
    src = edge_index[0].astype(i32)
    dst = edge_index[1].astype(i32)
    pad_e = N + (jnp.arange(EP - E, dtype=i32) % (NP - N))
    src_f = jnp.concatenate([src, pad_e])
    dst_f = jnp.concatenate([dst, pad_e])
    src_p = src_f.reshape(NW, NCH, C)
    dst_p = dst_f.reshape(NW, NCH, C)
    sid_p = jnp.concatenate([
        subgraph_id.astype(i32),
        NSUB + (jnp.arange(NP - N, dtype=i32) % (SBINS - NSUB))])
    x_p = jnp.pad(x.astype(f32), ((0, NP - N), (0, 0)))
    zflat = jnp.zeros((NP,), f32)
    zrows = jnp.zeros((64, D), f32)

    dego_p, degi_p = _hist_sc(src_p, dst_p, zflat)
    y1, ns, nd = _enc1_call(x_p, dego_p.reshape(2, NP, 1),
                            degi_p.reshape(2, NP, 1), W1)
    part1 = _spmm_sc(y1, src_f, dst_f, zrows)
    y2 = _enc2_call(part1, ns, nd, b1.reshape(1, D), a1.reshape(1, 1), W2)
    part2 = _spmm_sc(y2, src_f, dst_f, zrows)
    out = _tail_call(part2, nd, b2.reshape(1, D), a2.reshape(1, 1),
                     sid_p.reshape(NP, 1),
                     fc_w, fc_b.reshape(1, 2), _gumbel_const())
    return out[:N].astype(jnp.float64)

# --- scband reference (transcript-rebuilt; emitter-appended) ---
"""Pipeline reference for scband-sub-advers-mask-3229815407244 (READ-ONLY COPY).

The authoritative reference and input builder live on the scoring server;
editing this copy changes nothing except your own understanding.
"""

import jax, jax.numpy as jnp
import numpy as np
jax.config.update('jax_enable_x64', True)

N = 10000
E = 320000
D = 128
NSUB = 500


def setup_inputs(seed: int = 0):
    key = jax.random.key(seed)
    ks = jax.random.split(key, 8)
    x = jax.random.normal(ks[0], (N, D), dtype=jnp.float32)
    edge_index = jax.random.randint(ks[1], (2, E), 0, N, dtype=jnp.int64)
    subgraph_id = jnp.sort(jax.random.randint(ks[2], (N,), 0, NSUB, dtype=jnp.int64))
    s = 1.0 / np.sqrt(D)
    W1 = jax.random.normal(ks[3], (D, D), dtype=jnp.float32) * s
    b1 = jnp.zeros((D,), dtype=jnp.float32)
    a1 = jnp.asarray(0.25, dtype=jnp.float32)
    W2 = jax.random.normal(ks[4], (D, D), dtype=jnp.float32) * s
    b2 = jnp.zeros((D,), dtype=jnp.float32)
    a2 = jnp.asarray(0.25, dtype=jnp.float32)
    fc_w = jax.random.normal(ks[5], (2, D), dtype=jnp.float32) * s
    fc_b = jnp.zeros((2,), dtype=jnp.float32)
    return {'x': x, 'edge_index': edge_index, 'subgraph_id': subgraph_id,
            'W1': W1, 'b1': b1, 'a1': a1, 'W2': W2, 'b2': b2, 'a2': a2,
            'fc_w': fc_w, 'fc_b': fc_b}


def _prelu(h, a):
    return jnp.where(h >= 0, h, a * h)


def _gcn_layer(h, src, dst, norm_src, norm_dst, W, b, a):
    # DGL GraphConv with norm='both': D^{-1/2} A D^{-1/2} X W + b, then PReLU
    h = h * norm_src[:, None]
    agg = jax.ops.segment_sum(h[src], dst, num_segments=N)
    agg = agg * norm_dst[:, None]
    out = agg @ W + b
    return _prelu(out, a)


def reference(x, edge_index, subgraph_id, W1, b1, a1, W2, b2, a2, fc_w, fc_b):
    src = edge_index[0]
    dst = edge_index[1]
    ones = jnp.ones((src.shape[0],), dtype=x.dtype)
    deg_out = jax.ops.segment_sum(ones, src, num_segments=N)
    deg_in = jax.ops.segment_sum(ones, dst, num_segments=N)
    norm_src = jnp.where(deg_out > 0, deg_out ** -0.5, 0.0)
    norm_dst = jnp.where(deg_in > 0, deg_in ** -0.5, 0.0)
    h = _gcn_layer(x, src, dst, norm_src, norm_dst, W1, b1, a1)
    h = _gcn_layer(h, src, dst, norm_src, norm_dst, W2, b2, a2)
    # get_sub_prob
    uniq, inv = jnp.unique(subgraph_id, return_inverse=True, size=NSUB, fill_value=0)
    inv = inv.reshape(-1)
    sub_emb = jax.ops.segment_sum(h, inv, num_segments=int(uniq.shape[0]))  # global_add_pool
    logits = sub_emb @ fc_w.T + fc_b
    # gumbel_softmax(hard=True) with fixed noise key for determinism
    u = jax.random.uniform(jax.random.key(42), logits.shape, minval=1e-10, maxval=1.0)
    g = -jnp.log(-jnp.log(u))
    y_soft = jax.nn.softmax((logits + g) / 1.0, axis=-1)
    y_hard = jax.nn.one_hot(jnp.argmax(y_soft, axis=-1), logits.shape[-1], dtype=y_soft.dtype)
    subgraph_prob = jax.lax.stop_gradient(y_hard - y_soft) + y_soft
    node_prob = subgraph_prob[inv]
    return node_prob

if __name__ == "__main__":
    import jax
    _d = setup_inputs()
    print(jax.jit(kernel)(*tuple(_d.values())))

</pallas_src>

<mosaic_0001>
#map = affine_map<(d0, d1) -> (0, 0, 0)>
#map1 = affine_map<(d0, d1) -> (0)>
#map2 = affine_map<(d0, d1) -> (0, 0)>
module attributes {stable_mosaic.version = 14 : i64} {
  func.func @_hist_sc(%arg0: i32, %arg1: i32, %arg2: memref<32x80x128xi32, #tpu.memory_space<hbm>>, %arg3: memref<32x80x128xi32, #tpu.memory_space<hbm>>, %arg4: memref<10240xf32, #tpu.memory_space<hbm>>, %arg5: memref<2x10240xf32, #tpu.memory_space<hbm>>, %arg6: memref<2x10240xf32, #tpu.memory_space<hbm>>, %arg7: memref<80x128xi32, #tpu.memory_space<vmem>>, %arg8: memref<80x128xi32, #tpu.memory_space<vmem>>, %arg9: memref<128xf32, #tpu.memory_space<vmem>>, %arg10: memref<10240xf32, #tpu.memory_space<vmem_shared>>, %arg11: memref<10240xf32, #tpu.memory_space<vmem_shared>>, %arg12: memref<!tpu.dma_semaphore, #tpu.memory_space<semaphore_mem>>, %arg13: memref<!tpu.dma_semaphore, #tpu.memory_space<semaphore_mem>>) attributes {dimension_semantics = [#tpu.dimension_semantics<core_parallel>, #tpu.dimension_semantics<subcore_parallel>], iteration_bounds = array<i64: 2, 16>, scalar_prefetch = 0 : i64, scratch_operands = 7 : i64, tpu.core_type = #tpu.core_type<sc_vector_subcore>, window_params = [{transform_indices = #map}, {transform_indices = #map}, {transform_indices = #map1}, {transform_indices = #map2}, {transform_indices = #map2}]} {
    %mul3A = arith.constant 2 : i32
    %mul3A_0 = arith.muli %arg1, %mul3A : i32
    %add3A = arith.addi %mul3A_0, %arg0 : i32
    %mul3A_1 = arith.constant 640 : i32
    %mul3A_2 = arith.muli %arg1, %mul3A_1 : i32
    "tpu.region"() ({
      %run_scoped3A = tpu.sem_alloc : memref<!tpu.dma_semaphore, #tpu.memory_space<semaphore_mem>>
      %dma_start3A = tpu.memref_slice %arg10[%mul3A_2] : memref<10240xf32, #tpu.memory_space<vmem_shared>> -> memref<640xf32, #tpu.memory_space<vmem_shared>>
      %dma_start3A_70 = arith.constant 0 : i32
      %dma_start3A_71 = tpu.memref_slice %arg4[%dma_start3A_70] : memref<10240xf32, #tpu.memory_space<hbm>> -> memref<640xf32, #tpu.memory_space<hbm>>
      tpu.enqueue_dma source(%dma_start3A_71 : memref<640xf32, #tpu.memory_space<hbm>>) target(%dma_start3A : memref<640xf32, #tpu.memory_space<vmem_shared>>) target_semaphore(%run_scoped3A : memref<!tpu.dma_semaphore, #tpu.memory_space<semaphore_mem>>)
      %dma_wait3A = tpu.memref_slice %arg10[%mul3A_2] : memref<10240xf32, #tpu.memory_space<vmem_shared>> -> memref<640xf32, #tpu.memory_space<vmem_shared>>
      %dma_wait3A_72 = arith.constant 0 : i32
      %dma_wait3A_73 = tpu.memref_slice %arg4[%dma_wait3A_72] : memref<10240xf32, #tpu.memory_space<hbm>> -> memref<640xf32, #tpu.memory_space<hbm>>
      tpu.wait_dma2 semaphore(%run_scoped3A : memref<!tpu.dma_semaphore, #tpu.memory_space<semaphore_mem>>) src(%dma_wait3A_73 : memref<640xf32, #tpu.memory_space<hbm>>) dst(%dma_wait3A : memref<640xf32, #tpu.memory_space<vmem_shared>>)
      tpu.yield
    }) : () -> ()
    %mul3A_3 = arith.constant 640 : i32
    %mul3A_4 = arith.muli %arg1, %mul3A_3 : i32
    "tpu.region"() ({
      %run_scoped3A = tpu.sem_alloc : memref<!tpu.dma_semaphore, #tpu.memory_space<semaphore_mem>>
      %dma_start3A = tpu.memref_slice %arg11[%mul3A_4] : memref<10240xf32, #tpu.memory_space<vmem_shared>> -> memref<640xf32, #tpu.memory_space<vmem_shared>>
      %dma_start3A_70 = arith.constant 0 : i32
      %dma_start3A_71 = tpu.memref_slice %arg4[%dma_start3A_70] : memref<10240xf32, #tpu.memory_space<hbm>> -> memref<640xf32, #tpu.memory_space<hbm>>
      tpu.enqueue_dma source(%dma_start3A_71 : memref<640xf32, #tpu.memory_space<hbm>>) target(%dma_start3A : memref<640xf32, #tpu.memory_space<vmem_shared>>) target_semaphore(%run_scoped3A : memref<!tpu.dma_semaphore, #tpu.memory_space<semaphore_mem>>)
      %dma_wait3A = tpu.memref_slice %arg11[%mul3A_4] : memref<10240xf32, #tpu.memory_space<vmem_shared>> -> memref<640xf32, #tpu.memory_space<vmem_shared>>
      %dma_wait3A_72 = arith.constant 0 : i32
      %dma_wait3A_73 = tpu.memref_slice %arg4[%dma_wait3A_72] : memref<10240xf32, #tpu.memory_space<hbm>> -> memref<640xf32, #tpu.memory_space<hbm>>
      tpu.wait_dma2 semaphore(%run_scoped3A : memref<!tpu.dma_semaphore, #tpu.memory_space<semaphore_mem>>) src(%dma_wait3A_73 : memref<640xf32, #tpu.memory_space<hbm>>) dst(%dma_wait3A : memref<640xf32, #tpu.memory_space<vmem_shared>>)
      tpu.yield
    }) : () -> ()
    %broadcast_in_dim3A = arith.constant 1.000000e+00 : f32
    %broadcast_in_dim3A_5 = vector.broadcast %broadcast_in_dim3A : f32 to vector<16xf32>
    %swap3A = arith.constant 0 : index
    %swap3A_6 = tpu.vector_load %arg9[%swap3A] {strides = array<i32>} : memref<128xf32, #tpu.memory_space<vmem>>, vector<16xf32>,
    %swap3A_7 = vector.shape_cast %swap3A_6 : vector<16xf32> to vector<16xf32>
    %swap3A_8 = vector.shape_cast %broadcast_in_dim3A_5 : vector<16xf32> to vector<16xf32>
    tpu.vector_store %arg9[%swap3A], %swap3A_8 {strides = array<i32>} : memref<128xf32, #tpu.memory_space<vmem>>, vector<16xf32>,
    %broadcast_in_dim3A_9 = arith.constant 1.000000e+00 : f32
    %broadcast_in_dim3A_10 = vector.broadcast %broadcast_in_dim3A_9 : f32 to vector<16xf32>
    %swap3A_11 = arith.constant 16 : index
    %swap3A_12 = tpu.vector_load %arg9[%swap3A_11] {strides = array<i32>} : memref<128xf32, #tpu.memory_space<vmem>>, vector<16xf32>,
    %swap3A_13 = vector.shape_cast %swap3A_12 : vector<16xf32> to vector<16xf32>
    %swap3A_14 = vector.shape_cast %broadcast_in_dim3A_10 : vector<16xf32> to vector<16xf32>
    tpu.vector_store %arg9[%swap3A_11], %swap3A_14 {strides = array<i32>} : memref<128xf32, #tpu.memory_space<vmem>>, vector<16xf32>,
    %broadcast_in_dim3A_15 = arith.constant 1.000000e+00 : f32
    %broadcast_in_dim3A_16 = vector.broadcast %broadcast_in_dim3A_15 : f32 to vector<16xf32>
    %swap3A_17 = arith.constant 32 : index
    %swap3A_18 = tpu.vector_load %arg9[%swap3A_17] {strides = array<i32>} : memref<128xf32, #tpu.memory_space<vmem>>, vector<16xf32>,
    %swap3A_19 = vector.shape_cast %swap3A_18 : vector<16xf32> to vector<16xf32>
    %swap3A_20 = vector.shape_cast %broadcast_in_dim3A_16 : vector<16xf32> to vector<16xf32>
    tpu.vector_store %arg9[%swap3A_17], %swap3A_20 {strides = array<i32>} : memref<128xf32, #tpu.memory_space<vmem>>, vector<16xf32>,
    %broadcast_in_dim3A_21 = arith.constant 1.000000e+00 : f32
    %broadcast_in_dim3A_22 = vector.broadcast %broadcast_in_dim3A_21 : f32 to vector<16xf32>
    %swap3A_23 = arith.constant 48 : index
    %swap3A_24 = tpu.vector_load %arg9[%swap3A_23] {strides = array<i32>} : memref<128xf32, #tpu.memory_space<vmem>>, vector<16xf32>,
    %swap3A_25 = vector.shape_cast %swap3A_24 : vector<16xf32> to vector<16xf32>
    %swap3A_26 = vector.shape_cast %broadcast_in_dim3A_22 : vector<16xf32> to vector<16xf32>
    tpu.vector_store %arg9[%swap3A_23], %swap3A_26 {strides = array<i32>} : memref<128xf32, #tpu.memory_space<vmem>>, vector<16xf32>,
    %broadcast_in_dim3A_27 = arith.constant 1.000000e+00 : f32
    %broadcast_in_dim3A_28 = vector.broadcast %broadcast_in_dim3A_27 : f32 to vector<16xf32>
    %swap3A_29 = arith.constant 64 : index
    %swap3A_30 = tpu.vector_load %arg9[%swap3A_29] {strides = array<i32>} : memref<128xf32, #tpu.memory_space<vmem>>, vector<16xf32>,
    %swap3A_31 = vector.shape_cast %swap3A_30 : vector<16xf32> to vector<16xf32>
    %swap3A_32 = vector.shape_cast %broadcast_in_dim3A_28 : vector<16xf32> to vector<16xf32>
    tpu.vector_store %arg9[%swap3A_29], %swap3A_32 {strides = array<i32>} : memref<128xf32, #tpu.memory_space<vmem>>, vector<16xf32>,
    %broadcast_in_dim3A_33 = arith.constant 1.000000e+00 : f32
    %broadcast_in_dim3A_34 = vector.broadcast %broadcast_in_dim3A_33 : f32 to vector<16xf32>
    %swap3A_35 = arith.constant 80 : index
    %swap3A_36 = tpu.vector_load %arg9[%swap3A_35] {strides = array<i32>} : memref<128xf32, #tpu.memory_space<vmem>>, vector<16xf32>,
    %swap3A_37 = vector.shape_cast %swap3A_36 : vector<16xf32> to vector<16xf32>
    %swap3A_38 = vector.shape_cast %broadcast_in_dim3A_34 : vector<16xf32> to vector<16xf32>
    tpu.vector_store %arg9[%swap3A_35], %swap3A_38 {strides = array<i32>} : memref<128xf32, #tpu.memory_space<vmem>>, vector<16xf32>,
    %broadcast_in_dim3A_39 = arith.constant 1.000000e+00 : f32
    %broadcast_in_dim3A_40 = vector.broadcast %broadcast_in_dim3A_39 : f32 to vector<16xf32>
    %swap3A_41 = arith.constant 96 : index
    %swap3A_42 = tpu.vector_load %arg9[%swap3A_41] {strides = array<i32>} : memref<128xf32, #tpu.memory_space<vmem>>, vector<16xf32>,
    %swap3A_43 = vector.shape_cast %swap3A_42 : vector<16xf32> to vector<16xf32>
    %swap3A_44 = vector.shape_cast %broadcast_in_dim3A_40 : vector<16xf32> to vector<16xf32>
    tpu.vector_store %arg9[%swap3A_41], %swap3A_44 {strides = array<i32>} : memref<128xf32, #tpu.memory_space<vmem>>, vector<16xf32>,
    %broadcast_in_dim3A_45 = arith.constant 1.000000e+00 : f32
    %broadcast_in_dim3A_46 = vector.broadcast %broadcast_in_dim3A_45 : f32 to vector<16xf32>
    %swap3A_47 = arith.constant 112 : index
    %swap3A_48 = tpu.vector_load %arg9[%swap3A_47] {strides = array<i32>} : memref<128xf32, #tpu.memory_space<vmem>>, vector<16xf32>,
    %swap3A_49 = vector.shape_cast %swap3A_48 : vector<16xf32> to vector<16xf32>
    %swap3A_50 = vector.shape_cast %broadcast_in_dim3A_46 : vector<16xf32> to vector<16xf32>
    tpu.vector_store %arg9[%swap3A_47], %swap3A_50 {strides = array<i32>} : memref<128xf32, #tpu.memory_space<vmem>>, vector<16xf32>,
    "tpu.region"() ({
      %run_scoped3A = tpu.sem_alloc : memref<!tpu.dma_semaphore, #tpu.memory_space<semaphore_mem>>
      %dma_start3A = arith.constant 0 : i32
      %dma_start3A_70 = arith.constant 0 : i32
      %dma_start3A_71 = tpu.memref_slice %arg2[%add3A, %dma_start3A, %dma_start3A_70] : memref<32x80x128xi32, #tpu.memory_space<hbm>> -> memref<1x80x128xi32, #tpu.memory_space<hbm>>
      %dma_start3A_72 = tpu.memref_squeeze %dma_start3A_71 : memref<1x80x128xi32, #tpu.memory_space<hbm>> -> memref<80x128xi32, #tpu.memory_space<hbm>>
      %dma_start3A_73 = arith.constant 0 : i32
      %dma_start3A_74 = arith.constant 0 : i32
      %dma_start3A_75 = tpu.memref_slice %arg2[%add3A, %dma_start3A_73, %dma_start3A_74] : memref<32x80x128xi32, #tpu.memory_space<hbm>> -> memref<1x80x128xi32, #tpu.memory_space<hbm>>
      %dma_start3A_76 = tpu.memref_squeeze %dma_start3A_75 : memref<1x80x128xi32, #tpu.memory_space<hbm>> -> memref<80x128xi32, #tpu.memory_space<hbm>>
      tpu.enqueue_dma source(%dma_start3A_76 : memref<80x128xi32, #tpu.memory_space<hbm>>) target(%arg7 : memref<80x128xi32, #tpu.memory_space<vmem>>) target_semaphore(%run_scoped3A : memref<!tpu.dma_semaphore, #tpu.memory_space<semaphore_mem>>)
      %dma_wait3A = arith.constant 0 : i32
      %dma_wait3A_77 = arith.constant 0 : i32
      %dma_wait3A_78 = tpu.memref_slice %arg2[%add3A, %dma_wait3A, %dma_wait3A_77] : memref<32x80x128xi32, #tpu.memory_space<hbm>> -> memref<1x80x128xi32, #tpu.memory_space<hbm>>
      %dma_wait3A_79 = tpu.memref_squeeze %dma_wait3A_78 : memref<1x80x128xi32, #tpu.memory_space<hbm>> -> memref<80x128xi32, #tpu.memory_space<hbm>>
      %dma_wait3A_80 = arith.constant 0 : i32
      %dma_wait3A_81 = arith.constant 0 : i32
      %dma_wait3A_82 = tpu.memref_slice %arg2[%add3A, %dma_wait3A_80, %dma_wait3A_81] : memref<32x80x128xi32, #tpu.memory_space<hbm>> -> memref<1x80x128xi32, #tpu.memory_space<hbm>>
      %dma_wait3A_83 = tpu.memref_squeeze %dma_wait3A_82 : memref<1x80x128xi32, #tpu.memory_space<hbm>> -> memref<80x128xi32, #tpu.memory_space<hbm>>
      tpu.wait_dma2 semaphore(%run_scoped3A : memref<!tpu.dma_semaphore, #tpu.memory_space<semaphore_mem>>) src(%dma_wait3A_83 : memref<80x128xi32, #tpu.memory_space<hbm>>) dst(%arg7 : memref<80x128xi32, #tpu.memory_space<vmem>>)
      tpu.yield
    }) : () -> ()
    "tpu.region"() ({
      %run_scoped3A = tpu.sem_alloc : memref<!tpu.dma_semaphore, #tpu.memory_space<semaphore_mem>>
      %dma_start3A = arith.constant 0 : i32
      %dma_start3A_70 = arith.constant 0 : i32
      %dma_start3A_71 = tpu.memref_slice %arg3[%add3A, %dma_start3A, %dma_start3A_70] : memref<32x80x128xi32, #tpu.memory_space<hbm>> -> memref<1x80x128xi32, #tpu.memory_space<hbm>>
      %dma_start3A_72 = tpu.memref_squeeze %dma_start3A_71 : memref<1x80x128xi32, #tpu.memory_space<hbm>> -> memref<80x128xi32, #tpu.memory_space<hbm>>
      %dma_start3A_73 = arith.constant 0 : i32
      %dma_start3A_74 = arith.constant 0 : i32
      %dma_start3A_75 = tpu.memref_slice %arg3[%add3A, %dma_start3A_73, %dma_start3A_74] : memref<32x80x128xi32, #tpu.memory_space<hbm>> -> memref<1x80x128xi32, #tpu.memory_space<hbm>>
      %dma_start3A_76 = tpu.memref_squeeze %dma_start3A_75 : memref<1x80x128xi32, #tpu.memory_space<hbm>> -> memref<80x128xi32, #tpu.memory_space<hbm>>
      tpu.enqueue_dma source(%dma_start3A_76 : memref<80x128xi32, #tpu.memory_space<hbm>>) target(%arg8 : memref<80x128xi32, #tpu.memory_space<vmem>>) target_semaphore(%run_scoped3A : memref<!tpu.dma_semaphore, #tpu.memory_space<semaphore_mem>>)
      %dma_wait3A = arith.constant 0 : i32
      %dma_wait3A_77 = arith.constant 0 : i32
      %dma_wait3A_78 = tpu.memref_slice %arg3[%add3A, %dma_wait3A, %dma_wait3A_77] : memref<32x80x128xi32, #tpu.memory_space<hbm>> -> memref<1x80x128xi32, #tpu.memory_space<hbm>>
      %dma_wait3A_79 = tpu.memref_squeeze %dma_wait3A_78 : memref<1x80x128xi32, #tpu.memory_space<hbm>> -> memref<80x128xi32, #tpu.memory_space<hbm>>
      %dma_wait3A_80 = arith.constant 0 : i32
      %dma_wait3A_81 = arith.constant 0 : i32
      %dma_wait3A_82 = tpu.memref_slice %arg3[%add3A, %dma_wait3A_80, %dma_wait3A_81] : memref<32x80x128xi32, #tpu.memory_space<hbm>> -> memref<1x80x128xi32, #tpu.memory_space<hbm>>
      %dma_wait3A_83 = tpu.memref_squeeze %dma_wait3A_82 : memref<1x80x128xi32, #tpu.memory_space<hbm>> -> memref<80x128xi32, #tpu.memory_space<hbm>>
      tpu.wait_dma2 semaphore(%run_scoped3A : memref<!tpu.dma_semaphore, #tpu.memory_space<semaphore_mem>>) src(%dma_wait3A_83 : memref<80x128xi32, #tpu.memory_space<hbm>>) dst(%arg8 : memref<80x128xi32, #tpu.memory_space<vmem>>)
      tpu.yield
    }) : () -> ()
    %barrier3A = arith.constant 0 : index
    tpu.barrier barrier_id(%barrier3A)
    %while3A = arith.constant 0 : i32
    %while3A_51 = arith.constant 0 : i32
    %while3A_52 = arith.constant 20 : i32
    %while3A_53 = arith.subi %while3A_52, %while3A_51 : i32
    %while3A_54 = arith.addi %while3A_51, %while3A_53 : i32
    %while3A_55 = arith.constant 1 : i32
    %while3A_56 = arith.divsi %while3A_53, %while3A_55 : i32
    %while3A_57 = arith.muli %while3A_56, %while3A_55 : i32
    %while3A_58 = arith.addi %while3A_51, %while3A_57 : i32
    %while3A_59 = arith.constant 1 : i32
    scf.for %while3A_70 = %while3A_51 to %while3A_58 step %while3A_59  : i32 {
      %mul3A_71 = arith.constant 4 : i32
      %mul3A_72 = arith.muli %while3A_70, %mul3A_71 : i32
      %add3A_73 = arith.constant 0 : i32
      %add3A_74 = arith.addi %mul3A_72, %add3A_73 : i32
      %dma_start3A = arith.constant 0 : i32
      %dma_start3A_75 = tpu.memref_slice %arg7[%add3A_74, %dma_start3A] : memref<80x128xi32, #tpu.memory_space<vmem>> -> memref<1x128xi32, #tpu.memory_space<vmem>>
      %dma_start3A_76 = tpu.memref_squeeze %dma_start3A_75 : memref<1x128xi32, #tpu.memory_space<vmem>> -> memref<128xi32, #tpu.memory_space<vmem>>
      %dma_start3A_77 = arith.constant 0 : i32
      %dma_start3A_78 = tpu.memref_slice %arg10[%dma_start3A_77] : memref<10240xf32, #tpu.memory_space<vmem_shared>> -> memref<10240xf32, #tpu.memory_space<vmem_shared>>
      tpu.enqueue_indirect_dma source(%arg9 : memref<128xf32, #tpu.memory_space<vmem>>) target(%dma_start3A_78 : memref<10240xf32, #tpu.memory_space<vmem_shared>>) offsets(%dma_start3A_76 : memref<128xi32, #tpu.memory_space<vmem>>) semaphore(%arg12 : memref<!tpu.dma_semaphore, #tpu.memory_space<semaphore_mem>>) {add = true}
      %add3A_79 = arith.constant 0 : i32
      %add3A_80 = arith.addi %mul3A_72, %add3A_79 : i32
      %dma_start3A_81 = arith.constant 0 : i32
      %dma_start3A_82 = tpu.memref_slice %arg8[%add3A_80, %dma_start3A_81] : memref<80x128xi32, #tpu.memory_space<vmem>> -> memref<1x128xi32, #tpu.memory_space<vmem>>
      %dma_start3A_83 = tpu.memref_squeeze %dma_start3A_82 : memref<1x128xi32, #tpu.memory_space<vmem>> -> memref<128xi32, #tpu.memory_space<vmem>>
      %dma_start3A_84 = arith.constant 0 : i32
      %dma_start3A_85 = tpu.memref_slice %arg11[%dma_start3A_84] : memref<10240xf32, #tpu.memory_space<vmem_shared>> -> memref<10240xf32, #tpu.memory_space<vmem_shared>>
      tpu.enqueue_indirect_dma source(%arg9 : memref<128xf32, #tpu.memory_space<vmem>>) target(%dma_start3A_85 : memref<10240xf32, #tpu.memory_space<vmem_shared>>) offsets(%dma_start3A_83 : memref<128xi32, #tpu.memory_space<vmem>>) semaphore(%arg13 : memref<!tpu.dma_semaphore, #tpu.memory_space<semaphore_mem>>) {add = true}
      %add3A_86 = arith.constant 1 : i32
      %add3A_87 = arith.addi %mul3A_72, %add3A_86 : i32
      %dma_start3A_88 = arith.constant 0 : i32
      %dma_start3A_89 = tpu.memref_slice %arg7[%add3A_87, %dma_start3A_88] : memref<80x128xi32, #tpu.memory_space<vmem>> -> memref<1x128xi32, #tpu.memory_space<vmem>>
      %dma_start3A_90 = tpu.memref_squeeze %dma_start3A_89 : memref<1x128xi32, #tpu.memory_space<vmem>> -> memref<128xi32, #tpu.memory_space<vmem>>
      %dma_start3A_91 = arith.constant 0 : i32
      %dma_start3A_92 = tpu.memref_slice %arg10[%dma_start3A_91] : memref<10240xf32, #tpu.memory_space<vmem_shared>> -> memref<10240xf32, #tpu.memory_space<vmem_shared>>
      tpu.enqueue_indirect_dma source(%arg9 : memref<128xf32, #tpu.memory_space<vmem>>) target(%dma_start3A_92 : memref<10240xf32, #tpu.memory_space<vmem_shared>>) offsets(%dma_start3A_90 : memref<128xi32, #tpu.memory_space<vmem>>) semaphore(%arg12 : memref<!tpu.dma_semaphore, #tpu.memory_space<semaphore_mem>>) {add = true}
      %add3A_93 = arith.constant 1 : i32
      %add3A_94 = arith.addi %mul3A_72, %add3A_93 : i32
      %dma_start3A_95 = arith.constant 0 : i32
      %dma_start3A_96 = tpu.memref_slice %arg8[%add3A_94, %dma_start3A_95] : memref<80x128xi32, #tpu.memory_space<vmem>> -> memref<1x128xi32, #tpu.memory_space<vmem>>
      %dma_start3A_97 = tpu.memref_squeeze %dma_start3A_96 : memref<1x128xi32, #tpu.memory_space<vmem>> -> memref<128xi32, #tpu.memory_space<vmem>>
      %dma_start3A_98 = arith.constant 0 : i32
      %dma_start3A_99 = tpu.memref_slice %arg11[%dma_start3A_98] : memref<10240xf32, #tpu.memory_space<vmem_shared>> -> memref<10240xf32, #tpu.memory_space<vmem_shared>>
      tpu.enqueue_indirect_dma source(%arg9 : memref<128xf32, #tpu.memory_space<vmem>>) target(%dma_start3A_99 : memref<10240xf32, #tpu.memory_space<vmem_shared>>) offsets(%dma_start3A_97 : memref<128xi32, #tpu.memory_space<vmem>>) semaphore(%arg13 : memref<!tpu.dma_semaphore, #tpu.memory_space<semaphore_mem>>) {add = true}
      %add3A_100 = arith.constant 2 : i32
      %add3A_101 = arith.addi %mul3A_72, %add3A_100 : i32
      %dma_start3A_102 = arith.constant 0 : i32
      %dma_start3A_103 = tpu.memref_slice %arg7[%add3A_101, %dma_start3A_102] : memref<80x128xi32, #tpu.memory_space<vmem>> -> memref<1x128xi32, #tpu.memory_space<vmem>>
      %dma_start3A_104 = tpu.memref_squeeze %dma_start3A_103 : memref<1x128xi32, #tpu.memory_space<vmem>> -> memref<128xi32, #tpu.memory_space<vmem>>
      %dma_start3A_105 = arith.constant 0 : i32
      %dma_start3A_106 = tpu.memref_slice %arg10[%dma_start3A_105] : memref<10240xf32, #tpu.memory_space<vmem_shared>> -> memref<10240xf32, #tpu.memory_space<vmem_shared>>
      tpu.enqueue_indirect_dma source(%arg9 : memref<128xf32, #tpu.memory_space<vmem>>) target(%dma_start3A_106 : memref<10240xf32, #tpu.memory_space<vmem_shared>>) offsets(%dma_start3A_104 : memref<128xi32, #tpu.memory_space<vmem>>) semaphore(%arg12 : memref<!tpu.dma_semaphore, #tpu.memory_space<semaphore_mem>>) {add = true}
      %add3A_107 = arith.constant 2 : i32
      %add3A_108 = arith.addi %mul3A_72, %add3A_107 : i32
      %dma_start3A_109 = arith.constant 0 : i32
      %dma_start3A_110 = tpu.memref_slice %arg8[%add3A_108, %dma_start3A_109] : memref<80x128xi32, #tpu.memory_space<vmem>> -> memref<1x128xi32, #tpu.memory_space<vmem>>
      %dma_start3A_111 = tpu.memref_squeeze %dma_start3A_110 : memref<1x128xi32, #tpu.memory_space<vmem>> -> memref<128xi32, #tpu.memory_space<vmem>>
      %dma_start3A_112 = arith.constant 0 : i32
      %dma_start3A_113 = tpu.memref_slice %arg11[%dma_start3A_112] : memref<10240xf32, #tpu.memory_space<vmem_shared>> -> memref<10240xf32, #tpu.memory_space<vmem_shared>>
      tpu.enqueue_indirect_dma source(%arg9 : memref<128xf32, #tpu.memory_space<vmem>>) target(%dma_start3A_113 : memref<10240xf32, #tpu.memory_space<vmem_shared>>) offsets(%dma_start3A_111 : memref<128xi32, #tpu.memory_space<vmem>>) semaphore(%arg13 : memref<!tpu.dma_semaphore, #tpu.memory_space<semaphore_mem>>) {add = true}
      %add3A_114 = arith.constant 3 : i32
      %add3A_115 = arith.addi %mul3A_72, %add3A_114 : i32
      %dma_start3A_116 = arith.constant 0 : i32
      %dma_start3A_117 = tpu.memref_slice %arg7[%add3A_115, %dma_start3A_116] : memref<80x128xi32, #tpu.memory_space<vmem>> -> memref<1x128xi32, #tpu.memory_space<vmem>>
      %dma_start3A_118 = tpu.memref_squeeze %dma_start3A_117 : memref<1x128xi32, #tpu.memory_space<vmem>> -> memref<128xi32, #tpu.memory_space<vmem>>
      %dma_start3A_119 = arith.constant 0 : i32
      %dma_start3A_120 = tpu.memref_slice %arg10[%dma_start3A_119] : memref<10240xf32, #tpu.memory_space<vmem_shared>> -> memref<10240xf32, #tpu.memory_space<vmem_shared>>
      tpu.enqueue_indirect_dma source(%arg9 : memref<128xf32, #tpu.memory_space<vmem>>) target(%dma_start3A_120 : memref<10240xf32, #tpu.memory_space<vmem_shared>>) offsets(%dma_start3A_118 : memref<128xi32, #tpu.memory_space<vmem>>) semaphore(%arg12 : memref<!tpu.dma_semaphore, #tpu.memory_space<semaphore_mem>>) {add = true}
      %add3A_121 = arith.constant 3 : i32
      %add3A_122 = arith.addi %mul3A_72, %add3A_121 : i32
      %dma_start3A_123 = arith.constant 0 : i32
      %dma_start3A_124 = tpu.memref_slice %arg8[%add3A_122, %dma_start3A_123] : memref<80x128xi32, #tpu.memory_space<vmem>> -> memref<1x128xi32, #tpu.memory_space<vmem>>
      %dma_start3A_125 = tpu.memref_squeeze %dma_start3A_124 : memref<1x128xi32, #tpu.memory_space<vmem>> -> memref<128xi32, #tpu.memory_space<vmem>>
      %dma_start3A_126 = arith.constant 0 : i32
      %dma_start3A_127 = tpu.memref_slice %arg11[%dma_start3A_126] : memref<10240xf32, #tpu.memory_space<vmem_shared>> -> memref<10240xf32, #tpu.memory_space<vmem_shared>>
      tpu.enqueue_indirect_dma source(%arg9 : memref<128xf32, #tpu.memory_space<vmem>>) target(%dma_start3A_127 : memref<10240xf32, #tpu.memory_space<vmem_shared>>) offsets(%dma_start3A_125 : memref<128xi32, #tpu.memory_space<vmem>>) semaphore(%arg13 : memref<!tpu.dma_semaphore, #tpu.memory_space<semaphore_mem>>) {add = true}
      %dma_wait3A = arith.constant 0 : i32
      %dma_wait3A_128 = tpu.memref_slice %arg7[%add3A_74, %dma_wait3A] : memref<80x128xi32, #tpu.memory_space<vmem>> -> memref<1x128xi32, #tpu.memory_space<vmem>>
      %dma_wait3A_129 = tpu.memref_squeeze %dma_wait3A_128 : memref<1x128xi32, #tpu.memory_space<vmem>> -> memref<128xi32, #tpu.memory_space<vmem>>
      %dma_wait3A_130 = arith.constant 0 : i32
      %dma_wait3A_131 = tpu.memref_slice %arg10[%dma_wait3A_130] : memref<10240xf32, #tpu.memory_space<vmem_shared>> -> memref<10240xf32, #tpu.memory_space<vmem_shared>>
      tpu.wait_indirect_dma semaphore(%arg12 : memref<!tpu.dma_semaphore, #tpu.memory_space<semaphore_mem>>) src(%arg9 : memref<128xf32, #tpu.memory_space<vmem>>) dst(%dma_wait3A_131 : memref<10240xf32, #tpu.memory_space<vmem_shared>>)
      %dma_wait3A_132 = arith.constant 0 : i32
      %dma_wait3A_133 = tpu.memref_slice %arg8[%add3A_80, %dma_wait3A_132] : memref<80x128xi32, #tpu.memory_space<vmem>> -> memref<1x128xi32, #tpu.memory_space<vmem>>
      %dma_wait3A_134 = tpu.memref_squeeze %dma_wait3A_133 : memref<1x128xi32, #tpu.memory_space<vmem>> -> memref<128xi32, #tpu.memory_space<vmem>>
      %dma_wait3A_135 = arith.constant 0 : i32
      %dma_wait3A_136 = tpu.memref_slice %arg11[%dma_wait3A_135] : memref<10240xf32, #tpu.memory_space<vmem_shared>> -> memref<10240xf32, #tpu.memory_space<vmem_shared>>
      tpu.wait_indirect_dma semaphore(%arg13 : memref<!tpu.dma_semaphore, #tpu.memory_space<semaphore_mem>>) src(%arg9 : memref<128xf32, #tpu.memory_space<vmem>>) dst(%dma_wait3A_136 : memref<10240xf32, #tpu.memory_space<vmem_shared>>)
      %dma_wait3A_137 = arith.constant 0 : i32
      %dma_wait3A_138 = tpu.memref_slice %arg7[%add3A_87, %dma_wait3A_137] : memref<80x128xi32, #tpu.memory_space<vmem>> -> memref<1x128xi32, #tpu.memory_space<vmem>>
      %dma_wait3A_139 = tpu.memref_squeeze %dma_wait3A_138 : memref<1x128xi32, #tpu.memory_space<vmem>> -> memref<128xi32, #tpu.memory_space<vmem>>
      %dma_wait3A_140 = arith.constant 0 : i32
      %dma_wait3A_141 = tpu.memref_slice %arg10[%dma_wait3A_140] : memref<10240xf32, #tpu.memory_space<vmem_shared>> -> memref<10240xf32, #tpu.memory_space<vmem_shared>>
      tpu.wait_indirect_dma semaphore(%arg12 : memref<!tpu.dma_semaphore, #tpu.memory_space<semaphore_mem>>) src(%arg9 : memref<128xf32, #tpu.memory_space<vmem>>) dst(%dma_wait3A_141 : memref<10240xf32, #tpu.memory_space<vmem_shared>>)
      %dma_wait3A_142 = arith.constant 0 : i32
      %dma_wait3A_143 = tpu.memref_slice %arg8[%add3A_94, %dma_wait3A_142] : memref<80x128xi32, #tpu.memory_space<vmem>> -> memref<1x128xi32, #tpu.memory_space<vmem>>
      %dma_wait3A_144 = tpu.memref_squeeze %dma_wait3A_143 : memref<1x128xi32, #tpu.memory_space<vmem>> -> memref<128xi32, #tpu.memory_space<vmem>>
      %dma_wait3A_145 = arith.constant 0 : i32
      %dma_wait3A_146 = tpu.memref_slice %arg11[%dma_wait3A_145] : memref<10240xf32, #tpu.memory_space<vmem_shared>> -> memref<10240xf32, #tpu.memory_space<vmem_shared>>
      tpu.wait_indirect_dma semaphore(%arg13 : memref<!tpu.dma_semaphore, #tpu.memory_space<semaphore_mem>>) src(%arg9 : memref<128xf32, #tpu.memory_space<vmem>>) dst(%dma_wait3A_146 : memref<10240xf32, #tpu.memory_space<vmem_shared>>)
      %dma_wait3A_147 = arith.constant 0 : i32
      %dma_wait3A_148 = tpu.memref_slice %arg7[%add3A_101, %dma_wait3A_147] : memref<80x128xi32, #tpu.memory_space<vmem>> -> memref<1x128xi32, #tpu.memory_space<vmem>>
      %dma_wait3A_149 = tpu.memref_squeeze %dma_wait3A_148 : memref<1x128xi32, #tpu.memory_space<vmem>> -> memref<128xi32, #tpu.memory_space<vmem>>
      %dma_wait3A_150 = arith.constant 0 : i32
      %dma_wait3A_151 = tpu.memref_slice %arg10[%dma_wait3A_150] : memref<10240xf32, #tpu.memory_space<vmem_shared>> -> memref<10240xf32, #tpu.memory_space<vmem_shared>>
      tpu.wait_indirect_dma semaphore(%arg12 : memref<!tpu.dma_semaphore, #tpu.memory_space<semaphore_mem>>) src(%arg9 : memref<128xf32, #tpu.memory_space<vmem>>) dst(%dma_wait3A_151 : memref<10240xf32, #tpu.memory_space<vmem_shared>>)
      %dma_wait3A_152 = arith.constant 0 : i32
      %dma_wait3A_153 = tpu.memref_slice %arg8[%add3A_108, %dma_wait3A_152] : memref<80x128xi32, #tpu.memory_space<vmem>> -> memref<1x128xi32, #tpu.memory_space<vmem>>
      %dma_wait3A_154 = tpu.memref_squeeze %dma_wait3A_153 : memref<1x128xi32, #tpu.memory_space<vmem>> -> memref<128xi32, #tpu.memory_space<vmem>>
      %dma_wait3A_155 = arith.constant 0 : i32
      %dma_wait3A_156 = tpu.memref_slice %arg11[%dma_wait3A_155] : memref<10240xf32, #tpu.memory_space<vmem_shared>> -> memref<10240xf32, #tpu.memory_space<vmem_shared>>
      tpu.wait_indirect_dma semaphore(%arg13 : memref<!tpu.dma_semaphore, #tpu.memory_space<semaphore_mem>>) src(%arg9 : memref<128xf32, #tpu.memory_space<vmem>>) dst(%dma_wait3A_156 : memref<10240xf32, #tpu.memory_space<vmem_shared>>)
      %dma_wait3A_157 = arith.constant 0 : i32
      %dma_wait3A_158 = tpu.memref_slice %arg7[%add3A_115, %dma_wait3A_157] : memref<80x128xi32, #tpu.memory_space<vmem>> -> memref<1x128xi32, #tpu.memory_space<vmem>>
      %dma_wait3A_159 = tpu.memref_squeeze %dma_wait3A_158 : memref<1x128xi32, #tpu.memory_space<vmem>> -> memref<128xi32, #tpu.memory_space<vmem>>
      %dma_wait3A_160 = arith.constant 0 : i32
      %dma_wait3A_161 = tpu.memref_slice %arg10[%dma_wait3A_160] : memref<10240xf32, #tpu.memory_space<vmem_shared>> -> memref<10240xf32, #tpu.memory_space<vmem_shared>>
      tpu.wait_indirect_dma semaphore(%arg12 : memref<!tpu.dma_semaphore, #tpu.memory_space<semaphore_mem>>) src(%arg9 : memref<128xf32, #tpu.memory_space<vmem>>) dst(%dma_wait3A_161 : memref<10240xf32, #tpu.memory_space<vmem_shared>>)
      %dma_wait3A_162 = arith.constant 0 : i32
      %dma_wait3A_163 = tpu.memref_slice %arg8[%add3A_122, %dma_wait3A_162] : memref<80x128xi32, #tpu.memory_space<vmem>> -> memref<1x128xi32, #tpu.memory_space<vmem>>
      %dma_wait3A_164 = tpu.memref_squeeze %dma_wait3A_163 : memref<1x128xi32, #tpu.memory_space<vmem>> -> memref<128xi32, #tpu.memory_space<vmem>>
      %dma_wait3A_165 = arith.constant 0 : i32
      %dma_wait3A_166 = tpu.memref_slice %arg11[%dma_wait3A_165] : memref<10240xf32, #tpu.memory_space<vmem_shared>> -> memref<10240xf32, #tpu.memory_space<vmem_shared>>
      tpu.wait_indirect_dma semaphore(%arg13 : memref<!tpu.dma_semaphore, #tpu.memory_space<semaphore_mem>>) src(%arg9 : memref<128xf32, #tpu.memory_space<vmem>>) dst(%dma_wait3A_166 : memref<10240xf32, #tpu.memory_space<vmem_shared>>)
    }
    %while3A_60 = arith.constant 1 : i32
    scf.for %while3A_70 = %while3A_58 to %while3A_54 step %while3A_60  : i32 {
      %mul3A_71 = arith.constant 4 : i32
      %mul3A_72 = arith.muli %while3A_70, %mul3A_71 : i32
      %add3A_73 = arith.constant 0 : i32
      %add3A_74 = arith.addi %mul3A_72, %add3A_73 : i32
      %dma_start3A = arith.constant 0 : i32
      %dma_start3A_75 = tpu.memref_slice %arg7[%add3A_74, %dma_start3A] : memref<80x128xi32, #tpu.memory_space<vmem>> -> memref<1x128xi32, #tpu.memory_space<vmem>>
      %dma_start3A_76 = tpu.memref_squeeze %dma_start3A_75 : memref<1x128xi32, #tpu.memory_space<vmem>> -> memref<128xi32, #tpu.memory_space<vmem>>
      %dma_start3A_77 = arith.constant 0 : i32
      %dma_start3A_78 = tpu.memref_slice %arg10[%dma_start3A_77] : memref<10240xf32, #tpu.memory_space<vmem_shared>> -> memref<10240xf32, #tpu.memory_space<vmem_shared>>
      tpu.enqueue_indirect_dma source(%arg9 : memref<128xf32, #tpu.memory_space<vmem>>) target(%dma_start3A_78 : memref<10240xf32, #tpu.memory_space<vmem_shared>>) offsets(%dma_start3A_76 : memref<128xi32, #tpu.memory_space<vmem>>) semaphore(%arg12 : memref<!tpu.dma_semaphore, #tpu.memory_space<semaphore_mem>>) {add = true}
      %add3A_79 = arith.constant 0 : i32
      %add3A_80 = arith.addi %mul3A_72, %add3A_79 : i32
      %dma_start3A_81 = arith.constant 0 : i32
      %dma_start3A_82 = tpu.memref_slice %arg8[%add3A_80, %dma_start3A_81] : memref<80x128xi32, #tpu.memory_space<vmem>> -> memref<1x128xi32, #tpu.memory_space<vmem>>
      %dma_start3A_83 = tpu.memref_squeeze %dma_start3A_82 : memref<1x128xi32, #tpu.memory_space<vmem>> -> memref<128xi32, #tpu.memory_space<vmem>>
      %dma_start3A_84 = arith.constant 0 : i32
      %dma_start3A_85 = tpu.memref_slice %arg11[%dma_start3A_84] : memref<10240xf32, #tpu.memory_space<vmem_shared>> -> memref<10240xf32, #tpu.memory_space<vmem_shared>>
      tpu.enqueue_indirect_dma source(%arg9 : memref<128xf32, #tpu.memory_space<vmem>>) target(%dma_start3A_85 : memref<10240xf32, #tpu.memory_space<vmem_shared>>) offsets(%dma_start3A_83 : memref<128xi32, #tpu.memory_space<vmem>>) semaphore(%arg13 : memref<!tpu.dma_semaphore, #tpu.memory_space<semaphore_mem>>) {add = true}
      %add3A_86 = arith.constant 1 : i32
      %add3A_87 = arith.addi %mul3A_72, %add3A_86 : i32
      %dma_start3A_88 = arith.constant 0 : i32
      %dma_start3A_89 = tpu.memref_slice %arg7[%add3A_87, %dma_start3A_88] : memref<80x128xi32, #tpu.memory_space<vmem>> -> memref<1x128xi32, #tpu.memory_space<vmem>>
      %dma_start3A_90 = tpu.memref_squeeze %dma_start3A_89 : memref<1x128xi32, #tpu.memory_space<vmem>> -> memref<128xi32, #tpu.memory_space<vmem>>
      %dma_start3A_91 = arith.constant 0 : i32
      %dma_start3A_92 = tpu.memref_slice %arg10[%dma_start3A_91] : memref<10240xf32, #tpu.memory_space<vmem_shared>> -> memref<10240xf32, #tpu.memory_space<vmem_shared>>
      tpu.enqueue_indirect_dma source(%arg9 : memref<128xf32, #tpu.memory_space<vmem>>) target(%dma_start3A_92 : memref<10240xf32, #tpu.memory_space<vmem_shared>>) offsets(%dma_start3A_90 : memref<128xi32, #tpu.memory_space<vmem>>) semaphore(%arg12 : memref<!tpu.dma_semaphore, #tpu.memory_space<semaphore_mem>>) {add = true}
      %add3A_93 = arith.constant 1 : i32
      %add3A_94 = arith.addi %mul3A_72, %add3A_93 : i32
      %dma_start3A_95 = arith.constant 0 : i32
      %dma_start3A_96 = tpu.memref_slice %arg8[%add3A_94, %dma_start3A_95] : memref<80x128xi32, #tpu.memory_space<vmem>> -> memref<1x128xi32, #tpu.memory_space<vmem>>
      %dma_start3A_97 = tpu.memref_squeeze %dma_start3A_96 : memref<1x128xi32, #tpu.memory_space<vmem>> -> memref<128xi32, #tpu.memory_space<vmem>>
      %dma_start3A_98 = arith.constant 0 : i32
      %dma_start3A_99 = tpu.memref_slice %arg11[%dma_start3A_98] : memref<10240xf32, #tpu.memory_space<vmem_shared>> -> memref<10240xf32, #tpu.memory_space<vmem_shared>>
      tpu.enqueue_indirect_dma source(%arg9 : memref<128xf32, #tpu.memory_space<vmem>>) target(%dma_start3A_99 : memref<10240xf32, #tpu.memory_space<vmem_shared>>) offsets(%dma_start3A_97 : memref<128xi32, #tpu.memory_space<vmem>>) semaphore(%arg13 : memref<!tpu.dma_semaphore, #tpu.memory_space<semaphore_mem>>) {add = true}
      %add3A_100 = arith.constant 2 : i32
      %add3A_101 = arith.addi %mul3A_72, %add3A_100 : i32
      %dma_start3A_102 = arith.constant 0 : i32
      %dma_start3A_103 = tpu.memref_slice %arg7[%add3A_101, %dma_start3A_102] : memref<80x128xi32, #tpu.memory_space<vmem>> -> memref<1x128xi32, #tpu.memory_space<vmem>>
      %dma_start3A_104 = tpu.memref_squeeze %dma_start3A_103 : memref<1x128xi32, #tpu.memory_space<vmem>> -> memref<128xi32, #tpu.memory_space<vmem>>
      %dma_start3A_105 = arith.constant 0 : i32
      %dma_start3A_106 = tpu.memref_slice %arg10[%dma_start3A_105] : memref<10240xf32, #tpu.memory_space<vmem_shared>> -> memref<10240xf32, #tpu.memory_space<vmem_shared>>
      tpu.enqueue_indirect_dma source(%arg9 : memref<128xf32, #tpu.memory_space<vmem>>) target(%dma_start3A_106 : memref<10240xf32, #tpu.memory_space<vmem_shared>>) offsets(%dma_start3A_104 : memref<128xi32, #tpu.memory_space<vmem>>) semaphore(%arg12 : memref<!tpu.dma_semaphore, #tpu.memory_space<semaphore_mem>>) {add = true}
      %add3A_107 = arith.constant 2 : i32
      %add3A_108 = arith.addi %mul3A_72, %add3A_107 : i32
      %dma_start3A_109 = arith.constant 0 : i32
      %dma_start3A_110 = tpu.memref_slice %arg8[%add3A_108, %dma_start3A_109] : memref<80x128xi32, #tpu.memory_space<vmem>> -> memref<1x128xi32, #tpu.memory_space<vmem>>
      %dma_start3A_111 = tpu.memref_squeeze %dma_start3A_110 : memref<1x128xi32, #tpu.memory_space<vmem>> -> memref<128xi32, #tpu.memory_space<vmem>>
      %dma_start3A_112 = arith.constant 0 : i32
      %dma_start3A_113 = tpu.memref_slice %arg11[%dma_start3A_112] : memref<10240xf32, #tpu.memory_space<vmem_shared>> -> memref<10240xf32, #tpu.memory_space<vmem_shared>>
      tpu.enqueue_indirect_dma source(%arg9 : memref<128xf32, #tpu.memory_space<vmem>>) target(%dma_start3A_113 : memref<10240xf32, #tpu.memory_space<vmem_shared>>) offsets(%dma_start3A_111 : memref<128xi32, #tpu.memory_space<vmem>>) semaphore(%arg13 : memref<!tpu.dma_semaphore, #tpu.memory_space<semaphore_mem>>) {add = true}
      %add3A_114 = arith.constant 3 : i32
      %add3A_115 = arith.addi %mul3A_72, %add3A_114 : i32
      %dma_start3A_116 = arith.constant 0 : i32
      %dma_start3A_117 = tpu.memref_slice %arg7[%add3A_115, %dma_start3A_116] : memref<80x128xi32, #tpu.memory_space<vmem>> -> memref<1x128xi32, #tpu.memory_space<vmem>>
      %dma_start3A_118 = tpu.memref_squeeze %dma_start3A_117 : memref<1x128xi32, #tpu.memory_space<vmem>> -> memref<128xi32, #tpu.memory_space<vmem>>
      %dma_start3A_119 = arith.constant 0 : i32
      %dma_start3A_120 = tpu.memref_slice %arg10[%dma_start3A_119] : memref<10240xf32, #tpu.memory_space<vmem_shared>> -> memref<10240xf32, #tpu.memory_space<vmem_shared>>
      tpu.enqueue_indirect_dma source(%arg9 : memref<128xf32, #tpu.memory_space<vmem>>) target(%dma_start3A_120 : memref<10240xf32, #tpu.memory_space<vmem_shared>>) offsets(%dma_start3A_118 : memref<128xi32, #tpu.memory_space<vmem>>) semaphore(%arg12 : memref<!tpu.dma_semaphore, #tpu.memory_space<semaphore_mem>>) {add = true}
      %add3A_121 = arith.constant 3 : i32
      %add3A_122 = arith.addi %mul3A_72, %add3A_121 : i32
      %dma_start3A_123 = arith.constant 0 : i32
      %dma_start3A_124 = tpu.memref_slice %arg8[%add3A_122, %dma_start3A_123] : memref<80x128xi32, #tpu.memory_space<vmem>> -> memref<1x128xi32, #tpu.memory_space<vmem>>
      %dma_start3A_125 = tpu.memref_squeeze %dma_start3A_124 : memref<1x128xi32, #tpu.memory_space<vmem>> -> memref<128xi32, #tpu.memory_space<vmem>>
      %dma_start3A_126 = arith.constant 0 : i32
      %dma_start3A_127 = tpu.memref_slice %arg11[%dma_start3A_126] : memref<10240xf32, #tpu.memory_space<vmem_shared>> -> memref<10240xf32, #tpu.memory_space<vmem_shared>>
      tpu.enqueue_indirect_dma source(%arg9 : memref<128xf32, #tpu.memory_space<vmem>>) target(%dma_start3A_127 : memref<10240xf32, #tpu.memory_space<vmem_shared>>) offsets(%dma_start3A_125 : memref<128xi32, #tpu.memory_space<vmem>>) semaphore(%arg13 : memref<!tpu.dma_semaphore, #tpu.memory_space<semaphore_mem>>) {add = true}
      %dma_wait3A = arith.constant 0 : i32
      %dma_wait3A_128 = tpu.memref_slice %arg7[%add3A_74, %dma_wait3A] : memref<80x128xi32, #tpu.memory_space<vmem>> -> memref<1x128xi32, #tpu.memory_space<vmem>>
      %dma_wait3A_129 = tpu.memref_squeeze %dma_wait3A_128 : memref<1x128xi32, #tpu.memory_space<vmem>> -> memref<128xi32, #tpu.memory_space<vmem>>
      %dma_wait3A_130 = arith.constant 0 : i32
      %dma_wait3A_131 = tpu.memref_slice %arg10[%dma_wait3A_130] : memref<10240xf32, #tpu.memory_space<vmem_shared>> -> memref<10240xf32, #tpu.memory_space<vmem_shared>>
      tpu.wait_indirect_dma semaphore(%arg12 : memref<!tpu.dma_semaphore, #tpu.memory_space<semaphore_mem>>) src(%arg9 : memref<128xf32, #tpu.memory_space<vmem>>) dst(%dma_wait3A_131 : memref<10240xf32, #tpu.memory_space<vmem_shared>>)
      %dma_wait3A_132 = arith.constant 0 : i32
      %dma_wait3A_133 = tpu.memref_slice %arg8[%add3A_80, %dma_wait3A_132] : memref<80x128xi32, #tpu.memory_space<vmem>> -> memref<1x128xi32, #tpu.memory_space<vmem>>
      %dma_wait3A_134 = tpu.memref_squeeze %dma_wait3A_133 : memref<1x128xi32, #tpu.memory_space<vmem>> -> memref<128xi32, #tpu.memory_space<vmem>>
      %dma_wait3A_135 = arith.constant 0 : i32
      %dma_wait3A_136 = tpu.memref_slice %arg11[%dma_wait3A_135] : memref<10240xf32, #tpu.memory_space<vmem_shared>> -> memref<10240xf32, #tpu.memory_space<vmem_shared>>
      tpu.wait_indirect_dma semaphore(%arg13 : memref<!tpu.dma_semaphore, #tpu.memory_space<semaphore_mem>>) src(%arg9 : memref<128xf32, #tpu.memory_space<vmem>>) dst(%dma_wait3A_136 : memref<10240xf32, #tpu.memory_space<vmem_shared>>)
      %dma_wait3A_137 = arith.constant 0 : i32
      %dma_wait3A_138 = tpu.memref_slice %arg7[%add3A_87, %dma_wait3A_137] : memref<80x128xi32, #tpu.memory_space<vmem>> -> memref<1x128xi32, #tpu.memory_space<vmem>>
      %dma_wait3A_139 = tpu.memref_squeeze %dma_wait3A_138 : memref<1x128xi32, #tpu.memory_space<vmem>> -> memref<128xi32, #tpu.memory_space<vmem>>
      %dma_wait3A_140 = arith.constant 0 : i32
      %dma_wait3A_141 = tpu.memref_slice %arg10[%dma_wait3A_140] : memref<10240xf32, #tpu.memory_space<vmem_shared>> -> memref<10240xf32, #tpu.memory_space<vmem_shared>>
      tpu.wait_indirect_dma semaphore(%arg12 : memref<!tpu.dma_semaphore, #tpu.memory_space<semaphore_mem>>) src(%arg9 : memref<128xf32, #tpu.memory_space<vmem>>) dst(%dma_wait3A_141 : memref<10240xf32, #tpu.memory_space<vmem_shared>>)
      %dma_wait3A_142 = arith.constant 0 : i32
      %dma_wait3A_143 = tpu.memref_slice %arg8[%add3A_94, %dma_wait3A_142] : memref<80x128xi32, #tpu.memory_space<vmem>> -> memref<1x128xi32, #tpu.memory_space<vmem>>
      %dma_wait3A_144 = tpu.memref_squeeze %dma_wait3A_143 : memref<1x128xi32, #tpu.memory_space<vmem>> -> memref<128xi32, #tpu.memory_space<vmem>>
      %dma_wait3A_145 = arith.constant 0 : i32
      %dma_wait3A_146 = tpu.memref_slice %arg11[%dma_wait3A_145] : memref<10240xf32, #tpu.memory_space<vmem_shared>> -> memref<10240xf32, #tpu.memory_space<vmem_shared>>
      tpu.wait_indirect_dma semaphore(%arg13 : memref<!tpu.dma_semaphore, #tpu.memory_space<semaphore_mem>>) src(%arg9 : memref<128xf32, #tpu.memory_space<vmem>>) dst(%dma_wait3A_146 : memref<10240xf32, #tpu.memory_space<vmem_shared>>)
      %dma_wait3A_147 = arith.constant 0 : i32
      %dma_wait3A_148 = tpu.memref_slice %arg7[%add3A_101, %dma_wait3A_147] : memref<80x128xi32, #tpu.memory_space<vmem>> -> memref<1x128xi32, #tpu.memory_space<vmem>>
      %dma_wait3A_149 = tpu.memref_squeeze %dma_wait3A_148 : memref<1x128xi32, #tpu.memory_space<vmem>> -> memref<128xi32, #tpu.memory_space<vmem>>
      %dma_wait3A_150 = arith.constant 0 : i32
      %dma_wait3A_151 = tpu.memref_slice %arg10[%dma_wait3A_150] : memref<10240xf32, #tpu.memory_space<vmem_shared>> -> memref<10240xf32, #tpu.memory_space<vmem_shared>>
      tpu.wait_indirect_dma semaphore(%arg12 : memref<!tpu.dma_semaphore, #tpu.memory_space<semaphore_mem>>) src(%arg9 : memref<128xf32, #tpu.memory_space<vmem>>) dst(%dma_wait3A_151 : memref<10240xf32, #tpu.memory_space<vmem_shared>>)
      %dma_wait3A_152 = arith.constant 0 : i32
      %dma_wait3A_153 = tpu.memref_slice %arg8[%add3A_108, %dma_wait3A_152] : memref<80x128xi32, #tpu.memory_space<vmem>> -> memref<1x128xi32, #tpu.memory_space<vmem>>
      %dma_wait3A_154 = tpu.memref_squeeze %dma_wait3A_153 : memref<1x128xi32, #tpu.memory_space<vmem>> -> memref<128xi32, #tpu.memory_space<vmem>>
      %dma_wait3A_155 = arith.constant 0 : i32
      %dma_wait3A_156 = tpu.memref_slice %arg11[%dma_wait3A_155] : memref<10240xf32, #tpu.memory_space<vmem_shared>> -> memref<10240xf32, #tpu.memory_space<vmem_shared>>
      tpu.wait_indirect_dma semaphore(%arg13 : memref<!tpu.dma_semaphore, #tpu.memory_space<semaphore_mem>>) src(%arg9 : memref<128xf32, #tpu.memory_space<vmem>>) dst(%dma_wait3A_156 : memref<10240xf32, #tpu.memory_space<vmem_shared>>)
      %dma_wait3A_157 = arith.constant 0 : i32
      %dma_wait3A_158 = tpu.memref_slice %arg7[%add3A_115, %dma_wait3A_157] : memref<80x128xi32, #tpu.memory_space<vmem>> -> memref<1x128xi32, #tpu.memory_space<vmem>>
      %dma_wait3A_159 = tpu.memref_squeeze %dma_wait3A_158 : memref<1x128xi32, #tpu.memory_space<vmem>> -> memref<128xi32, #tpu.memory_space<vmem>>
      %dma_wait3A_160 = arith.constant 0 : i32
      %dma_wait3A_161 = tpu.memref_slice %arg10[%dma_wait3A_160] : memref<10240xf32, #tpu.memory_space<vmem_shared>> -> memref<10240xf32, #tpu.memory_space<vmem_shared>>
      tpu.wait_indirect_dma semaphore(%arg12 : memref<!tpu.dma_semaphore, #tpu.memory_space<semaphore_mem>>) src(%arg9 : memref<128xf32, #tpu.memory_space<vmem>>) dst(%dma_wait3A_161 : memref<10240xf32, #tpu.memory_space<vmem_shared>>)
      %dma_wait3A_162 = arith.constant 0 : i32
      %dma_wait3A_163 = tpu.memref_slice %arg8[%add3A_122, %dma_wait3A_162] : memref<80x128xi32, #tpu.memory_space<vmem>> -> memref<1x128xi32, #tpu.memory_space<vmem>>
      %dma_wait3A_164 = tpu.memref_squeeze %dma_wait3A_163 : memref<1x128xi32, #tpu.memory_space<vmem>> -> memref<128xi32, #tpu.memory_space<vmem>>
      %dma_wait3A_165 = arith.constant 0 : i32
      %dma_wait3A_166 = tpu.memref_slice %arg11[%dma_wait3A_165] : memref<10240xf32, #tpu.memory_space<vmem_shared>> -> memref<10240xf32, #tpu.memory_space<vmem_shared>>
      tpu.wait_indirect_dma semaphore(%arg13 : memref<!tpu.dma_semaphore, #tpu.memory_space<semaphore_mem>>) src(%arg9 : memref<128xf32, #tpu.memory_space<vmem>>) dst(%dma_wait3A_166 : memref<10240xf32, #tpu.memory_space<vmem_shared>>)
    }
    %barrier3A_61 = arith.constant 0 : index
    tpu.barrier barrier_id(%barrier3A_61)
    %mul3A_62 = arith.constant 640 : i32
    %mul3A_63 = arith.muli %arg1, %mul3A_62 : i32
    %mul3A_64 = arith.constant 640 : i32
    %mul3A_65 = arith.muli %arg1, %mul3A_64 : i32
    "tpu.region"() ({
      %run_scoped3A = tpu.sem_alloc : memref<!tpu.dma_semaphore, #tpu.memory_space<semaphore_mem>>
      %dma_start3A = tpu.memref_slice %arg5[%arg0, %mul3A_65] : memref<2x10240xf32, #tpu.memory_space<hbm>> -> memref<1x640xf32, #tpu.memory_space<hbm>>
      %dma_start3A_70 = tpu.memref_squeeze %dma_start3A : memref<1x640xf32, #tpu.memory_space<hbm>> -> memref<640xf32, #tpu.memory_space<hbm>>
      %dma_start3A_71 = tpu.memref_slice %arg10[%mul3A_63] : memref<10240xf32, #tpu.memory_space<vmem_shared>> -> memref<640xf32, #tpu.memory_space<vmem_shared>>
      tpu.enqueue_dma source(%dma_start3A_71 : memref<640xf32, #tpu.memory_space<vmem_shared>>) target(%dma_start3A_70 : memref<640xf32, #tpu.memory_space<hbm>>) target_semaphore(%run_scoped3A : memref<!tpu.dma_semaphore, #tpu.memory_space<semaphore_mem>>)
      %dma_wait3A = tpu.memref_slice %arg5[%arg0, %mul3A_65] : memref<2x10240xf32, #tpu.memory_space<hbm>> -> memref<1x640xf32, #tpu.memory_space<hbm>>
      %dma_wait3A_72 = tpu.memref_squeeze %dma_wait3A : memref<1x640xf32, #tpu.memory_space<hbm>> -> memref<640xf32, #tpu.memory_space<hbm>>
      %dma_wait3A_73 = tpu.memref_slice %arg10[%mul3A_63] : memref<10240xf32, #tpu.memory_space<vmem_shared>> -> memref<640xf32, #tpu.memory_space<vmem_shared>>
      tpu.wait_dma2 semaphore(%run_scoped3A : memref<!tpu.dma_semaphore, #tpu.memory_space<semaphore_mem>>) src(%dma_wait3A_73 : memref<640xf32, #tpu.memory_space<vmem_shared>>) dst(%dma_wait3A_72 : memref<640xf32, #tpu.memory_space<hbm>>)
      tpu.yield
    }) : () -> ()
    %mul3A_66 = arith.constant 640 : i32
    %mul3A_67 = arith.muli %arg1, %mul3A_66 : i32
    %mul3A_68 = arith.constant 640 : i32
    %mul3A_69 = arith.muli %arg1, %mul3A_68 : i32
    "tpu.region"() ({
      %run_scoped3A = tpu.sem_alloc : memref<!tpu.dma_semaphore, #tpu.memory_space<semaphore_mem>>
      %dma_start3A = tpu.memref_slice %arg6[%arg0, %mul3A_69] : memref<2x10240xf32, #tpu.memory_space<hbm>> -> memref<1x640xf32, #tpu.memory_space<hbm>>
      %dma_start3A_70 = tpu.memref_squeeze %dma_start3A : memref<1x640xf32, #tpu.memory_space<hbm>> -> memref<640xf32, #tpu.memory_space<hbm>>
      %dma_start3A_71 = tpu.memref_slice %arg11[%mul3A_67] : memref<10240xf32, #tpu.memory_space<vmem_shared>> -> memref<640xf32, #tpu.memory_space<vmem_shared>>
      tpu.enqueue_dma source(%dma_start3A_71 : memref<640xf32, #tpu.memory_space<vmem_shared>>) target(%dma_start3A_70 : memref<640xf32, #tpu.memory_space<hbm>>) target_semaphore(%run_scoped3A : memref<!tpu.dma_semaphore, #tpu.memory_space<semaphore_mem>>)
      %dma_wait3A = tpu.memref_slice %arg6[%arg0, %mul3A_69] : memref<2x10240xf32, #tpu.memory_space<hbm>> -> memref<1x640xf32, #tpu.memory_space<hbm>>
      %dma_wait3A_72 = tpu.memref_squeeze %dma_wait3A : memref<1x640xf32, #tpu.memory_space<hbm>> -> memref<640xf32, #tpu.memory_space<hbm>>
      %dma_wait3A_73 = tpu.memref_slice %arg11[%mul3A_67] : memref<10240xf32, #tpu.memory_space<vmem_shared>> -> memref<640xf32, #tpu.memory_space<vmem_shared>>
      tpu.wait_dma2 semaphore(%run_scoped3A : memref<!tpu.dma_semaphore, #tpu.memory_space<semaphore_mem>>) src(%dma_wait3A_73 : memref<640xf32, #tpu.memory_space<vmem_shared>>) dst(%dma_wait3A_72 : memref<640xf32, #tpu.memory_space<hbm>>)
      tpu.yield
    }) : () -> ()
    return
  }
}

#map = affine_map<(d0, d1) -> (0, 0)>
#map1 = affine_map<(d0, d1) -> (0)>
#map2 = affine_map<(d0, d1) -> (0, 0, 0)>
module attributes {stable_mosaic.version = 14 : i64} {
  func.func @_spmm_sc(%arg0: i32, %arg1: i32, %arg2: memref<10240x128xf32, #tpu.memory_space<hbm>>, %arg3: memref<327680xi32, #tpu.memory_space<hbm>>, %arg4: memref<327680xi32, #tpu.memory_space<hbm>>, %arg5: memref<64x128xf32, #tpu.memory_space<hbm>>, %arg6: memref<2x10240x128xf32, #tpu.memory_space<hbm>>, %arg7: memref<128xi32, #tpu.memory_space<vmem>>, %arg8: memref<128xi32, #tpu.memory_space<vmem>>, %arg9: memref<128xi32, #tpu.memory_space<vmem>>, %arg10: memref<128xi32, #tpu.memory_space<vmem>>, %arg11: memref<128x128xf32, #tpu.memory_space<vmem>>, %arg12: memref<128x128xf32, #tpu.memory_space<vmem>>, %arg13: memref<10240x128xf32, #tpu.memory_space<vmem_shared>>, %arg14: memref<!tpu.dma_semaphore, #tpu.memory_space<semaphore_mem>>, %arg15: memref<!tpu.dma_semaphore, #tpu.memory_space<semaphore_mem>>, %arg16: memref<!tpu.dma_semaphore, #tpu.memory_space<semaphore_mem>>) attributes {dimension_semantics = [#tpu.dimension_semantics<core_parallel>, #tpu.dimension_semantics<subcore_parallel>], iteration_bounds = array<i64: 2, 16>, scalar_prefetch = 0 : i64, scratch_operands = 10 : i64, tpu.core_type = #tpu.core_type<sc_vector_subcore>, window_params = [{transform_indices = #map}, {transform_indices = #map1}, {transform_indices = #map1}, {transform_indices = #map}, {transform_indices = #map2}]} {
    %mul3A = arith.constant 2 : i32
    %mul3A_0 = arith.muli %arg1, %mul3A : i32
    %add3A = arith.addi %mul3A_0, %arg0 : i32
    %mul3A_1 = arith.constant 640 : i32
    %mul3A_2 = arith.muli %arg1, %mul3A_1 : i32
    %add3A_3 = arith.constant 0 : i32
    %add3A_4 = arith.addi %mul3A_2, %add3A_3 : i32
    %dma_start3A = arith.constant 0 : i32
    %dma_start3A_5 = tpu.memref_slice %arg13[%add3A_4, %dma_start3A] : memref<10240x128xf32, #tpu.memory_space<vmem_shared>> -> memref<64x128xf32, #tpu.memory_space<vmem_shared>>
    %dma_start3A_6 = arith.constant 0 : i32
    %dma_start3A_7 = arith.constant 0 : i32
    %dma_start3A_8 = tpu.memref_slice %arg5[%dma_start3A_6, %dma_start3A_7] : memref<64x128xf32, #tpu.memory_space<hbm>> -> memref<64x128xf32, #tpu.memory_space<hbm>>
    tpu.enqueue_dma source(%dma_start3A_8 : memref<64x128xf32, #tpu.memory_space<hbm>>) target(%dma_start3A_5 : memref<64x128xf32, #tpu.memory_space<vmem_shared>>) target_semaphore(%arg16 : memref<!tpu.dma_semaphore, #tpu.memory_space<semaphore_mem>>)
    %mul3A_9 = arith.constant 640 : i32
    %mul3A_10 = arith.muli %arg1, %mul3A_9 : i32
    %add3A_11 = arith.constant 64 : i32
    %add3A_12 = arith.addi %mul3A_10, %add3A_11 : i32
    %dma_start3A_13 = arith.constant 0 : i32
    %dma_start3A_14 = tpu.memref_slice %arg13[%add3A_12, %dma_start3A_13] : memref<10240x128xf32, #tpu.memory_space<vmem_shared>> -> memref<64x128xf32, #tpu.memory_space<vmem_shared>>
    %dma_start3A_15 = arith.constant 0 : i32
    %dma_start3A_16 = arith.constant 0 : i32
    %dma_start3A_17 = tpu.memref_slice %arg5[%dma_start3A_15, %dma_start3A_16] : memref<64x128xf32, #tpu.memory_space<hbm>> -> memref<64x128xf32, #tpu.memory_space<hbm>>
    tpu.enqueue_dma source(%dma_start3A_17 : memref<64x128xf32, #tpu.memory_space<hbm>>) target(%dma_start3A_14 : memref<64x128xf32, #tpu.memory_space<vmem_shared>>) target_semaphore(%arg16 : memref<!tpu.dma_semaphore, #tpu.memory_space<semaphore_mem>>)
    %mul3A_18 = arith.constant 640 : i32
    %mul3A_19 = arith.muli %arg1, %mul3A_18 : i32
    %add3A_20 = arith.constant 128 : i32
    %add3A_21 = arith.addi %mul3A_19, %add3A_20 : i32
    %dma_start3A_22 = arith.constant 0 : i32
    %dma_start3A_23 = tpu.memref_slice %arg13[%add3A_21, %dma_start3A_22] : memref<10240x128xf32, #tpu.memory_space<vmem_shared>> -> memref<64x128xf32, #tpu.memory_space<vmem_shared>>
    %dma_start3A_24 = arith.constant 0 : i32
    %dma_start3A_25 = arith.constant 0 : i32
    %dma_start3A_26 = tpu.memref_slice %arg5[%dma_start3A_24, %dma_start3A_25] : memref<64x128xf32, #tpu.memory_space<hbm>> -> memref<64x128xf32, #tpu.memory_space<hbm>>
    tpu.enqueue_dma source(%dma_start3A_26 : memref<64x128xf32, #tpu.memory_space<hbm>>) target(%dma_start3A_23 : memref<64x128xf32, #tpu.memory_space<vmem_shared>>) target_semaphore(%arg16 : memref<!tpu.dma_semaphore, #tpu.memory_space<semaphore_mem>>)
    %mul3A_27 = arith.constant 640 : i32
    %mul3A_28 = arith.muli %arg1, %mul3A_27 : i32
    %add3A_29 = arith.constant 192 : i32
    %add3A_30 = arith.addi %mul3A_28, %add3A_29 : i32
    %dma_start3A_31 = arith.constant 0 : i32
    %dma_start3A_32 = tpu.memref_slice %arg13[%add3A_30, %dma_start3A_31] : memref<10240x128xf32, #tpu.memory_space<vmem_shared>> -> memref<64x128xf32, #tpu.memory_space<vmem_shared>>
    %dma_start3A_33 = arith.constant 0 : i32
    %dma_start3A_34 = arith.constant 0 : i32
    %dma_start3A_35 = tpu.memref_slice %arg5[%dma_start3A_33, %dma_start3A_34] : memref<64x128xf32, #tpu.memory_space<hbm>> -> memref<64x128xf32, #tpu.memory_space<hbm>>
    tpu.enqueue_dma source(%dma_start3A_35 : memref<64x128xf32, #tpu.memory_space<hbm>>) target(%dma_start3A_32 : memref<64x128xf32, #tpu.memory_space<vmem_shared>>) target_semaphore(%arg16 : memref<!tpu.dma_semaphore, #tpu.memory_space<semaphore_mem>>)
    %mul3A_36 = arith.constant 640 : i32
    %mul3A_37 = arith.muli %arg1, %mul3A_36 : i32
    %add3A_38 = arith.constant 256 : i32
    %add3A_39 = arith.addi %mul3A_37, %add3A_38 : i32
    %dma_start3A_40 = arith.constant 0 : i32
    %dma_start3A_41 = tpu.memref_slice %arg13[%add3A_39, %dma_start3A_40] : memref<10240x128xf32, #tpu.memory_space<vmem_shared>> -> memref<64x128xf32, #tpu.memory_space<vmem_shared>>
    %dma_start3A_42 = arith.constant 0 : i32
    %dma_start3A_43 = arith.constant 0 : i32
    %dma_start3A_44 = tpu.memref_slice %arg5[%dma_start3A_42, %dma_start3A_43] : memref<64x128xf32, #tpu.memory_space<hbm>> -> memref<64x128xf32, #tpu.memory_space<hbm>>
    tpu.enqueue_dma source(%dma_start3A_44 : memref<64x128xf32, #tpu.memory_space<hbm>>) target(%dma_start3A_41 : memref<64x128xf32, #tpu.memory_space<vmem_shared>>) target_semaphore(%arg16 : memref<!tpu.dma_semaphore, #tpu.memory_space<semaphore_mem>>)
    %mul3A_45 = arith.constant 640 : i32
    %mul3A_46 = arith.muli %arg1, %mul3A_45 : i32
    %add3A_47 = arith.constant 320 : i32
    %add3A_48 = arith.addi %mul3A_46, %add3A_47 : i32
    %dma_start3A_49 = arith.constant 0 : i32
    %dma_start3A_50 = tpu.memref_slice %arg13[%add3A_48, %dma_start3A_49] : memref<10240x128xf32, #tpu.memory_space<vmem_shared>> -> memref<64x128xf32, #tpu.memory_space<vmem_shared>>
    %dma_start3A_51 = arith.constant 0 : i32
    %dma_start3A_52 = arith.constant 0 : i32
    %dma_start3A_53 = tpu.memref_slice %arg5[%dma_start3A_51, %dma_start3A_52] : memref<64x128xf32, #tpu.memory_space<hbm>> -> memref<64x128xf32, #tpu.memory_space<hbm>>
    tpu.enqueue_dma source(%dma_start3A_53 : memref<64x128xf32, #tpu.memory_space<hbm>>) target(%dma_start3A_50 : memref<64x128xf32, #tpu.memory_space<vmem_shared>>) target_semaphore(%arg16 : memref<!tpu.dma_semaphore, #tpu.memory_space<semaphore_mem>>)
    %mul3A_54 = arith.constant 640 : i32
    %mul3A_55 = arith.muli %arg1, %mul3A_54 : i32
    %add3A_56 = arith.constant 384 : i32
    %add3A_57 = arith.addi %mul3A_55, %add3A_56 : i32
    %dma_start3A_58 = arith.constant 0 : i32
    %dma_start3A_59 = tpu.memref_slice %arg13[%add3A_57, %dma_start3A_58] : memref<10240x128xf32, #tpu.memory_space<vmem_shared>> -> memref<64x128xf32, #tpu.memory_space<vmem_shared>>
    %dma_start3A_60 = arith.constant 0 : i32
    %dma_start3A_61 = arith.constant 0 : i32
    %dma_start3A_62 = tpu.memref_slice %arg5[%dma_start3A_60, %dma_start3A_61] : memref<64x128xf32, #tpu.memory_space<hbm>> -> memref<64x128xf32, #tpu.memory_space<hbm>>
    tpu.enqueue_dma source(%dma_start3A_62 : memref<64x128xf32, #tpu.memory_space<hbm>>) target(%dma_start3A_59 : memref<64x128xf32, #tpu.memory_space<vmem_shared>>) target_semaphore(%arg16 : memref<!tpu.dma_semaphore, #tpu.memory_space<semaphore_mem>>)
    %mul3A_63 = arith.constant 640 : i32
    %mul3A_64 = arith.muli %arg1, %mul3A_63 : i32
    %add3A_65 = arith.constant 448 : i32
    %add3A_66 = arith.addi %mul3A_64, %add3A_65 : i32
    %dma_start3A_67 = arith.constant 0 : i32
    %dma_start3A_68 = tpu.memref_slice %arg13[%add3A_66, %dma_start3A_67] : memref<10240x128xf32, #tpu.memory_space<vmem_shared>> -> memref<64x128xf32, #tpu.memory_space<vmem_shared>>
    %dma_start3A_69 = arith.constant 0 : i32
    %dma_start3A_70 = arith.constant 0 : i32
    %dma_start3A_71 = tpu.memref_slice %arg5[%dma_start3A_69, %dma_start3A_70] : memref<64x128xf32, #tpu.memory_space<hbm>> -> memref<64x128xf32, #tpu.memory_space<hbm>>
    tpu.enqueue_dma source(%dma_start3A_71 : memref<64x128xf32, #tpu.memory_space<hbm>>) target(%dma_start3A_68 : memref<64x128xf32, #tpu.memory_space<vmem_shared>>) target_semaphore(%arg16 : memref<!tpu.dma_semaphore, #tpu.memory_space<semaphore_mem>>)
    %mul3A_72 = arith.constant 640 : i32
    %mul3A_73 = arith.muli %arg1, %mul3A_72 : i32
    %add3A_74 = arith.constant 512 : i32
    %add3A_75 = arith.addi %mul3A_73, %add3A_74 : i32
    %dma_start3A_76 = arith.constant 0 : i32
    %dma_start3A_77 = tpu.memref_slice %arg13[%add3A_75, %dma_start3A_76] : memref<10240x128xf32, #tpu.memory_space<vmem_shared>> -> memref<64x128xf32, #tpu.memory_space<vmem_shared>>
    %dma_start3A_78 = arith.constant 0 : i32
    %dma_start3A_79 = arith.constant 0 : i32
    %dma_start3A_80 = tpu.memref_slice %arg5[%dma_start3A_78, %dma_start3A_79] : memref<64x128xf32, #tpu.memory_space<hbm>> -> memref<64x128xf32, #tpu.memory_space<hbm>>
    tpu.enqueue_dma source(%dma_start3A_80 : memref<64x128xf32, #tpu.memory_space<hbm>>) target(%dma_start3A_77 : memref<64x128xf32, #tpu.memory_space<vmem_shared>>) target_semaphore(%arg16 : memref<!tpu.dma_semaphore, #tpu.memory_space<semaphore_mem>>)
    %mul3A_81 = arith.constant 640 : i32
    %mul3A_82 = arith.muli %arg1, %mul3A_81 : i32
    %add3A_83 = arith.constant 576 : i32
    %add3A_84 = arith.addi %mul3A_82, %add3A_83 : i32
    %dma_start3A_85 = arith.constant 0 : i32
    %dma_start3A_86 = tpu.memref_slice %arg13[%add3A_84, %dma_start3A_85] : memref<10240x128xf32, #tpu.memory_space<vmem_shared>> -> memref<64x128xf32, #tpu.memory_space<vmem_shared>>
    %dma_start3A_87 = arith.constant 0 : i32
    %dma_start3A_88 = arith.constant 0 : i32
    %dma_start3A_89 = tpu.memref_slice %arg5[%dma_start3A_87, %dma_start3A_88] : memref<64x128xf32, #tpu.memory_space<hbm>> -> memref<64x128xf32, #tpu.memory_space<hbm>>
    tpu.enqueue_dma source(%dma_start3A_89 : memref<64x128xf32, #tpu.memory_space<hbm>>) target(%dma_start3A_86 : memref<64x128xf32, #tpu.memory_space<vmem_shared>>) target_semaphore(%arg16 : memref<!tpu.dma_semaphore, #tpu.memory_space<semaphore_mem>>)
    %mul3A_90 = arith.constant 640 : i32
    %mul3A_91 = arith.muli %arg1, %mul3A_90 : i32
    %add3A_92 = arith.constant 0 : i32
    %add3A_93 = arith.addi %mul3A_91, %add3A_92 : i32
    %dma_wait3A = arith.constant 0 : i32
    %dma_wait3A_94 = tpu.memref_slice %arg13[%add3A_93, %dma_wait3A] : memref<10240x128xf32, #tpu.memory_space<vmem_shared>> -> memref<64x128xf32, #tpu.memory_space<vmem_shared>>
    %dma_wait3A_95 = arith.constant 0 : i32
    %dma_wait3A_96 = arith.constant 0 : i32
    %dma_wait3A_97 = tpu.memref_slice %arg5[%dma_wait3A_95, %dma_wait3A_96] : memref<64x128xf32, #tpu.memory_space<hbm>> -> memref<64x128xf32, #tpu.memory_space<hbm>>
    tpu.wait_dma2 semaphore(%arg16 : memref<!tpu.dma_semaphore, #tpu.memory_space<semaphore_mem>>) src(%dma_wait3A_97 : memref<64x128xf32, #tpu.memory_space<hbm>>) dst(%dma_wait3A_94 : memref<64x128xf32, #tpu.memory_space<vmem_shared>>)
    %mul3A_98 = arith.constant 640 : i32
    %mul3A_99 = arith.muli %arg1, %mul3A_98 : i32
    %add3A_100 = arith.constant 64 : i32
    %add3A_101 = arith.addi %mul3A_99, %add3A_100 : i32
    %dma_wait3A_102 = arith.constant 0 : i32
    %dma_wait3A_103 = tpu.memref_slice %arg13[%add3A_101, %dma_wait3A_102] : memref<10240x128xf32, #tpu.memory_space<vmem_shared>> -> memref<64x128xf32, #tpu.memory_space<vmem_shared>>
    %dma_wait3A_104 = arith.constant 0 : i32
    %dma_wait3A_105 = arith.constant 0 : i32
    %dma_wait3A_106 = tpu.memref_slice %arg5[%dma_wait3A_104, %dma_wait3A_105] : memref<64x128xf32, #tpu.memory_space<hbm>> -> memref<64x128xf32, #tpu.memory_space<hbm>>
    tpu.wait_dma2 semaphore(%arg16 : memref<!tpu.dma_semaphore, #tpu.memory_space<semaphore_mem>>) src(%dma_wait3A_106 : memref<64x128xf32, #tpu.memory_space<hbm>>) dst(%dma_wait3A_103 : memref<64x128xf32, #tpu.memory_space<vmem_shared>>)
    %mul3A_107 = arith.constant 640 : i32
    %mul3A_108 = arith.muli %arg1, %mul3A_107 : i32
    %add3A_109 = arith.constant 128 : i32
    %add3A_110 = arith.addi %mul3A_108, %add3A_109 : i32
    %dma_wait3A_111 = arith.constant 0 : i32
    %dma_wait3A_112 = tpu.memref_slice %arg13[%add3A_110, %dma_wait3A_111] : memref<10240x128xf32, #tpu.memory_space<vmem_shared>> -> memref<64x128xf32, #tpu.memory_space<vmem_shared>>
    %dma_wait3A_113 = arith.constant 0 : i32
    %dma_wait3A_114 = arith.constant 0 : i32
    %dma_wait3A_115 = tpu.memref_slice %arg5[%dma_wait3A_113, %dma_wait3A_114] : memref<64x128xf32, #tpu.memory_space<hbm>> -> memref<64x128xf32, #tpu.memory_space<hbm>>
    tpu.wait_dma2 semaphore(%arg16 : memref<!tpu.dma_semaphore, #tpu.memory_space<semaphore_mem>>) src(%dma_wait3A_115 : memref<64x128xf32, #tpu.memory_space<hbm>>) dst(%dma_wait3A_112 : memref<64x128xf32, #tpu.memory_space<vmem_shared>>)
    %mul3A_116 = arith.constant 640 : i32
    %mul3A_117 = arith.muli %arg1, %mul3A_116 : i32
    %add3A_118 = arith.constant 192 : i32
    %add3A_119 = arith.addi %mul3A_117, %add3A_118 : i32
    %dma_wait3A_120 = arith.constant 0 : i32
    %dma_wait3A_121 = tpu.memref_slice %arg13[%add3A_119, %dma_wait3A_120] : memref<10240x128xf32, #tpu.memory_space<vmem_shared>> -> memref<64x128xf32, #tpu.memory_space<vmem_shared>>
    %dma_wait3A_122 = arith.constant 0 : i32
    %dma_wait3A_123 = arith.constant 0 : i32
    %dma_wait3A_124 = tpu.memref_slice %arg5[%dma_wait3A_122, %dma_wait3A_123] : memref<64x128xf32, #tpu.memory_space<hbm>> -> memref<64x128xf32, #tpu.memory_space<hbm>>
    tpu.wait_dma2 semaphore(%arg16 : memref<!tpu.dma_semaphore, #tpu.memory_space<semaphore_mem>>) src(%dma_wait3A_124 : memref<64x128xf32, #tpu.memory_space<hbm>>) dst(%dma_wait3A_121 : memref<64x128xf32, #tpu.memory_space<vmem_shared>>)
    %mul3A_125 = arith.constant 640 : i32
    %mul3A_126 = arith.muli %arg1, %mul3A_125 : i32
    %add3A_127 = arith.constant 256 : i32
    %add3A_128 = arith.addi %mul3A_126, %add3A_127 : i32
    %dma_wait3A_129 = arith.constant 0 : i32
    %dma_wait3A_130 = tpu.memref_slice %arg13[%add3A_128, %dma_wait3A_129] : memref<10240x128xf32, #tpu.memory_space<vmem_shared>> -> memref<64x128xf32, #tpu.memory_space<vmem_shared>>
    %dma_wait3A_131 = arith.constant 0 : i32
    %dma_wait3A_132 = arith.constant 0 : i32
    %dma_wait3A_133 = tpu.memref_slice %arg5[%dma_wait3A_131, %dma_wait3A_132] : memref<64x128xf32, #tpu.memory_space<hbm>> -> memref<64x128xf32, #tpu.memory_space<hbm>>
    tpu.wait_dma2 semaphore(%arg16 : memref<!tpu.dma_semaphore, #tpu.memory_space<semaphore_mem>>) src(%dma_wait3A_133 : memref<64x128xf32, #tpu.memory_space<hbm>>) dst(%dma_wait3A_130 : memref<64x128xf32, #tpu.memory_space<vmem_shared>>)
    %mul3A_134 = arith.constant 640 : i32
    %mul3A_135 = arith.muli %arg1, %mul3A_134 : i32
    %add3A_136 = arith.constant 320 : i32
    %add3A_137 = arith.addi %mul3A_135, %add3A_136 : i32
    %dma_wait3A_138 = arith.constant 0 : i32
    %dma_wait3A_139 = tpu.memref_slice %arg13[%add3A_137, %dma_wait3A_138] : memref<10240x128xf32, #tpu.memory_space<vmem_shared>> -> memref<64x128xf32, #tpu.memory_space<vmem_shared>>
    %dma_wait3A_140 = arith.constant 0 : i32
    %dma_wait3A_141 = arith.constant 0 : i32
    %dma_wait3A_142 = tpu.memref_slice %arg5[%dma_wait3A_140, %dma_wait3A_141] : memref<64x128xf32, #tpu.memory_space<hbm>> -> memref<64x128xf32, #tpu.memory_space<hbm>>
    tpu.wait_dma2 semaphore(%arg16 : memref<!tpu.dma_semaphore, #tpu.memory_space<semaphore_mem>>) src(%dma_wait3A_142 : memref<64x128xf32, #tpu.memory_space<hbm>>) dst(%dma_wait3A_139 : memref<64x128xf32, #tpu.memory_space<vmem_shared>>)
    %mul3A_143 = arith.constant 640 : i32
    %mul3A_144 = arith.muli %arg1, %mul3A_143 : i32
    %add3A_145 = arith.constant 384 : i32
    %add3A_146 = arith.addi %mul3A_144, %add3A_145 : i32
    %dma_wait3A_147 = arith.constant 0 : i32
    %dma_wait3A_148 = tpu.memref_slice %arg13[%add3A_146, %dma_wait3A_147] : memref<10240x128xf32, #tpu.memory_space<vmem_shared>> -> memref<64x128xf32, #tpu.memory_space<vmem_shared>>
    %dma_wait3A_149 = arith.constant 0 : i32
    %dma_wait3A_150 = arith.constant 0 : i32
    %dma_wait3A_151 = tpu.memref_slice %arg5[%dma_wait3A_149, %dma_wait3A_150] : memref<64x128xf32, #tpu.memory_space<hbm>> -> memref<64x128xf32, #tpu.memory_space<hbm>>
    tpu.wait_dma2 semaphore(%arg16 : memref<!tpu.dma_semaphore, #tpu.memory_space<semaphore_mem>>) src(%dma_wait3A_151 : memref<64x128xf32, #tpu.memory_space<hbm>>) dst(%dma_wait3A_148 : memref<64x128xf32, #tpu.memory_space<vmem_shared>>)
    %mul3A_152 = arith.constant 640 : i32
    %mul3A_153 = arith.muli %arg1, %mul3A_152 : i32
    %add3A_154 = arith.constant 448 : i32
    %add3A_155 = arith.addi %mul3A_153, %add3A_154 : i32
    %dma_wait3A_156 = arith.constant 0 : i32
    %dma_wait3A_157 = tpu.memref_slice %arg13[%add3A_155, %dma_wait3A_156] : memref<10240x128xf32, #tpu.memory_space<vmem_shared>> -> memref<64x128xf32, #tpu.memory_space<vmem_shared>>
    %dma_wait3A_158 = arith.constant 0 : i32
    %dma_wait3A_159 = arith.constant 0 : i32
    %dma_wait3A_160 = tpu.memref_slice %arg5[%dma_wait3A_158, %dma_wait3A_159] : memref<64x128xf32, #tpu.memory_space<hbm>> -> memref<64x128xf32, #tpu.memory_space<hbm>>
    tpu.wait_dma2 semaphore(%arg16 : memref<!tpu.dma_semaphore, #tpu.memory_space<semaphore_mem>>) src(%dma_wait3A_160 : memref<64x128xf32, #tpu.memory_space<hbm>>) dst(%dma_wait3A_157 : memref<64x128xf32, #tpu.memory_space<vmem_shared>>)
    %mul3A_161 = arith.constant 640 : i32
    %mul3A_162 = arith.muli %arg1, %mul3A_161 : i32
    %add3A_163 = arith.constant 512 : i32
    %add3A_164 = arith.addi %mul3A_162, %add3A_163 : i32
    %dma_wait3A_165 = arith.constant 0 : i32
    %dma_wait3A_166 = tpu.memref_slice %arg13[%add3A_164, %dma_wait3A_165] : memref<10240x128xf32, #tpu.memory_space<vmem_shared>> -> memref<64x128xf32, #tpu.memory_space<vmem_shared>>
    %dma_wait3A_167 = arith.constant 0 : i32
    %dma_wait3A_168 = arith.constant 0 : i32
    %dma_wait3A_169 = tpu.memref_slice %arg5[%dma_wait3A_167, %dma_wait3A_168] : memref<64x128xf32, #tpu.memory_space<hbm>> -> memref<64x128xf32, #tpu.memory_space<hbm>>
    tpu.wait_dma2 semaphore(%arg16 : memref<!tpu.dma_semaphore, #tpu.memory_space<semaphore_mem>>) src(%dma_wait3A_169 : memref<64x128xf32, #tpu.memory_space<hbm>>) dst(%dma_wait3A_166 : memref<64x128xf32, #tpu.memory_space<vmem_shared>>)
    %mul3A_170 = arith.constant 640 : i32
    %mul3A_171 = arith.muli %arg1, %mul3A_170 : i32
    %add3A_172 = arith.constant 576 : i32
    %add3A_173 = arith.addi %mul3A_171, %add3A_172 : i32
    %dma_wait3A_174 = arith.constant 0 : i32
    %dma_wait3A_175 = tpu.memref_slice %arg13[%add3A_173, %dma_wait3A_174] : memref<10240x128xf32, #tpu.memory_space<vmem_shared>> -> memref<64x128xf32, #tpu.memory_space<vmem_shared>>
    %dma_wait3A_176 = arith.constant 0 : i32
    %dma_wait3A_177 = arith.constant 0 : i32
    %dma_wait3A_178 = tpu.memref_slice %arg5[%dma_wait3A_176, %dma_wait3A_177] : memref<64x128xf32, #tpu.memory_space<hbm>> -> memref<64x128xf32, #tpu.memory_space<hbm>>
    tpu.wait_dma2 semaphore(%arg16 : memref<!tpu.dma_semaphore, #tpu.memory_space<semaphore_mem>>) src(%dma_wait3A_178 : memref<64x128xf32, #tpu.memory_space<hbm>>) dst(%dma_wait3A_175 : memref<64x128xf32, #tpu.memory_space<vmem_shared>>)
    %barrier3A = arith.constant 0 : index
    tpu.barrier barrier_id(%barrier3A)
    %mul3A_179 = arith.constant 10240 : i32
    %mul3A_180 = arith.muli %add3A, %mul3A_179 : i32
    "tpu.region"() ({
      %run_scoped3A = tpu.sem_alloc : memref<!tpu.dma_semaphore, #tpu.memory_space<semaphore_mem>>
      %dma_start3A_206 = tpu.memref_slice %arg3[%mul3A_180] : memref<327680xi32, #tpu.memory_space<hbm>> -> memref<128xi32, #tpu.memory_space<hbm>>
      %dma_start3A_207 = tpu.memref_slice %arg3[%mul3A_180] : memref<327680xi32, #tpu.memory_space<hbm>> -> memref<128xi32, #tpu.memory_space<hbm>>
      tpu.enqueue_dma source(%dma_start3A_207 : memref<128xi32, #tpu.memory_space<hbm>>) target(%arg7 : memref<128xi32, #tpu.memory_space<vmem>>) target_semaphore(%run_scoped3A : memref<!tpu.dma_semaphore, #tpu.memory_space<semaphore_mem>>)
      %dma_wait3A_208 = tpu.memref_slice %arg3[%mul3A_180] : memref<327680xi32, #tpu.memory_space<hbm>> -> memref<128xi32, #tpu.memory_space<hbm>>
      %dma_wait3A_209 = tpu.memref_slice %arg3[%mul3A_180] : memref<327680xi32, #tpu.memory_space<hbm>> -> memref<128xi32, #tpu.memory_space<hbm>>
      tpu.wait_dma2 semaphore(%run_scoped3A : memref<!tpu.dma_semaphore, #tpu.memory_space<semaphore_mem>>) src(%dma_wait3A_209 : memref<128xi32, #tpu.memory_space<hbm>>) dst(%arg7 : memref<128xi32, #tpu.memory_space<vmem>>)
      tpu.yield
    }) : () -> ()
    "tpu.region"() ({
      %run_scoped3A = tpu.sem_alloc : memref<!tpu.dma_semaphore, #tpu.memory_space<semaphore_mem>>
      %dma_start3A_206 = tpu.memref_slice %arg4[%mul3A_180] : memref<327680xi32, #tpu.memory_space<hbm>> -> memref<128xi32, #tpu.memory_space<hbm>>
      %dma_start3A_207 = tpu.memref_slice %arg4[%mul3A_180] : memref<327680xi32, #tpu.memory_space<hbm>> -> memref<128xi32, #tpu.memory_space<hbm>>
      tpu.enqueue_dma source(%dma_start3A_207 : memref<128xi32, #tpu.memory_space<hbm>>) target(%arg9 : memref<128xi32, #tpu.memory_space<vmem>>) target_semaphore(%run_scoped3A : memref<!tpu.dma_semaphore, #tpu.memory_space<semaphore_mem>>)
      %dma_wait3A_208 = tpu.memref_slice %arg4[%mul3A_180] : memref<327680xi32, #tpu.memory_space<hbm>> -> memref<128xi32, #tpu.memory_space<hbm>>
      %dma_wait3A_209 = tpu.memref_slice %arg4[%mul3A_180] : memref<327680xi32, #tpu.memory_space<hbm>> -> memref<128xi32, #tpu.memory_space<hbm>>
      tpu.wait_dma2 semaphore(%run_scoped3A : memref<!tpu.dma_semaphore, #tpu.memory_space<semaphore_mem>>) src(%dma_wait3A_209 : memref<128xi32, #tpu.memory_space<hbm>>) dst(%arg9 : memref<128xi32, #tpu.memory_space<vmem>>)
      tpu.yield
    }) : () -> ()
    %dma_start3A_181 = arith.constant 0 : i32
    %dma_start3A_182 = arith.constant 0 : i32
    %dma_start3A_183 = tpu.memref_slice %arg2[%dma_start3A_181, %dma_start3A_182] : memref<10240x128xf32, #tpu.memory_space<hbm>> -> memref<10240x128xf32, #tpu.memory_space<hbm>>
    tpu.enqueue_indirect_dma source(%dma_start3A_183 : memref<10240x128xf32, #tpu.memory_space<hbm>>) target(%arg11 : memref<128x128xf32, #tpu.memory_space<vmem>>) offsets(%arg7 : memref<128xi32, #tpu.memory_space<vmem>>) semaphore(%arg14 : memref<!tpu.dma_semaphore, #tpu.memory_space<semaphore_mem>>)
    %add3A_184 = arith.constant 128 : i32
    %add3A_185 = arith.addi %mul3A_180, %add3A_184 : i32
    "tpu.region"() ({
      %run_scoped3A = tpu.sem_alloc : memref<!tpu.dma_semaphore, #tpu.memory_space<semaphore_mem>>
      %dma_start3A_206 = tpu.memref_slice %arg3[%add3A_185] : memref<327680xi32, #tpu.memory_space<hbm>> -> memref<128xi32, #tpu.memory_space<hbm>>
      %dma_start3A_207 = tpu.memref_slice %arg3[%add3A_185] : memref<327680xi32, #tpu.memory_space<hbm>> -> memref<128xi32, #tpu.memory_space<hbm>>
      tpu.enqueue_dma source(%dma_start3A_207 : memref<128xi32, #tpu.memory_space<hbm>>) target(%arg8 : memref<128xi32, #tpu.memory_space<vmem>>) target_semaphore(%run_scoped3A : memref<!tpu.dma_semaphore, #tpu.memory_space<semaphore_mem>>)
      %dma_wait3A_208 = tpu.memref_slice %arg3[%add3A_185] : memref<327680xi32, #tpu.memory_space<hbm>> -> memref<128xi32, #tpu.memory_space<hbm>>
      %dma_wait3A_209 = tpu.memref_slice %arg3[%add3A_185] : memref<327680xi32, #tpu.memory_space<hbm>> -> memref<128xi32, #tpu.memory_space<hbm>>
      tpu.wait_dma2 semaphore(%run_scoped3A : memref<!tpu.dma_semaphore, #tpu.memory_space<semaphore_mem>>) src(%dma_wait3A_209 : memref<128xi32, #tpu.memory_space<hbm>>) dst(%arg8 : memref<128xi32, #tpu.memory_space<vmem>>)
      tpu.yield
    }) : () -> ()
    %add3A_186 = arith.constant 128 : i32
    %add3A_187 = arith.addi %mul3A_180, %add3A_186 : i32
    "tpu.region"() ({
      %run_scoped3A = tpu.sem_alloc : memref<!tpu.dma_semaphore, #tpu.memory_space<semaphore_mem>>
      %dma_start3A_206 = tpu.memref_slice %arg4[%add3A_187] : memref<327680xi32, #tpu.memory_space<hbm>> -> memref<128xi32, #tpu.memory_space<hbm>>
      %dma_start3A_207 = tpu.memref_slice %arg4[%add3A_187] : memref<327680xi32, #tpu.memory_space<hbm>> -> memref<128xi32, #tpu.memory_space<hbm>>
      tpu.enqueue_dma source(%dma_start3A_207 : memref<128xi32, #tpu.memory_space<hbm>>) target(%arg10 : memref<128xi32, #tpu.memory_space<vmem>>) target_semaphore(%run_scoped3A : memref<!tpu.dma_semaphore, #tpu.memory_space<semaphore_mem>>)
      %dma_wait3A_208 = tpu.memref_slice %arg4[%add3A_187] : memref<327680xi32, #tpu.memory_space<hbm>> -> memref<128xi32, #tpu.memory_space<hbm>>
      %dma_wait3A_209 = tpu.memref_slice %arg4[%add3A_187] : memref<327680xi32, #tpu.memory_space<hbm>> -> memref<128xi32, #tpu.memory_space<hbm>>
      tpu.wait_dma2 semaphore(%run_scoped3A : memref<!tpu.dma_semaphore, #tpu.memory_space<semaphore_mem>>) src(%dma_wait3A_209 : memref<128xi32, #tpu.memory_space<hbm>>) dst(%arg10 : memref<128xi32, #tpu.memory_space<vmem>>)
      tpu.yield
    }) : () -> ()
    %dma_start3A_188 = arith.constant 0 : i32
    %dma_start3A_189 = arith.constant 0 : i32
    %dma_start3A_190 = tpu.memref_slice %arg2[%dma_start3A_188, %dma_start3A_189] : memref<10240x128xf32, #tpu.memory_space<hbm>> -> memref<10240x128xf32, #tpu.memory_space<hbm>>
    tpu.enqueue_indirect_dma source(%dma_start3A_190 : memref<10240x128xf32, #tpu.memory_space<hbm>>) target(%arg12 : memref<128x128xf32, #tpu.memory_space<vmem>>) offsets(%arg8 : memref<128xi32, #tpu.memory_space<vmem>>) semaphore(%arg15 : memref<!tpu.dma_semaphore, #tpu.memory_space<semaphore_mem>>)
    %while3A = arith.constant 0 : i32
    %while3A_191 = arith.constant 0 : i32
    %while3A_192 = arith.constant 40 : i32
    %while3A_193 = arith.subi %while3A_192, %while3A_191 : i32
    %while3A_194 = arith.addi %while3A_191, %while3A_193 : i32
    %while3A_195 = arith.constant 1 : i32
    %while3A_196 = arith.divsi %while3A_193, %while3A_195 : i32
    %while3A_197 = arith.muli %while3A_196, %while3A_195 : i32
    %while3A_198 = arith.addi %while3A_191, %while3A_197 : i32
    %while3A_199 = arith.constant 1 : i32
    scf.for %while3A_206 = %while3A_191 to %while3A_198 step %while3A_199  : i32 {
      %mul3A_207 = arith.constant 2 : i32
      %mul3A_208 = arith.muli %while3A_206, %mul3A_207 : i32
      %dma_wait3A_209 = arith.constant 0 : i32
      %dma_wait3A_210 = arith.constant 0 : i32
      %dma_wait3A_211 = tpu.memref_slice %arg2[%dma_wait3A_209, %dma_wait3A_210] : memref<10240x128xf32, #tpu.memory_space<hbm>> -> memref<10240x128xf32, #tpu.memory_space<hbm>>
      tpu.wait_indirect_dma semaphore(%arg14 : memref<!tpu.dma_semaphore, #tpu.memory_space<semaphore_mem>>) src(%dma_wait3A_211 : memref<10240x128xf32, #tpu.memory_space<hbm>>) dst(%arg11 : memref<128x128xf32, #tpu.memory_space<vmem>>)
      "tpu.region"() ({
        %run_scoped3A = tpu.sem_alloc : memref<!tpu.dma_semaphore, #tpu.memory_space<semaphore_mem>>
        %dma_start3A_222 = arith.constant 0 : i32
        %dma_start3A_223 = arith.constant 0 : i32
        %dma_start3A_224 = tpu.memref_slice %arg13[%dma_start3A_222, %dma_start3A_223] : memref<10240x128xf32, #tpu.memory_space<vmem_shared>> -> memref<10240x128xf32, #tpu.memory_space<vmem_shared>>
        tpu.enqueue_indirect_dma source(%arg11 : memref<128x128xf32, #tpu.memory_space<vmem>>) target(%dma_start3A_224 : memref<10240x128xf32, #tpu.memory_space<vmem_shared>>) offsets(%arg9 : memref<128xi32, #tpu.memory_space<vmem>>) semaphore(%run_scoped3A : memref<!tpu.dma_semaphore, #tpu.memory_space<semaphore_mem>>) {add = true}
        %dma_wait3A_225 = arith.constant 0 : i32
        %dma_wait3A_226 = arith.constant 0 : i32
        %dma_wait3A_227 = tpu.memref_slice %arg13[%dma_wait3A_225, %dma_wait3A_226] : memref<10240x128xf32, #tpu.memory_space<vmem_shared>> -> memref<10240x128xf32, #tpu.memory_space<vmem_shared>>
        tpu.wait_indirect_dma semaphore(%run_scoped3A : memref<!tpu.dma_semaphore, #tpu.memory_space<semaphore_mem>>) src(%arg11 : memref<128x128xf32, #tpu.memory_space<vmem>>) dst(%dma_wait3A_227 : memref<10240x128xf32, #tpu.memory_space<vmem_shared>>)
        tpu.yield
      }) : () -> ()
      %lt3A = arith.constant 39 : i32
      %lt3A_212 = arith.cmpi slt, %while3A_206, %lt3A : i32
      %convert_element_type3A = arith.extui %lt3A_212 : i1 to i32
      %cond3A = arith.constant 0 : i32
      %cond3A_213 = arith.cmpi ne, %convert_element_type3A, %cond3A : i32
      scf.if %cond3A_213 {
        %add3A_222 = arith.constant 2 : i32
        %add3A_223 = arith.addi %mul3A_208, %add3A_222 : i32
        %mul3A_224 = arith.constant 128 : i32
        %mul3A_225 = arith.muli %add3A_223, %mul3A_224 : i32
        %add3A_226 = arith.addi %mul3A_180, %mul3A_225 : i32
        "tpu.region"() ({
          %run_scoped3A = tpu.sem_alloc : memref<!tpu.dma_semaphore, #tpu.memory_space<semaphore_mem>>
          %dma_start3A_230 = tpu.memref_slice %arg3[%add3A_226] : memref<327680xi32, #tpu.memory_space<hbm>> -> memref<128xi32, #tpu.memory_space<hbm>>
          %dma_start3A_231 = tpu.memref_slice %arg3[%add3A_226] : memref<327680xi32, #tpu.memory_space<hbm>> -> memref<128xi32, #tpu.memory_space<hbm>>
          tpu.enqueue_dma source(%dma_start3A_231 : memref<128xi32, #tpu.memory_space<hbm>>) target(%arg7 : memref<128xi32, #tpu.memory_space<vmem>>) target_semaphore(%run_scoped3A : memref<!tpu.dma_semaphore, #tpu.memory_space<semaphore_mem>>)
          %dma_wait3A_232 = tpu.memref_slice %arg3[%add3A_226] : memref<327680xi32, #tpu.memory_space<hbm>> -> memref<128xi32, #tpu.memory_space<hbm>>
          %dma_wait3A_233 = tpu.memref_slice %arg3[%add3A_226] : memref<327680xi32, #tpu.memory_space<hbm>> -> memref<128xi32, #tpu.memory_space<hbm>>
          tpu.wait_dma2 semaphore(%run_scoped3A : memref<!tpu.dma_semaphore, #tpu.memory_space<semaphore_mem>>) src(%dma_wait3A_233 : memref<128xi32, #tpu.memory_space<hbm>>) dst(%arg7 : memref<128xi32, #tpu.memory_space<vmem>>)
          tpu.yield
        }) : () -> ()
        "tpu.region"() ({
          %run_scoped3A = tpu.sem_alloc : memref<!tpu.dma_semaphore, #tpu.memory_space<semaphore_mem>>
          %dma_start3A_230 = tpu.memref_slice %arg4[%add3A_226] : memref<327680xi32, #tpu.memory_space<hbm>> -> memref<128xi32, #tpu.memory_space<hbm>>
          %dma_start3A_231 = tpu.memref_slice %arg4[%add3A_226] : memref<327680xi32, #tpu.memory_space<hbm>> -> memref<128xi32, #tpu.memory_space<hbm>>
          tpu.enqueue_dma source(%dma_start3A_231 : memref<128xi32, #tpu.memory_space<hbm>>) target(%arg9 : memref<128xi32, #tpu.memory_space<vmem>>) target_semaphore(%run_scoped3A : memref<!tpu.dma_semaphore, #tpu.memory_space<semaphore_mem>>)
          %dma_wait3A_232 = tpu.memref_slice %arg4[%add3A_226] : memref<327680xi32, #tpu.memory_space<hbm>> -> memref<128xi32, #tpu.memory_space<hbm>>
          %dma_wait3A_233 = tpu.memref_slice %arg4[%add3A_226] : memref<327680xi32, #tpu.memory_space<hbm>> -> memref<128xi32, #tpu.memory_space<hbm>>
          tpu.wait_dma2 semaphore(%run_scoped3A : memref<!tpu.dma_semaphore, #tpu.memory_space<semaphore_mem>>) src(%dma_wait3A_233 : memref<128xi32, #tpu.memory_space<hbm>>) dst(%arg9 : memref<128xi32, #tpu.memory_space<vmem>>)
          tpu.yield
        }) : () -> ()
        %dma_start3A_227 = arith.constant 0 : i32
        %dma_start3A_228 = arith.constant 0 : i32
        %dma_start3A_229 = tpu.memref_slice %arg2[%dma_start3A_227, %dma_start3A_228] : memref<10240x128xf32, #tpu.memory_space<hbm>> -> memref<10240x128xf32, #tpu.memory_space<hbm>>
        tpu.enqueue_indirect_dma source(%dma_start3A_229 : memref<10240x128xf32, #tpu.memory_space<hbm>>) target(%arg11 : memref<128x128xf32, #tpu.memory_space<vmem>>) offsets(%arg7 : memref<128xi32, #tpu.memory_space<vmem>>) semaphore(%arg14 : memref<!tpu.dma_semaphore, #tpu.memory_space<semaphore_mem>>)
      } else {
      }
      %dma_wait3A_214 = arith.constant 0 : i32
      %dma_wait3A_215 = arith.constant 0 : i32
      %dma_wait3A_216 = tpu.memref_slice %arg2[%dma_wait3A_214, %dma_wait3A_215] : memref<10240x128xf32, #tpu.memory_space<hbm>> -> memref<10240x128xf32, #tpu.memory_space<hbm>>
      tpu.wait_indirect_dma semaphore(%arg15 : memref<!tpu.dma_semaphore, #tpu.memory_space<semaphore_mem>>) src(%dma_wait3A_216 : memref<10240x128xf32, #tpu.memory_space<hbm>>) dst(%arg12 : memref<128x128xf32, #tpu.memory_space<vmem>>)
      "tpu.region"() ({
        %run_scoped3A = tpu.sem_alloc : memref<!tpu.dma_semaphore, #tpu.memory_space<semaphore_mem>>
        %dma_start3A_222 = arith.constant 0 : i32
        %dma_start3A_223 = arith.constant 0 : i32
        %dma_start3A_224 = tpu.memref_slice %arg13[%dma_start3A_222, %dma_start3A_223] : memref<10240x128xf32, #tpu.memory_space<vmem_shared>> -> memref<10240x128xf32, #tpu.memory_space<vmem_shared>>
        tpu.enqueue_indirect_dma source(%arg12 : memref<128x128xf32, #tpu.memory_space<vmem>>) target(%dma_start3A_224 : memref<10240x128xf32, #tpu.memory_space<vmem_shared>>) offsets(%arg10 : memref<128xi32, #tpu.memory_space<vmem>>) semaphore(%run_scoped3A : memref<!tpu.dma_semaphore, #tpu.memory_space<semaphore_mem>>) {add = true}
        %dma_wait3A_225 = arith.constant 0 : i32
        %dma_wait3A_226 = arith.constant 0 : i32
        %dma_wait3A_227 = tpu.memref_slice %arg13[%dma_wait3A_225, %dma_wait3A_226] : memref<10240x128xf32, #tpu.memory_space<vmem_shared>> -> memref<10240x128xf32, #tpu.memory_space<vmem_shared>>
        tpu.wait_indirect_dma semaphore(%run_scoped3A : memref<!tpu.dma_semaphore, #tpu.memory_space<semaphore_mem>>) src(%arg12 : memref<128x128xf32, #tpu.memory_space<vmem>>) dst(%dma_wait3A_227 : memref<10240x128xf32, #tpu.memory_space<vmem_shared>>)
        tpu.yield
      }) : () -> ()
      %lt3A_217 = arith.constant 39 : i32
      %lt3A_218 = arith.cmpi slt, %while3A_206, %lt3A_217 : i32
      %convert_element_type3A_219 = arith.extui %lt3A_218 : i1 to i32
      %cond3A_220 = arith.constant 0 : i32
      %cond3A_221 = arith.cmpi ne, %convert_element_type3A_219, %cond3A_220 : i32
      scf.if %cond3A_221 {
        %add3A_222 = arith.constant 3 : i32
        %add3A_223 = arith.addi %mul3A_208, %add3A_222 : i32
        %mul3A_224 = arith.constant 128 : i32
        %mul3A_225 = arith.muli %add3A_223, %mul3A_224 : i32
        %add3A_226 = arith.addi %mul3A_180, %mul3A_225 : i32
        "tpu.region"() ({
          %run_scoped3A = tpu.sem_alloc : memref<!tpu.dma_semaphore, #tpu.memory_space<semaphore_mem>>
          %dma_start3A_230 = tpu.memref_slice %arg3[%add3A_226] : memref<327680xi32, #tpu.memory_space<hbm>> -> memref<128xi32, #tpu.memory_space<hbm>>
          %dma_start3A_231 = tpu.memref_slice %arg3[%add3A_226] : memref<327680xi32, #tpu.memory_space<hbm>> -> memref<128xi32, #tpu.memory_space<hbm>>
          tpu.enqueue_dma source(%dma_start3A_231 : memref<128xi32, #tpu.memory_space<hbm>>) target(%arg8 : memref<128xi32, #tpu.memory_space<vmem>>) target_semaphore(%run_scoped3A : memref<!tpu.dma_semaphore, #tpu.memory_space<semaphore_mem>>)
          %dma_wait3A_232 = tpu.memref_slice %arg3[%add3A_226] : memref<327680xi32, #tpu.memory_space<hbm>> -> memref<128xi32, #tpu.memory_space<hbm>>
          %dma_wait3A_233 = tpu.memref_slice %arg3[%add3A_226] : memref<327680xi32, #tpu.memory_space<hbm>> -> memref<128xi32, #tpu.memory_space<hbm>>
          tpu.wait_dma2 semaphore(%run_scoped3A : memref<!tpu.dma_semaphore, #tpu.memory_space<semaphore_mem>>) src(%dma_wait3A_233 : memref<128xi32, #tpu.memory_space<hbm>>) dst(%arg8 : memref<128xi32, #tpu.memory_space<vmem>>)
          tpu.yield
        }) : () -> ()
        "tpu.region"() ({
          %run_scoped3A = tpu.sem_alloc : memref<!tpu.dma_semaphore, #tpu.memory_space<semaphore_mem>>
          %dma_start3A_230 = tpu.memref_slice %arg4[%add3A_226] : memref<327680xi32, #tpu.memory_space<hbm>> -> memref<128xi32, #tpu.memory_space<hbm>>
          %dma_start3A_231 = tpu.memref_slice %arg4[%add3A_226] : memref<327680xi32, #tpu.memory_space<hbm>> -> memref<128xi32, #tpu.memory_space<hbm>>
          tpu.enqueue_dma source(%dma_start3A_231 : memref<128xi32, #tpu.memory_space<hbm>>) target(%arg10 : memref<128xi32, #tpu.memory_space<vmem>>) target_semaphore(%run_scoped3A : memref<!tpu.dma_semaphore, #tpu.memory_space<semaphore_mem>>)
          %dma_wait3A_232 = tpu.memref_slice %arg4[%add3A_226] : memref<327680xi32, #tpu.memory_space<hbm>> -> memref<128xi32, #tpu.memory_space<hbm>>
          %dma_wait3A_233 = tpu.memref_slice %arg4[%add3A_226] : memref<327680xi32, #tpu.memory_space<hbm>> -> memref<128xi32, #tpu.memory_space<hbm>>
          tpu.wait_dma2 semaphore(%run_scoped3A : memref<!tpu.dma_semaphore, #tpu.memory_space<semaphore_mem>>) src(%dma_wait3A_233 : memref<128xi32, #tpu.memory_space<hbm>>) dst(%arg10 : memref<128xi32, #tpu.memory_space<vmem>>)
          tpu.yield
        }) : () -> ()
        %dma_start3A_227 = arith.constant 0 : i32
        %dma_start3A_228 = arith.constant 0 : i32
        %dma_start3A_229 = tpu.memref_slice %arg2[%dma_start3A_227, %dma_start3A_228] : memref<10240x128xf32, #tpu.memory_space<hbm>> -> memref<10240x128xf32, #tpu.memory_space<hbm>>
        tpu.enqueue_indirect_dma source(%dma_start3A_229 : memref<10240x128xf32, #tpu.memory_space<hbm>>) target(%arg12 : memref<128x128xf32, #tpu.memory_space<vmem>>) offsets(%arg8 : memref<128xi32, #tpu.memory_space<vmem>>) semaphore(%arg15 : memref<!tpu.dma_semaphore, #tpu.memory_space<semaphore_mem>>)
      } else {
      }
    }
    %while3A_200 = arith.constant 1 : i32
    scf.for %while3A_206 = %while3A_198 to %while3A_194 step %while3A_200  : i32 {
      %mul3A_207 = arith.constant 2 : i32
      %mul3A_208 = arith.muli %while3A_206, %mul3A_207 : i32
      %dma_wait3A_209 = arith.constant 0 : i32
      %dma_wait3A_210 = arith.constant 0 : i32
      %dma_wait3A_211 = tpu.memref_slice %arg2[%dma_wait3A_209, %dma_wait3A_210] : memref<10240x128xf32, #tpu.memory_space<hbm>> -> memref<10240x128xf32, #tpu.memory_space<hbm>>
      tpu.wait_indirect_dma semaphore(%arg14 : memref<!tpu.dma_semaphore, #tpu.memory_space<semaphore_mem>>) src(%dma_wait3A_211 : memref<10240x128xf32, #tpu.memory_space<hbm>>) dst(%arg11 : memref<128x128xf32, #tpu.memory_space<vmem>>)
      "tpu.region"() ({
        %run_scoped3A = tpu.sem_alloc : memref<!tpu.dma_semaphore, #tpu.memory_space<semaphore_mem>>
        %dma_start3A_222 = arith.constant 0 : i32
        %dma_start3A_223 = arith.constant 0 : i32
        %dma_start3A_224 = tpu.memref_slice %arg13[%dma_start3A_222, %dma_start3A_223] : memref<10240x128xf32, #tpu.memory_space<vmem_shared>> -> memref<10240x128xf32, #tpu.memory_space<vmem_shared>>
        tpu.enqueue_indirect_dma source(%arg11 : memref<128x128xf32, #tpu.memory_space<vmem>>) target(%dma_start3A_224 : memref<10240x128xf32, #tpu.memory_space<vmem_shared>>) offsets(%arg9 : memref<128xi32, #tpu.memory_space<vmem>>) semaphore(%run_scoped3A : memref<!tpu.dma_semaphore, #tpu.memory_space<semaphore_mem>>) {add = true}
        %dma_wait3A_225 = arith.constant 0 : i32
        %dma_wait3A_226 = arith.constant 0 : i32
        %dma_wait3A_227 = tpu.memref_slice %arg13[%dma_wait3A_225, %dma_wait3A_226] : memref<10240x128xf32, #tpu.memory_space<vmem_shared>> -> memref<10240x128xf32, #tpu.memory_space<vmem_shared>>
        tpu.wait_indirect_dma semaphore(%run_scoped3A : memref<!tpu.dma_semaphore, #tpu.memory_space<semaphore_mem>>) src(%arg11 : memref<128x128xf32, #tpu.memory_space<vmem>>) dst(%dma_wait3A_227 : memref<10240x128xf32, #tpu.memory_space<vmem_shared>>)
        tpu.yield
      }) : () -> ()
      %lt3A = arith.constant 39 : i32
      %lt3A_212 = arith.cmpi slt, %while3A_206, %lt3A : i32
      %convert_element_type3A = arith.extui %lt3A_212 : i1 to i32
      %cond3A = arith.constant 0 : i32
      %cond3A_213 = arith.cmpi ne, %convert_element_type3A, %cond3A : i32
      scf.if %cond3A_213 {
        %add3A_222 = arith.constant 2 : i32
        %add3A_223 = arith.addi %mul3A_208, %add3A_222 : i32
        %mul3A_224 = arith.constant 128 : i32
        %mul3A_225 = arith.muli %add3A_223, %mul3A_224 : i32
        %add3A_226 = arith.addi %mul3A_180, %mul3A_225 : i32
        "tpu.region"() ({
          %run_scoped3A = tpu.sem_alloc : memref<!tpu.dma_semaphore, #tpu.memory_space<semaphore_mem>>
          %dma_start3A_230 = tpu.memref_slice %arg3[%add3A_226] : memref<327680xi32, #tpu.memory_space<hbm>> -> memref<128xi32, #tpu.memory_space<hbm>>
          %dma_start3A_231 = tpu.memref_slice %arg3[%add3A_226] : memref<327680xi32, #tpu.memory_space<hbm>> -> memref<128xi32, #tpu.memory_space<hbm>>
          tpu.enqueue_dma source(%dma_start3A_231 : memref<128xi32, #tpu.memory_space<hbm>>) target(%arg7 : memref<128xi32, #tpu.memory_space<vmem>>) target_semaphore(%run_scoped3A : memref<!tpu.dma_semaphore, #tpu.memory_space<semaphore_mem>>)
          %dma_wait3A_232 = tpu.memref_slice %arg3[%add3A_226] : memref<327680xi32, #tpu.memory_space<hbm>> -> memref<128xi32, #tpu.memory_space<hbm>>
          %dma_wait3A_233 = tpu.memref_slice %arg3[%add3A_226] : memref<327680xi32, #tpu.memory_space<hbm>> -> memref<128xi32, #tpu.memory_space<hbm>>
          tpu.wait_dma2 semaphore(%run_scoped3A : memref<!tpu.dma_semaphore, #tpu.memory_space<semaphore_mem>>) src(%dma_wait3A_233 : memref<128xi32, #tpu.memory_space<hbm>>) dst(%arg7 : memref<128xi32, #tpu.memory_space<vmem>>)
          tpu.yield
        }) : () -> ()
        "tpu.region"() ({
          %run_scoped3A = tpu.sem_alloc : memref<!tpu.dma_semaphore, #tpu.memory_space<semaphore_mem>>
          %dma_start3A_230 = tpu.memref_slice %arg4[%add3A_226] : memref<327680xi32, #tpu.memory_space<hbm>> -> memref<128xi32, #tpu.memory_space<hbm>>
          %dma_start3A_231 = tpu.memref_slice %arg4[%add3A_226] : memref<327680xi32, #tpu.memory_space<hbm>> -> memref<128xi32, #tpu.memory_space<hbm>>
          tpu.enqueue_dma source(%dma_start3A_231 : memref<128xi32, #tpu.memory_space<hbm>>) target(%arg9 : memref<128xi32, #tpu.memory_space<vmem>>) target_semaphore(%run_scoped3A : memref<!tpu.dma_semaphore, #tpu.memory_space<semaphore_mem>>)
          %dma_wait3A_232 = tpu.memref_slice %arg4[%add3A_226] : memref<327680xi32, #tpu.memory_space<hbm>> -> memref<128xi32, #tpu.memory_space<hbm>>
          %dma_wait3A_233 = tpu.memref_slice %arg4[%add3A_226] : memref<327680xi32, #tpu.memory_space<hbm>> -> memref<128xi32, #tpu.memory_space<hbm>>
          tpu.wait_dma2 semaphore(%run_scoped3A : memref<!tpu.dma_semaphore, #tpu.memory_space<semaphore_mem>>) src(%dma_wait3A_233 : memref<128xi32, #tpu.memory_space<hbm>>) dst(%arg9 : memref<128xi32, #tpu.memory_space<vmem>>)
          tpu.yield
        }) : () -> ()
        %dma_start3A_227 = arith.constant 0 : i32
        %dma_start3A_228 = arith.constant 0 : i32
        %dma_start3A_229 = tpu.memref_slice %arg2[%dma_start3A_227, %dma_start3A_228] : memref<10240x128xf32, #tpu.memory_space<hbm>> -> memref<10240x128xf32, #tpu.memory_space<hbm>>
        tpu.enqueue_indirect_dma source(%dma_start3A_229 : memref<10240x128xf32, #tpu.memory_space<hbm>>) target(%arg11 : memref<128x128xf32, #tpu.memory_space<vmem>>) offsets(%arg7 : memref<128xi32, #tpu.memory_space<vmem>>) semaphore(%arg14 : memref<!tpu.dma_semaphore, #tpu.memory_space<semaphore_mem>>)
      } else {
      }
      %dma_wait3A_214 = arith.constant 0 : i32
      %dma_wait3A_215 = arith.constant 0 : i32
      %dma_wait3A_216 = tpu.memref_slice %arg2[%dma_wait3A_214, %dma_wait3A_215] : memref<10240x128xf32, #tpu.memory_space<hbm>> -> memref<10240x128xf32, #tpu.memory_space<hbm>>
      tpu.wait_indirect_dma semaphore(%arg15 : memref<!tpu.dma_semaphore, #tpu.memory_space<semaphore_mem>>) src(%dma_wait3A_216 : memref<10240x128xf32, #tpu.memory_space<hbm>>) dst(%arg12 : memref<128x128xf32, #tpu.memory_space<vmem>>)
      "tpu.region"() ({
        %run_scoped3A = tpu.sem_alloc : memref<!tpu.dma_semaphore, #tpu.memory_space<semaphore_mem>>
        %dma_start3A_222 = arith.constant 0 : i32
        %dma_start3A_223 = arith.constant 0 : i32
        %dma_start3A_224 = tpu.memref_slice %arg13[%dma_start3A_222, %dma_start3A_223] : memref<10240x128xf32, #tpu.memory_space<vmem_shared>> -> memref<10240x128xf32, #tpu.memory_space<vmem_shared>>
        tpu.enqueue_indirect_dma source(%arg12 : memref<128x128xf32, #tpu.memory_space<vmem>>) target(%dma_start3A_224 : memref<10240x128xf32, #tpu.memory_space<vmem_shared>>) offsets(%arg10 : memref<128xi32, #tpu.memory_space<vmem>>) semaphore(%run_scoped3A : memref<!tpu.dma_semaphore, #tpu.memory_space<semaphore_mem>>) {add = true}
        %dma_wait3A_225 = arith.constant 0 : i32
        %dma_wait3A_226 = arith.constant 0 : i32
        %dma_wait3A_227 = tpu.memref_slice %arg13[%dma_wait3A_225, %dma_wait3A_226] : memref<10240x128xf32, #tpu.memory_space<vmem_shared>> -> memref<10240x128xf32, #tpu.memory_space<vmem_shared>>
        tpu.wait_indirect_dma semaphore(%run_scoped3A : memref<!tpu.dma_semaphore, #tpu.memory_space<semaphore_mem>>) src(%arg12 : memref<128x128xf32, #tpu.memory_space<vmem>>) dst(%dma_wait3A_227 : memref<10240x128xf32, #tpu.memory_space<vmem_shared>>)
        tpu.yield
      }) : () -> ()
      %lt3A_217 = arith.constant 39 : i32
      %lt3A_218 = arith.cmpi slt, %while3A_206, %lt3A_217 : i32
      %convert_element_type3A_219 = arith.extui %lt3A_218 : i1 to i32
      %cond3A_220 = arith.constant 0 : i32
      %cond3A_221 = arith.cmpi ne, %convert_element_type3A_219, %cond3A_220 : i32
      scf.if %cond3A_221 {
        %add3A_222 = arith.constant 3 : i32
        %add3A_223 = arith.addi %mul3A_208, %add3A_222 : i32
        %mul3A_224 = arith.constant 128 : i32
        %mul3A_225 = arith.muli %add3A_223, %mul3A_224 : i32
        %add3A_226 = arith.addi %mul3A_180, %mul3A_225 : i32
        "tpu.region"() ({
          %run_scoped3A = tpu.sem_alloc : memref<!tpu.dma_semaphore, #tpu.memory_space<semaphore_mem>>
          %dma_start3A_230 = tpu.memref_slice %arg3[%add3A_226] : memref<327680xi32, #tpu.memory_space<hbm>> -> memref<128xi32, #tpu.memory_space<hbm>>
          %dma_start3A_231 = tpu.memref_slice %arg3[%add3A_226] : memref<327680xi32, #tpu.memory_space<hbm>> -> memref<128xi32, #tpu.memory_space<hbm>>
          tpu.enqueue_dma source(%dma_start3A_231 : memref<128xi32, #tpu.memory_space<hbm>>) target(%arg8 : memref<128xi32, #tpu.memory_space<vmem>>) target_semaphore(%run_scoped3A : memref<!tpu.dma_semaphore, #tpu.memory_space<semaphore_mem>>)
          %dma_wait3A_232 = tpu.memref_slice %arg3[%add3A_226] : memref<327680xi32, #tpu.memory_space<hbm>> -> memref<128xi32, #tpu.memory_space<hbm>>
          %dma_wait3A_233 = tpu.memref_slice %arg3[%add3A_226] : memref<327680xi32, #tpu.memory_space<hbm>> -> memref<128xi32, #tpu.memory_space<hbm>>
          tpu.wait_dma2 semaphore(%run_scoped3A : memref<!tpu.dma_semaphore, #tpu.memory_space<semaphore_mem>>) src(%dma_wait3A_233 : memref<128xi32, #tpu.memory_space<hbm>>) dst(%arg8 : memref<128xi32, #tpu.memory_space<vmem>>)
          tpu.yield
        }) : () -> ()
        "tpu.region"() ({
          %run_scoped3A = tpu.sem_alloc : memref<!tpu.dma_semaphore, #tpu.memory_space<semaphore_mem>>
          %dma_start3A_230 = tpu.memref_slice %arg4[%add3A_226] : memref<327680xi32, #tpu.memory_space<hbm>> -> memref<128xi32, #tpu.memory_space<hbm>>
          %dma_start3A_231 = tpu.memref_slice %arg4[%add3A_226] : memref<327680xi32, #tpu.memory_space<hbm>> -> memref<128xi32, #tpu.memory_space<hbm>>
          tpu.enqueue_dma source(%dma_start3A_231 : memref<128xi32, #tpu.memory_space<hbm>>) target(%arg10 : memref<128xi32, #tpu.memory_space<vmem>>) target_semaphore(%run_scoped3A : memref<!tpu.dma_semaphore, #tpu.memory_space<semaphore_mem>>)
          %dma_wait3A_232 = tpu.memref_slice %arg4[%add3A_226] : memref<327680xi32, #tpu.memory_space<hbm>> -> memref<128xi32, #tpu.memory_space<hbm>>
          %dma_wait3A_233 = tpu.memref_slice %arg4[%add3A_226] : memref<327680xi32, #tpu.memory_space<hbm>> -> memref<128xi32, #tpu.memory_space<hbm>>
          tpu.wait_dma2 semaphore(%run_scoped3A : memref<!tpu.dma_semaphore, #tpu.memory_space<semaphore_mem>>) src(%dma_wait3A_233 : memref<128xi32, #tpu.memory_space<hbm>>) dst(%arg10 : memref<128xi32, #tpu.memory_space<vmem>>)
          tpu.yield
        }) : () -> ()
        %dma_start3A_227 = arith.constant 0 : i32
        %dma_start3A_228 = arith.constant 0 : i32
        %dma_start3A_229 = tpu.memref_slice %arg2[%dma_start3A_227, %dma_start3A_228] : memref<10240x128xf32, #tpu.memory_space<hbm>> -> memref<10240x128xf32, #tpu.memory_space<hbm>>
        tpu.enqueue_indirect_dma source(%dma_start3A_229 : memref<10240x128xf32, #tpu.memory_space<hbm>>) target(%arg12 : memref<128x128xf32, #tpu.memory_space<vmem>>) offsets(%arg8 : memref<128xi32, #tpu.memory_space<vmem>>) semaphore(%arg15 : memref<!tpu.dma_semaphore, #tpu.memory_space<semaphore_mem>>)
      } else {
      }
    }
    %barrier3A_201 = arith.constant 0 : index
    tpu.barrier barrier_id(%barrier3A_201)
    %mul3A_202 = arith.constant 640 : i32
    %mul3A_203 = arith.muli %arg1, %mul3A_202 : i32
    %mul3A_204 = arith.constant 640 : i32
    %mul3A_205 = arith.muli %arg1, %mul3A_204 : i32
    "tpu.region"() ({
      %run_scoped3A = tpu.sem_alloc : memref<!tpu.dma_semaphore, #tpu.memory_space<semaphore_mem>>
      %dma_start3A_206 = arith.constant 0 : i32
      %dma_start3A_207 = tpu.memref_slice %arg6[%arg0, %mul3A_205, %dma_start3A_206] : memref<2x10240x128xf32, #tpu.memory_space<hbm>> -> memref<1x640x128xf32, #tpu.memory_space<hbm>>
      %dma_start3A_208 = tpu.memref_squeeze %dma_start3A_207 : memref<1x640x128xf32, #tpu.memory_space<hbm>> -> memref<640x128xf32, #tpu.memory_space<hbm>>
      %dma_start3A_209 = arith.constant 0 : i32
      %dma_start3A_210 = tpu.memref_slice %arg13[%mul3A_203, %dma_start3A_209] : memref<10240x128xf32, #tpu.memory_space<vmem_shared>> -> memref<640x128xf32, #tpu.memory_space<vmem_shared>>
      tpu.enqueue_dma source(%dma_start3A_210 : memref<640x128xf32, #tpu.memory_space<vmem_shared>>) target(%dma_start3A_208 : memref<640x128xf32, #tpu.memory_space<hbm>>) target_semaphore(%run_scoped3A : memref<!tpu.dma_semaphore, #tpu.memory_space<semaphore_mem>>)
      %dma_wait3A_211 = arith.constant 0 : i32
      %dma_wait3A_212 = tpu.memref_slice %arg6[%arg0, %mul3A_205, %dma_wait3A_211] : memref<2x10240x128xf32, #tpu.memory_space<hbm>> -> memref<1x640x128xf32, #tpu.memory_space<hbm>>
      %dma_wait3A_213 = tpu.memref_squeeze %dma_wait3A_212 : memref<1x640x128xf32, #tpu.memory_space<hbm>> -> memref<640x128xf32, #tpu.memory_space<hbm>>
      %dma_wait3A_214 = arith.constant 0 : i32
      %dma_wait3A_215 = tpu.memref_slice %arg13[%mul3A_203, %dma_wait3A_214] : memref<10240x128xf32, #tpu.memory_space<vmem_shared>> -> memref<640x128xf32, #tpu.memory_space<vmem_shared>>
      tpu.wait_dma2 semaphore(%run_scoped3A : memref<!tpu.dma_semaphore, #tpu.memory_space<semaphore_mem>>) src(%dma_wait3A_215 : memref<640x128xf32, #tpu.memory_space<vmem_shared>>) dst(%dma_wait3A_213 : memref<640x128xf32, #tpu.memory_space<hbm>>)
      tpu.yield
    }) : () -> ()
    return
  }
}

#map = affine_map<(d0, d1) -> (0, 0)>
#map1 = affine_map<(d0, d1) -> (0)>
#map2 = affine_map<(d0, d1) -> (0, 0, 0)>
module attributes {stable_mosaic.version = 14 : i64} {
  func.func @_spmm_sc(%arg0: i32, %arg1: i32, %arg2: memref<10240x128xf32, #tpu.memory_space<hbm>>, %arg3: memref<327680xi32, #tpu.memory_space<hbm>>, %arg4: memref<327680xi32, #tpu.memory_space<hbm>>, %arg5: memref<64x128xf32, #tpu.memory_space<hbm>>, %arg6: memref<2x10240x128xf32, #tpu.memory_space<hbm>>, %arg7: memref<128xi32, #tpu.memory_space<vmem>>, %arg8: memref<128xi32, #tpu.memory_space<vmem>>, %arg9: memref<128xi32, #tpu.memory_space<vmem>>, %arg10: memref<128xi32, #tpu.memory_space<vmem>>, %arg11: memref<128x128xf32, #tpu.memory_space<vmem>>, %arg12: memref<128x128xf32, #tpu.memory_space<vmem>>, %arg13: memref<10240x128xf32, #tpu.memory_space<vmem_shared>>, %arg14: memref<!tpu.dma_semaphore, #tpu.memory_space<semaphore_mem>>, %arg15: memref<!tpu.dma_semaphore, #tpu.memory_space<semaphore_mem>>, %arg16: memref<!tpu.dma_semaphore, #tpu.memory_space<semaphore_mem>>) attributes {dimension_semantics = [#tpu.dimension_semantics<core_parallel>, #tpu.dimension_semantics<subcore_parallel>], iteration_bounds = array<i64: 2, 16>, scalar_prefetch = 0 : i64, scratch_operands = 10 : i64, tpu.core_type = #tpu.core_type<sc_vector_subcore>, window_params = [{transform_indices = #map}, {transform_indices = #map1}, {transform_indices = #map1}, {transform_indices = #map}, {transform_indices = #map2}]} {
    %mul3A = arith.constant 2 : i32
    %mul3A_0 = arith.muli %arg1, %mul3A : i32
    %add3A = arith.addi %mul3A_0, %arg0 : i32
    %mul3A_1 = arith.constant 640 : i32
    %mul3A_2 = arith.muli %arg1, %mul3A_1 : i32
    %add3A_3 = arith.constant 0 : i32
    %add3A_4 = arith.addi %mul3A_2, %add3A_3 : i32
    %dma_start3A = arith.constant 0 : i32
    %dma_start3A_5 = tpu.memref_slice %arg13[%add3A_4, %dma_start3A] : memref<10240x128xf32, #tpu.memory_space<vmem_shared>> -> memref<64x128xf32, #tpu.memory_space<vmem_shared>>
    %dma_start3A_6 = arith.constant 0 : i32
    %dma_start3A_7 = arith.constant 0 : i32
    %dma_start3A_8 = tpu.memref_slice %arg5[%dma_start3A_6, %dma_start3A_7] : memref<64x128xf32, #tpu.memory_space<hbm>> -> memref<64x128xf32, #tpu.memory_space<hbm>>
    tpu.enqueue_dma source(%dma_start3A_8 : memref<64x128xf32, #tpu.memory_space<hbm>>) target(%dma_start3A_5 : memref<64x128xf32, #tpu.memory_space<vmem_shared>>) target_semaphore(%arg16 : memref<!tpu.dma_semaphore, #tpu.memory_space<semaphore_mem>>)
    %mul3A_9 = arith.constant 640 : i32
    %mul3A_10 = arith.muli %arg1, %mul3A_9 : i32
    %add3A_11 = arith.constant 64 : i32
    %add3A_12 = arith.addi %mul3A_10, %add3A_11 : i32
    %dma_start3A_13 = arith.constant 0 : i32
    %dma_start3A_14 = tpu.memref_slice %arg13[%add3A_12, %dma_start3A_13] : memref<10240x128xf32, #tpu.memory_space<vmem_shared>> -> memref<64x128xf32, #tpu.memory_space<vmem_shared>>
    %dma_start3A_15 = arith.constant 0 : i32
    %dma_start3A_16 = arith.constant 0 : i32
    %dma_start3A_17 = tpu.memref_slice %arg5[%dma_start3A_15, %dma_start3A_16] : memref<64x128xf32, #tpu.memory_space<hbm>> -> memref<64x128xf32, #tpu.memory_space<hbm>>
    tpu.enqueue_dma source(%dma_start3A_17 : memref<64x128xf32, #tpu.memory_space<hbm>>) target(%dma_start3A_14 : memref<64x128xf32, #tpu.memory_space<vmem_shared>>) target_semaphore(%arg16 : memref<!tpu.dma_semaphore, #tpu.memory_space<semaphore_mem>>)
    %mul3A_18 = arith.constant 640 : i32
    %mul3A_19 = arith.muli %arg1, %mul3A_18 : i32
    %add3A_20 = arith.constant 128 : i32
    %add3A_21 = arith.addi %mul3A_19, %add3A_20 : i32
    %dma_start3A_22 = arith.constant 0 : i32
    %dma_start3A_23 = tpu.memref_slice %arg13[%add3A_21, %dma_start3A_22] : memref<10240x128xf32, #tpu.memory_space<vmem_shared>> -> memref<64x128xf32, #tpu.memory_space<vmem_shared>>
    %dma_start3A_24 = arith.constant 0 : i32
    %dma_start3A_25 = arith.constant 0 : i32
    %dma_start3A_26 = tpu.memref_slice %arg5[%dma_start3A_24, %dma_start3A_25] : memref<64x128xf32, #tpu.memory_space<hbm>> -> memref<64x128xf32, #tpu.memory_space<hbm>>
    tpu.enqueue_dma source(%dma_start3A_26 : memref<64x128xf32, #tpu.memory_space<hbm>>) target(%dma_start3A_23 : memref<64x128xf32, #tpu.memory_space<vmem_shared>>) target_semaphore(%arg16 : memref<!tpu.dma_semaphore, #tpu.memory_space<semaphore_mem>>)
    %mul3A_27 = arith.constant 640 : i32
    %mul3A_28 = arith.muli %arg1, %mul3A_27 : i32
    %add3A_29 = arith.constant 192 : i32
    %add3A_30 = arith.addi %mul3A_28, %add3A_29 : i32
    %dma_start3A_31 = arith.constant 0 : i32
    %dma_start3A_32 = tpu.memref_slice %arg13[%add3A_30, %dma_start3A_31] : memref<10240x128xf32, #tpu.memory_space<vmem_shared>> -> memref<64x128xf32, #tpu.memory_space<vmem_shared>>
    %dma_start3A_33 = arith.constant 0 : i32
    %dma_start3A_34 = arith.constant 0 : i32
    %dma_start3A_35 = tpu.memref_slice %arg5[%dma_start3A_33, %dma_start3A_34] : memref<64x128xf32, #tpu.memory_space<hbm>> -> memref<64x128xf32, #tpu.memory_space<hbm>>
    tpu.enqueue_dma source(%dma_start3A_35 : memref<64x128xf32, #tpu.memory_space<hbm>>) target(%dma_start3A_32 : memref<64x128xf32, #tpu.memory_space<vmem_shared>>) target_semaphore(%arg16 : memref<!tpu.dma_semaphore, #tpu.memory_space<semaphore_mem>>)
    %mul3A_36 = arith.constant 640 : i32
    %mul3A_37 = arith.muli %arg1, %mul3A_36 : i32
    %add3A_38 = arith.constant 256 : i32
    %add3A_39 = arith.addi %mul3A_37, %add3A_38 : i32
    %dma_start3A_40 = arith.constant 0 : i32
    %dma_start3A_41 = tpu.memref_slice %arg13[%add3A_39, %dma_start3A_40] : memref<10240x128xf32, #tpu.memory_space<vmem_shared>> -> memref<64x128xf32, #tpu.memory_space<vmem_shared>>
    %dma_start3A_42 = arith.constant 0 : i32
    %dma_start3A_43 = arith.constant 0 : i32
    %dma_start3A_44 = tpu.memref_slice %arg5[%dma_start3A_42, %dma_start3A_43] : memref<64x128xf32, #tpu.memory_space<hbm>> -> memref<64x128xf32, #tpu.memory_space<hbm>>
    tpu.enqueue_dma source(%dma_start3A_44 : memref<64x128xf32, #tpu.memory_space<hbm>>) target(%dma_start3A_41 : memref<64x128xf32, #tpu.memory_space<vmem_shared>>) target_semaphore(%arg16 : memref<!tpu.dma_semaphore, #tpu.memory_space<semaphore_mem>>)
    %mul3A_45 = arith.constant 640 : i32
    %mul3A_46 = arith.muli %arg1, %mul3A_45 : i32
    %add3A_47 = arith.constant 320 : i32
    %add3A_48 = arith.addi %mul3A_46, %add3A_47 : i32
    %dma_start3A_49 = arith.constant 0 : i32
    %dma_start3A_50 = tpu.memref_slice %arg13[%add3A_48, %dma_start3A_49] : memref<10240x128xf32, #tpu.memory_space<vmem_shared>> -> memref<64x128xf32, #tpu.memory_space<vmem_shared>>
    %dma_start3A_51 = arith.constant 0 : i32
    %dma_start3A_52 = arith.constant 0 : i32
    %dma_start3A_53 = tpu.memref_slice %arg5[%dma_start3A_51, %dma_start3A_52] : memref<64x128xf32, #tpu.memory_space<hbm>> -> memref<64x128xf32, #tpu.memory_space<hbm>>
    tpu.enqueue_dma source(%dma_start3A_53 : memref<64x128xf32, #tpu.memory_space<hbm>>) target(%dma_start3A_50 : memref<64x128xf32, #tpu.memory_space<vmem_shared>>) target_semaphore(%arg16 : memref<!tpu.dma_semaphore, #tpu.memory_space<semaphore_mem>>)
    %mul3A_54 = arith.constant 640 : i32
    %mul3A_55 = arith.muli %arg1, %mul3A_54 : i32
    %add3A_56 = arith.constant 384 : i32
    %add3A_57 = arith.addi %mul3A_55, %add3A_56 : i32
    %dma_start3A_58 = arith.constant 0 : i32
    %dma_start3A_59 = tpu.memref_slice %arg13[%add3A_57, %dma_start3A_58] : memref<10240x128xf32, #tpu.memory_space<vmem_shared>> -> memref<64x128xf32, #tpu.memory_space<vmem_shared>>
    %dma_start3A_60 = arith.constant 0 : i32
    %dma_start3A_61 = arith.constant 0 : i32
    %dma_start3A_62 = tpu.memref_slice %arg5[%dma_start3A_60, %dma_start3A_61] : memref<64x128xf32, #tpu.memory_space<hbm>> -> memref<64x128xf32, #tpu.memory_space<hbm>>
    tpu.enqueue_dma source(%dma_start3A_62 : memref<64x128xf32, #tpu.memory_space<hbm>>) target(%dma_start3A_59 : memref<64x128xf32, #tpu.memory_space<vmem_shared>>) target_semaphore(%arg16 : memref<!tpu.dma_semaphore, #tpu.memory_space<semaphore_mem>>)
    %mul3A_63 = arith.constant 640 : i32
    %mul3A_64 = arith.muli %arg1, %mul3A_63 : i32
    %add3A_65 = arith.constant 448 : i32
    %add3A_66 = arith.addi %mul3A_64, %add3A_65 : i32
    %dma_start3A_67 = arith.constant 0 : i32
    %dma_start3A_68 = tpu.memref_slice %arg13[%add3A_66, %dma_start3A_67] : memref<10240x128xf32, #tpu.memory_space<vmem_shared>> -> memref<64x128xf32, #tpu.memory_space<vmem_shared>>
    %dma_start3A_69 = arith.constant 0 : i32
    %dma_start3A_70 = arith.constant 0 : i32
    %dma_start3A_71 = tpu.memref_slice %arg5[%dma_start3A_69, %dma_start3A_70] : memref<64x128xf32, #tpu.memory_space<hbm>> -> memref<64x128xf32, #tpu.memory_space<hbm>>
    tpu.enqueue_dma source(%dma_start3A_71 : memref<64x128xf32, #tpu.memory_space<hbm>>) target(%dma_start3A_68 : memref<64x128xf32, #tpu.memory_space<vmem_shared>>) target_semaphore(%arg16 : memref<!tpu.dma_semaphore, #tpu.memory_space<semaphore_mem>>)
    %mul3A_72 = arith.constant 640 : i32
    %mul3A_73 = arith.muli %arg1, %mul3A_72 : i32
    %add3A_74 = arith.constant 512 : i32
    %add3A_75 = arith.addi %mul3A_73, %add3A_74 : i32
    %dma_start3A_76 = arith.constant 0 : i32
    %dma_start3A_77 = tpu.memref_slice %arg13[%add3A_75, %dma_start3A_76] : memref<10240x128xf32, #tpu.memory_space<vmem_shared>> -> memref<64x128xf32, #tpu.memory_space<vmem_shared>>
    %dma_start3A_78 = arith.constant 0 : i32
    %dma_start3A_79 = arith.constant 0 : i32
    %dma_start3A_80 = tpu.memref_slice %arg5[%dma_start3A_78, %dma_start3A_79] : memref<64x128xf32, #tpu.memory_space<hbm>> -> memref<64x128xf32, #tpu.memory_space<hbm>>
    tpu.enqueue_dma source(%dma_start3A_80 : memref<64x128xf32, #tpu.memory_space<hbm>>) target(%dma_start3A_77 : memref<64x128xf32, #tpu.memory_space<vmem_shared>>) target_semaphore(%arg16 : memref<!tpu.dma_semaphore, #tpu.memory_space<semaphore_mem>>)
    %mul3A_81 = arith.constant 640 : i32
    %mul3A_82 = arith.muli %arg1, %mul3A_81 : i32
    %add3A_83 = arith.constant 576 : i32
    %add3A_84 = arith.addi %mul3A_82, %add3A_83 : i32
    %dma_start3A_85 = arith.constant 0 : i32
    %dma_start3A_86 = tpu.memref_slice %arg13[%add3A_84, %dma_start3A_85] : memref<10240x128xf32, #tpu.memory_space<vmem_shared>> -> memref<64x128xf32, #tpu.memory_space<vmem_shared>>
    %dma_start3A_87 = arith.constant 0 : i32
    %dma_start3A_88 = arith.constant 0 : i32
    %dma_start3A_89 = tpu.memref_slice %arg5[%dma_start3A_87, %dma_start3A_88] : memref<64x128xf32, #tpu.memory_space<hbm>> -> memref<64x128xf32, #tpu.memory_space<hbm>>
    tpu.enqueue_dma source(%dma_start3A_89 : memref<64x128xf32, #tpu.memory_space<hbm>>) target(%dma_start3A_86 : memref<64x128xf32, #tpu.memory_space<vmem_shared>>) target_semaphore(%arg16 : memref<!tpu.dma_semaphore, #tpu.memory_space<semaphore_mem>>)
    %mul3A_90 = arith.constant 640 : i32
    %mul3A_91 = arith.muli %arg1, %mul3A_90 : i32
    %add3A_92 = arith.constant 0 : i32
    %add3A_93 = arith.addi %mul3A_91, %add3A_92 : i32
    %dma_wait3A = arith.constant 0 : i32
    %dma_wait3A_94 = tpu.memref_slice %arg13[%add3A_93, %dma_wait3A] : memref<10240x128xf32, #tpu.memory_space<vmem_shared>> -> memref<64x128xf32, #tpu.memory_space<vmem_shared>>
    %dma_wait3A_95 = arith.constant 0 : i32
    %dma_wait3A_96 = arith.constant 0 : i32
    %dma_wait3A_97 = tpu.memref_slice %arg5[%dma_wait3A_95, %dma_wait3A_96] : memref<64x128xf32, #tpu.memory_space<hbm>> -> memref<64x128xf32, #tpu.memory_space<hbm>>
    tpu.wait_dma2 semaphore(%arg16 : memref<!tpu.dma_semaphore, #tpu.memory_space<semaphore_mem>>) src(%dma_wait3A_97 : memref<64x128xf32, #tpu.memory_space<hbm>>) dst(%dma_wait3A_94 : memref<64x128xf32, #tpu.memory_space<vmem_shared>>)
    %mul3A_98 = arith.constant 640 : i32
    %mul3A_99 = arith.muli %arg1, %mul3A_98 : i32
    %add3A_100 = arith.constant 64 : i32
    %add3A_101 = arith.addi %mul3A_99, %add3A_100 : i32
    %dma_wait3A_102 = arith.constant 0 : i32
    %dma_wait3A_103 = tpu.memref_slice %arg13[%add3A_101, %dma_wait3A_102] : memref<10240x128xf32, #tpu.memory_space<vmem_shared>> -> memref<64x128xf32, #tpu.memory_space<vmem_shared>>
    %dma_wait3A_104 = arith.constant 0 : i32
    %dma_wait3A_105 = arith.constant 0 : i32
    %dma_wait3A_106 = tpu.memref_slice %arg5[%dma_wait3A_104, %dma_wait3A_105] : memref<64x128xf32, #tpu.memory_space<hbm>> -> memref<64x128xf32, #tpu.memory_space<hbm>>
    tpu.wait_dma2 semaphore(%arg16 : memref<!tpu.dma_semaphore, #tpu.memory_space<semaphore_mem>>) src(%dma_wait3A_106 : memref<64x128xf32, #tpu.memory_space<hbm>>) dst(%dma_wait3A_103 : memref<64x128xf32, #tpu.memory_space<vmem_shared>>)
    %mul3A_107 = arith.constant 640 : i32
    %mul3A_108 = arith.muli %arg1, %mul3A_107 : i32
    %add3A_109 = arith.constant 128 : i32
    %add3A_110 = arith.addi %mul3A_108, %add3A_109 : i32
    %dma_wait3A_111 = arith.constant 0 : i32
    %dma_wait3A_112 = tpu.memref_slice %arg13[%add3A_110, %dma_wait3A_111] : memref<10240x128xf32, #tpu.memory_space<vmem_shared>> -> memref<64x128xf32, #tpu.memory_space<vmem_shared>>
    %dma_wait3A_113 = arith.constant 0 : i32
    %dma_wait3A_114 = arith.constant 0 : i32
    %dma_wait3A_115 = tpu.memref_slice %arg5[%dma_wait3A_113, %dma_wait3A_114] : memref<64x128xf32, #tpu.memory_space<hbm>> -> memref<64x128xf32, #tpu.memory_space<hbm>>
    tpu.wait_dma2 semaphore(%arg16 : memref<!tpu.dma_semaphore, #tpu.memory_space<semaphore_mem>>) src(%dma_wait3A_115 : memref<64x128xf32, #tpu.memory_space<hbm>>) dst(%dma_wait3A_112 : memref<64x128xf32, #tpu.memory_space<vmem_shared>>)
    %mul3A_116 = arith.constant 640 : i32
    %mul3A_117 = arith.muli %arg1, %mul3A_116 : i32
    %add3A_118 = arith.constant 192 : i32
    %add3A_119 = arith.addi %mul3A_117, %add3A_118 : i32
    %dma_wait3A_120 = arith.constant 0 : i32
    %dma_wait3A_121 = tpu.memref_slice %arg13[%add3A_119, %dma_wait3A_120] : memref<10240x128xf32, #tpu.memory_space<vmem_shared>> -> memref<64x128xf32, #tpu.memory_space<vmem_shared>>
    %dma_wait3A_122 = arith.constant 0 : i32
    %dma_wait3A_123 = arith.constant 0 : i32
    %dma_wait3A_124 = tpu.memref_slice %arg5[%dma_wait3A_122, %dma_wait3A_123] : memref<64x128xf32, #tpu.memory_space<hbm>> -> memref<64x128xf32, #tpu.memory_space<hbm>>
    tpu.wait_dma2 semaphore(%arg16 : memref<!tpu.dma_semaphore, #tpu.memory_space<semaphore_mem>>) src(%dma_wait3A_124 : memref<64x128xf32, #tpu.memory_space<hbm>>) dst(%dma_wait3A_121 : memref<64x128xf32, #tpu.memory_space<vmem_shared>>)
    %mul3A_125 = arith.constant 640 : i32
    %mul3A_126 = arith.muli %arg1, %mul3A_125 : i32
    %add3A_127 = arith.constant 256 : i32
    %add3A_128 = arith.addi %mul3A_126, %add3A_127 : i32
    %dma_wait3A_129 = arith.constant 0 : i32
    %dma_wait3A_130 = tpu.memref_slice %arg13[%add3A_128, %dma_wait3A_129] : memref<10240x128xf32, #tpu.memory_space<vmem_shared>> -> memref<64x128xf32, #tpu.memory_space<vmem_shared>>
    %dma_wait3A_131 = arith.constant 0 : i32
    %dma_wait3A_132 = arith.constant 0 : i32
    %dma_wait3A_133 = tpu.memref_slice %arg5[%dma_wait3A_131, %dma_wait3A_132] : memref<64x128xf32, #tpu.memory_space<hbm>> -> memref<64x128xf32, #tpu.memory_space<hbm>>
    tpu.wait_dma2 semaphore(%arg16 : memref<!tpu.dma_semaphore, #tpu.memory_space<semaphore_mem>>) src(%dma_wait3A_133 : memref<64x128xf32, #tpu.memory_space<hbm>>) dst(%dma_wait3A_130 : memref<64x128xf32, #tpu.memory_space<vmem_shared>>)
    %mul3A_134 = arith.constant 640 : i32
    %mul3A_135 = arith.muli %arg1, %mul3A_134 : i32
    %add3A_136 = arith.constant 320 : i32
    %add3A_137 = arith.addi %mul3A_135, %add3A_136 : i32
    %dma_wait3A_138 = arith.constant 0 : i32
    %dma_wait3A_139 = tpu.memref_slice %arg13[%add3A_137, %dma_wait3A_138] : memref<10240x128xf32, #tpu.memory_space<vmem_shared>> -> memref<64x128xf32, #tpu.memory_space<vmem_shared>>
    %dma_wait3A_140 = arith.constant 0 : i32
    %dma_wait3A_141 = arith.constant 0 : i32
    %dma_wait3A_142 = tpu.memref_slice %arg5[%dma_wait3A_140, %dma_wait3A_141] : memref<64x128xf32, #tpu.memory_space<hbm>> -> memref<64x128xf32, #tpu.memory_space<hbm>>
    tpu.wait_dma2 semaphore(%arg16 : memref<!tpu.dma_semaphore, #tpu.memory_space<semaphore_mem>>) src(%dma_wait3A_142 : memref<64x128xf32, #tpu.memory_space<hbm>>) dst(%dma_wait3A_139 : memref<64x128xf32, #tpu.memory_space<vmem_shared>>)
    %mul3A_143 = arith.constant 640 : i32
    %mul3A_144 = arith.muli %arg1, %mul3A_143 : i32
    %add3A_145 = arith.constant 384 : i32
    %add3A_146 = arith.addi %mul3A_144, %add3A_145 : i32
    %dma_wait3A_147 = arith.constant 0 : i32
    %dma_wait3A_148 = tpu.memref_slice %arg13[%add3A_146, %dma_wait3A_147] : memref<10240x128xf32, #tpu.memory_space<vmem_shared>> -> memref<64x128xf32, #tpu.memory_space<vmem_shared>>
    %dma_wait3A_149 = arith.constant 0 : i32
    %dma_wait3A_150 = arith.constant 0 : i32
    %dma_wait3A_151 = tpu.memref_slice %arg5[%dma_wait3A_149, %dma_wait3A_150] : memref<64x128xf32, #tpu.memory_space<hbm>> -> memref<64x128xf32, #tpu.memory_space<hbm>>
    tpu.wait_dma2 semaphore(%arg16 : memref<!tpu.dma_semaphore, #tpu.memory_space<semaphore_mem>>) src(%dma_wait3A_151 : memref<64x128xf32, #tpu.memory_space<hbm>>) dst(%dma_wait3A_148 : memref<64x128xf32, #tpu.memory_space<vmem_shared>>)
    %mul3A_152 = arith.constant 640 : i32
    %mul3A_153 = arith.muli %arg1, %mul3A_152 : i32
    %add3A_154 = arith.constant 448 : i32
    %add3A_155 = arith.addi %mul3A_153, %add3A_154 : i32
    %dma_wait3A_156 = arith.constant 0 : i32
    %dma_wait3A_157 = tpu.memref_slice %arg13[%add3A_155, %dma_wait3A_156] : memref<10240x128xf32, #tpu.memory_space<vmem_shared>> -> memref<64x128xf32, #tpu.memory_space<vmem_shared>>
    %dma_wait3A_158 = arith.constant 0 : i32
    %dma_wait3A_159 = arith.constant 0 : i32
    %dma_wait3A_160 = tpu.memref_slice %arg5[%dma_wait3A_158, %dma_wait3A_159] : memref<64x128xf32, #tpu.memory_space<hbm>> -> memref<64x128xf32, #tpu.memory_space<hbm>>
    tpu.wait_dma2 semaphore(%arg16 : memref<!tpu.dma_semaphore, #tpu.memory_space<semaphore_mem>>) src(%dma_wait3A_160 : memref<64x128xf32, #tpu.memory_space<hbm>>) dst(%dma_wait3A_157 : memref<64x128xf32, #tpu.memory_space<vmem_shared>>)
    %mul3A_161 = arith.constant 640 : i32
    %mul3A_162 = arith.muli %arg1, %mul3A_161 : i32
    %add3A_163 = arith.constant 512 : i32
    %add3A_164 = arith.addi %mul3A_162, %add3A_163 : i32
    %dma_wait3A_165 = arith.constant 0 : i32
    %dma_wait3A_166 = tpu.memref_slice %arg13[%add3A_164, %dma_wait3A_165] : memref<10240x128xf32, #tpu.memory_space<vmem_shared>> -> memref<64x128xf32, #tpu.memory_space<vmem_shared>>
    %dma_wait3A_167 = arith.constant 0 : i32
    %dma_wait3A_168 = arith.constant 0 : i32
    %dma_wait3A_169 = tpu.memref_slice %arg5[%dma_wait3A_167, %dma_wait3A_168] : memref<64x128xf32, #tpu.memory_space<hbm>> -> memref<64x128xf32, #tpu.memory_space<hbm>>
    tpu.wait_dma2 semaphore(%arg16 : memref<!tpu.dma_semaphore, #tpu.memory_space<semaphore_mem>>) src(%dma_wait3A_169 : memref<64x128xf32, #tpu.memory_space<hbm>>) dst(%dma_wait3A_166 : memref<64x128xf32, #tpu.memory_space<vmem_shared>>)
    %mul3A_170 = arith.constant 640 : i32
    %mul3A_171 = arith.muli %arg1, %mul3A_170 : i32
    %add3A_172 = arith.constant 576 : i32
    %add3A_173 = arith.addi %mul3A_171, %add3A_172 : i32
    %dma_wait3A_174 = arith.constant 0 : i32
    %dma_wait3A_175 = tpu.memref_slice %arg13[%add3A_173, %dma_wait3A_174] : memref<10240x128xf32, #tpu.memory_space<vmem_shared>> -> memref<64x128xf32, #tpu.memory_space<vmem_shared>>
    %dma_wait3A_176 = arith.constant 0 : i32
    %dma_wait3A_177 = arith.constant 0 : i32
    %dma_wait3A_178 = tpu.memref_slice %arg5[%dma_wait3A_176, %dma_wait3A_177] : memref<64x128xf32, #tpu.memory_space<hbm>> -> memref<64x128xf32, #tpu.memory_space<hbm>>
    tpu.wait_dma2 semaphore(%arg16 : memref<!tpu.dma_semaphore, #tpu.memory_space<semaphore_mem>>) src(%dma_wait3A_178 : memref<64x128xf32, #tpu.memory_space<hbm>>) dst(%dma_wait3A_175 : memref<64x128xf32, #tpu.memory_space<vmem_shared>>)
    %barrier3A = arith.constant 0 : index
    tpu.barrier barrier_id(%barrier3A)
    %mul3A_179 = arith.constant 10240 : i32
    %mul3A_180 = arith.muli %add3A, %mul3A_179 : i32
    "tpu.region"() ({
      %run_scoped3A = tpu.sem_alloc : memref<!tpu.dma_semaphore, #tpu.memory_space<semaphore_mem>>
      %dma_start3A_206 = tpu.memref_slice %arg3[%mul3A_180] : memref<327680xi32, #tpu.memory_space<hbm>> -> memref<128xi32, #tpu.memory_space<hbm>>
      %dma_start3A_207 = tpu.memref_slice %arg3[%mul3A_180] : memref<327680xi32, #tpu.memory_space<hbm>> -> memref<128xi32, #tpu.memory_space<hbm>>
      tpu.enqueue_dma source(%dma_start3A_207 : memref<128xi32, #tpu.memory_space<hbm>>) target(%arg7 : memref<128xi32, #tpu.memory_space<vmem>>) target_semaphore(%run_scoped3A : memref<!tpu.dma_semaphore, #tpu.memory_space<semaphore_mem>>)
      %dma_wait3A_208 = tpu.memref_slice %arg3[%mul3A_180] : memref<327680xi32, #tpu.memory_space<hbm>> -> memref<128xi32, #tpu.memory_space<hbm>>
      %dma_wait3A_209 = tpu.memref_slice %arg3[%mul3A_180] : memref<327680xi32, #tpu.memory_space<hbm>> -> memref<128xi32, #tpu.memory_space<hbm>>
      tpu.wait_dma2 semaphore(%run_scoped3A : memref<!tpu.dma_semaphore, #tpu.memory_space<semaphore_mem>>) src(%dma_wait3A_209 : memref<128xi32, #tpu.memory_space<hbm>>) dst(%arg7 : memref<128xi32, #tpu.memory_space<vmem>>)
      tpu.yield
    }) : () -> ()
    "tpu.region"() ({
      %run_scoped3A = tpu.sem_alloc : memref<!tpu.dma_semaphore, #tpu.memory_space<semaphore_mem>>
      %dma_start3A_206 = tpu.memref_slice %arg4[%mul3A_180] : memref<327680xi32, #tpu.memory_space<hbm>> -> memref<128xi32, #tpu.memory_space<hbm>>
      %dma_start3A_207 = tpu.memref_slice %arg4[%mul3A_180] : memref<327680xi32, #tpu.memory_space<hbm>> -> memref<128xi32, #tpu.memory_space<hbm>>
      tpu.enqueue_dma source(%dma_start3A_207 : memref<128xi32, #tpu.memory_space<hbm>>) target(%arg9 : memref<128xi32, #tpu.memory_space<vmem>>) target_semaphore(%run_scoped3A : memref<!tpu.dma_semaphore, #tpu.memory_space<semaphore_mem>>)
      %dma_wait3A_208 = tpu.memref_slice %arg4[%mul3A_180] : memref<327680xi32, #tpu.memory_space<hbm>> -> memref<128xi32, #tpu.memory_space<hbm>>
      %dma_wait3A_209 = tpu.memref_slice %arg4[%mul3A_180] : memref<327680xi32, #tpu.memory_space<hbm>> -> memref<128xi32, #tpu.memory_space<hbm>>
      tpu.wait_dma2 semaphore(%run_scoped3A : memref<!tpu.dma_semaphore, #tpu.memory_space<semaphore_mem>>) src(%dma_wait3A_209 : memref<128xi32, #tpu.memory_space<hbm>>) dst(%arg9 : memref<128xi32, #tpu.memory_space<vmem>>)
      tpu.yield
    }) : () -> ()
    %dma_start3A_181 = arith.constant 0 : i32
    %dma_start3A_182 = arith.constant 0 : i32
    %dma_start3A_183 = tpu.memref_slice %arg2[%dma_start3A_181, %dma_start3A_182] : memref<10240x128xf32, #tpu.memory_space<hbm>> -> memref<10240x128xf32, #tpu.memory_space<hbm>>
    tpu.enqueue_indirect_dma source(%dma_start3A_183 : memref<10240x128xf32, #tpu.memory_space<hbm>>) target(%arg11 : memref<128x128xf32, #tpu.memory_space<vmem>>) offsets(%arg7 : memref<128xi32, #tpu.memory_space<vmem>>) semaphore(%arg14 : memref<!tpu.dma_semaphore, #tpu.memory_space<semaphore_mem>>)
    %add3A_184 = arith.constant 128 : i32
    %add3A_185 = arith.addi %mul3A_180, %add3A_184 : i32
    "tpu.region"() ({
      %run_scoped3A = tpu.sem_alloc : memref<!tpu.dma_semaphore, #tpu.memory_space<semaphore_mem>>
      %dma_start3A_206 = tpu.memref_slice %arg3[%add3A_185] : memref<327680xi32, #tpu.memory_space<hbm>> -> memref<128xi32, #tpu.memory_space<hbm>>
      %dma_start3A_207 = tpu.memref_slice %arg3[%add3A_185] : memref<327680xi32, #tpu.memory_space<hbm>> -> memref<128xi32, #tpu.memory_space<hbm>>
      tpu.enqueue_dma source(%dma_start3A_207 : memref<128xi32, #tpu.memory_space<hbm>>) target(%arg8 : memref<128xi32, #tpu.memory_space<vmem>>) target_semaphore(%run_scoped3A : memref<!tpu.dma_semaphore, #tpu.memory_space<semaphore_mem>>)
      %dma_wait3A_208 = tpu.memref_slice %arg3[%add3A_185] : memref<327680xi32, #tpu.memory_space<hbm>> -> memref<128xi32, #tpu.memory_space<hbm>>
      %dma_wait3A_209 = tpu.memref_slice %arg3[%add3A_185] : memref<327680xi32, #tpu.memory_space<hbm>> -> memref<128xi32, #tpu.memory_space<hbm>>
      tpu.wait_dma2 semaphore(%run_scoped3A : memref<!tpu.dma_semaphore, #tpu.memory_space<semaphore_mem>>) src(%dma_wait3A_209 : memref<128xi32, #tpu.memory_space<hbm>>) dst(%arg8 : memref<128xi32, #tpu.memory_space<vmem>>)
      tpu.yield
    }) : () -> ()
    %add3A_186 = arith.constant 128 : i32
    %add3A_187 = arith.addi %mul3A_180, %add3A_186 : i32
    "tpu.region"() ({
      %run_scoped3A = tpu.sem_alloc : memref<!tpu.dma_semaphore, #tpu.memory_space<semaphore_mem>>
      %dma_start3A_206 = tpu.memref_slice %arg4[%add3A_187] : memref<327680xi32, #tpu.memory_space<hbm>> -> memref<128xi32, #tpu.memory_space<hbm>>
      %dma_start3A_207 = tpu.memref_slice %arg4[%add3A_187] : memref<327680xi32, #tpu.memory_space<hbm>> -> memref<128xi32, #tpu.memory_space<hbm>>
      tpu.enqueue_dma source(%dma_start3A_207 : memref<128xi32, #tpu.memory_space<hbm>>) target(%arg10 : memref<128xi32, #tpu.memory_space<vmem>>) target_semaphore(%run_scoped3A : memref<!tpu.dma_semaphore, #tpu.memory_space<semaphore_mem>>)
      %dma_wait3A_208 = tpu.memref_slice %arg4[%add3A_187] : memref<327680xi32, #tpu.memory_space<hbm>> -> memref<128xi32, #tpu.memory_space<hbm>>
      %dma_wait3A_209 = tpu.memref_slice %arg4[%add3A_187] : memref<327680xi32, #tpu.memory_space<hbm>> -> memref<128xi32, #tpu.memory_space<hbm>>
      tpu.wait_dma2 semaphore(%run_scoped3A : memref<!tpu.dma_semaphore, #tpu.memory_space<semaphore_mem>>) src(%dma_wait3A_209 : memref<128xi32, #tpu.memory_space<hbm>>) dst(%arg10 : memref<128xi32, #tpu.memory_space<vmem>>)
      tpu.yield
    }) : () -> ()
    %dma_start3A_188 = arith.constant 0 : i32
    %dma_start3A_189 = arith.constant 0 : i32
    %dma_start3A_190 = tpu.memref_slice %arg2[%dma_start3A_188, %dma_start3A_189] : memref<10240x128xf32, #tpu.memory_space<hbm>> -> memref<10240x128xf32, #tpu.memory_space<hbm>>
    tpu.enqueue_indirect_dma source(%dma_start3A_190 : memref<10240x128xf32, #tpu.memory_space<hbm>>) target(%arg12 : memref<128x128xf32, #tpu.memory_space<vmem>>) offsets(%arg8 : memref<128xi32, #tpu.memory_space<vmem>>) semaphore(%arg15 : memref<!tpu.dma_semaphore, #tpu.memory_space<semaphore_mem>>)
    %while3A = arith.constant 0 : i32
    %while3A_191 = arith.constant 0 : i32
    %while3A_192 = arith.constant 40 : i32
    %while3A_193 = arith.subi %while3A_192, %while3A_191 : i32
    %while3A_194 = arith.addi %while3A_191, %while3A_193 : i32
    %while3A_195 = arith.constant 1 : i32
    %while3A_196 = arith.divsi %while3A_193, %while3A_195 : i32
    %while3A_197 = arith.muli %while3A_196, %while3A_195 : i32
    %while3A_198 = arith.addi %while3A_191, %while3A_197 : i32
    %while3A_199 = arith.constant 1 : i32
    scf.for %while3A_206 = %while3A_191 to %while3A_198 step %while3A_199  : i32 {
      %mul3A_207 = arith.constant 2 : i32
      %mul3A_208 = arith.muli %while3A_206, %mul3A_207 : i32
      %dma_wait3A_209 = arith.constant 0 : i32
      %dma_wait3A_210 = arith.constant 0 : i32
      %dma_wait3A_211 = tpu.memref_slice %arg2[%dma_wait3A_209, %dma_wait3A_210] : memref<10240x128xf32, #tpu.memory_space<hbm>> -> memref<10240x128xf32, #tpu.memory_space<hbm>>
      tpu.wait_indirect_dma semaphore(%arg14 : memref<!tpu.dma_semaphore, #tpu.memory_space<semaphore_mem>>) src(%dma_wait3A_211 : memref<10240x128xf32, #tpu.memory_space<hbm>>) dst(%arg11 : memref<128x128xf32, #tpu.memory_space<vmem>>)
      "tpu.region"() ({
        %run_scoped3A = tpu.sem_alloc : memref<!tpu.dma_semaphore, #tpu.memory_space<semaphore_mem>>
        %dma_start3A_222 = arith.constant 0 : i32
        %dma_start3A_223 = arith.constant 0 : i32
        %dma_start3A_224 = tpu.memref_slice %arg13[%dma_start3A_222, %dma_start3A_223] : memref<10240x128xf32, #tpu.memory_space<vmem_shared>> -> memref<10240x128xf32, #tpu.memory_space<vmem_shared>>
        tpu.enqueue_indirect_dma source(%arg11 : memref<128x128xf32, #tpu.memory_space<vmem>>) target(%dma_start3A_224 : memref<10240x128xf32, #tpu.memory_space<vmem_shared>>) offsets(%arg9 : memref<128xi32, #tpu.memory_space<vmem>>) semaphore(%run_scoped3A : memref<!tpu.dma_semaphore, #tpu.memory_space<semaphore_mem>>) {add = true}
        %dma_wait3A_225 = arith.constant 0 : i32
        %dma_wait3A_226 = arith.constant 0 : i32
        %dma_wait3A_227 = tpu.memref_slice %arg13[%dma_wait3A_225, %dma_wait3A_226] : memref<10240x128xf32, #tpu.memory_space<vmem_shared>> -> memref<10240x128xf32, #tpu.memory_space<vmem_shared>>
        tpu.wait_indirect_dma semaphore(%run_scoped3A : memref<!tpu.dma_semaphore, #tpu.memory_space<semaphore_mem>>) src(%arg11 : memref<128x128xf32, #tpu.memory_space<vmem>>) dst(%dma_wait3A_227 : memref<10240x128xf32, #tpu.memory_space<vmem_shared>>)
        tpu.yield
      }) : () -> ()
      %lt3A = arith.constant 39 : i32
      %lt3A_212 = arith.cmpi slt, %while3A_206, %lt3A : i32
      %convert_element_type3A = arith.extui %lt3A_212 : i1 to i32
      %cond3A = arith.constant 0 : i32
      %cond3A_213 = arith.cmpi ne, %convert_element_type3A, %cond3A : i32
      scf.if %cond3A_213 {
        %add3A_222 = arith.constant 2 : i32
        %add3A_223 = arith.addi %mul3A_208, %add3A_222 : i32
        %mul3A_224 = arith.constant 128 : i32
        %mul3A_225 = arith.muli %add3A_223, %mul3A_224 : i32
        %add3A_226 = arith.addi %mul3A_180, %mul3A_225 : i32
        "tpu.region"() ({
          %run_scoped3A = tpu.sem_alloc : memref<!tpu.dma_semaphore, #tpu.memory_space<semaphore_mem>>
          %dma_start3A_230 = tpu.memref_slice %arg3[%add3A_226] : memref<327680xi32, #tpu.memory_space<hbm>> -> memref<128xi32, #tpu.memory_space<hbm>>
          %dma_start3A_231 = tpu.memref_slice %arg3[%add3A_226] : memref<327680xi32, #tpu.memory_space<hbm>> -> memref<128xi32, #tpu.memory_space<hbm>>
          tpu.enqueue_dma source(%dma_start3A_231 : memref<128xi32, #tpu.memory_space<hbm>>) target(%arg7 : memref<128xi32, #tpu.memory_space<vmem>>) target_semaphore(%run_scoped3A : memref<!tpu.dma_semaphore, #tpu.memory_space<semaphore_mem>>)
          %dma_wait3A_232 = tpu.memref_slice %arg3[%add3A_226] : memref<327680xi32, #tpu.memory_space<hbm>> -> memref<128xi32, #tpu.memory_space<hbm>>
          %dma_wait3A_233 = tpu.memref_slice %arg3[%add3A_226] : memref<327680xi32, #tpu.memory_space<hbm>> -> memref<128xi32, #tpu.memory_space<hbm>>
          tpu.wait_dma2 semaphore(%run_scoped3A : memref<!tpu.dma_semaphore, #tpu.memory_space<semaphore_mem>>) src(%dma_wait3A_233 : memref<128xi32, #tpu.memory_space<hbm>>) dst(%arg7 : memref<128xi32, #tpu.memory_space<vmem>>)
          tpu.yield
        }) : () -> ()
        "tpu.region"() ({
          %run_scoped3A = tpu.sem_alloc : memref<!tpu.dma_semaphore, #tpu.memory_space<semaphore_mem>>
          %dma_start3A_230 = tpu.memref_slice %arg4[%add3A_226] : memref<327680xi32, #tpu.memory_space<hbm>> -> memref<128xi32, #tpu.memory_space<hbm>>
          %dma_start3A_231 = tpu.memref_slice %arg4[%add3A_226] : memref<327680xi32, #tpu.memory_space<hbm>> -> memref<128xi32, #tpu.memory_space<hbm>>
          tpu.enqueue_dma source(%dma_start3A_231 : memref<128xi32, #tpu.memory_space<hbm>>) target(%arg9 : memref<128xi32, #tpu.memory_space<vmem>>) target_semaphore(%run_scoped3A : memref<!tpu.dma_semaphore, #tpu.memory_space<semaphore_mem>>)
          %dma_wait3A_232 = tpu.memref_slice %arg4[%add3A_226] : memref<327680xi32, #tpu.memory_space<hbm>> -> memref<128xi32, #tpu.memory_space<hbm>>
          %dma_wait3A_233 = tpu.memref_slice %arg4[%add3A_226] : memref<327680xi32, #tpu.memory_space<hbm>> -> memref<128xi32, #tpu.memory_space<hbm>>
          tpu.wait_dma2 semaphore(%run_scoped3A : memref<!tpu.dma_semaphore, #tpu.memory_space<semaphore_mem>>) src(%dma_wait3A_233 : memref<128xi32, #tpu.memory_space<hbm>>) dst(%arg9 : memref<128xi32, #tpu.memory_space<vmem>>)
          tpu.yield
        }) : () -> ()
        %dma_start3A_227 = arith.constant 0 : i32
        %dma_start3A_228 = arith.constant 0 : i32
        %dma_start3A_229 = tpu.memref_slice %arg2[%dma_start3A_227, %dma_start3A_228] : memref<10240x128xf32, #tpu.memory_space<hbm>> -> memref<10240x128xf32, #tpu.memory_space<hbm>>
        tpu.enqueue_indirect_dma source(%dma_start3A_229 : memref<10240x128xf32, #tpu.memory_space<hbm>>) target(%arg11 : memref<128x128xf32, #tpu.memory_space<vmem>>) offsets(%arg7 : memref<128xi32, #tpu.memory_space<vmem>>) semaphore(%arg14 : memref<!tpu.dma_semaphore, #tpu.memory_space<semaphore_mem>>)
      } else {
      }
      %dma_wait3A_214 = arith.constant 0 : i32
      %dma_wait3A_215 = arith.constant 0 : i32
      %dma_wait3A_216 = tpu.memref_slice %arg2[%dma_wait3A_214, %dma_wait3A_215] : memref<10240x128xf32, #tpu.memory_space<hbm>> -> memref<10240x128xf32, #tpu.memory_space<hbm>>
      tpu.wait_indirect_dma semaphore(%arg15 : memref<!tpu.dma_semaphore, #tpu.memory_space<semaphore_mem>>) src(%dma_wait3A_216 : memref<10240x128xf32, #tpu.memory_space<hbm>>) dst(%arg12 : memref<128x128xf32, #tpu.memory_space<vmem>>)
      "tpu.region"() ({
        %run_scoped3A = tpu.sem_alloc : memref<!tpu.dma_semaphore, #tpu.memory_space<semaphore_mem>>
        %dma_start3A_222 = arith.constant 0 : i32
        %dma_start3A_223 = arith.constant 0 : i32
        %dma_start3A_224 = tpu.memref_slice %arg13[%dma_start3A_222, %dma_start3A_223] : memref<10240x128xf32, #tpu.memory_space<vmem_shared>> -> memref<10240x128xf32, #tpu.memory_space<vmem_shared>>
        tpu.enqueue_indirect_dma source(%arg12 : memref<128x128xf32, #tpu.memory_space<vmem>>) target(%dma_start3A_224 : memref<10240x128xf32, #tpu.memory_space<vmem_shared>>) offsets(%arg10 : memref<128xi32, #tpu.memory_space<vmem>>) semaphore(%run_scoped3A : memref<!tpu.dma_semaphore, #tpu.memory_space<semaphore_mem>>) {add = true}
        %dma_wait3A_225 = arith.constant 0 : i32
        %dma_wait3A_226 = arith.constant 0 : i32
        %dma_wait3A_227 = tpu.memref_slice %arg13[%dma_wait3A_225, %dma_wait3A_226] : memref<10240x128xf32, #tpu.memory_space<vmem_shared>> -> memref<10240x128xf32, #tpu.memory_space<vmem_shared>>
        tpu.wait_indirect_dma semaphore(%run_scoped3A : memref<!tpu.dma_semaphore, #tpu.memory_space<semaphore_mem>>) src(%arg12 : memref<128x128xf32, #tpu.memory_space<vmem>>) dst(%dma_wait3A_227 : memref<10240x128xf32, #tpu.memory_space<vmem_shared>>)
        tpu.yield
      }) : () -> ()
      %lt3A_217 = arith.constant 39 : i32
      %lt3A_218 = arith.cmpi slt, %while3A_206, %lt3A_217 : i32
      %convert_element_type3A_219 = arith.extui %lt3A_218 : i1 to i32
      %cond3A_220 = arith.constant 0 : i32
      %cond3A_221 = arith.cmpi ne, %convert_element_type3A_219, %cond3A_220 : i32
      scf.if %cond3A_221 {
        %add3A_222 = arith.constant 3 : i32
        %add3A_223 = arith.addi %mul3A_208, %add3A_222 : i32
        %mul3A_224 = arith.constant 128 : i32
        %mul3A_225 = arith.muli %add3A_223, %mul3A_224 : i32
        %add3A_226 = arith.addi %mul3A_180, %mul3A_225 : i32
        "tpu.region"() ({
          %run_scoped3A = tpu.sem_alloc : memref<!tpu.dma_semaphore, #tpu.memory_space<semaphore_mem>>
          %dma_start3A_230 = tpu.memref_slice %arg3[%add3A_226] : memref<327680xi32, #tpu.memory_space<hbm>> -> memref<128xi32, #tpu.memory_space<hbm>>
          %dma_start3A_231 = tpu.memref_slice %arg3[%add3A_226] : memref<327680xi32, #tpu.memory_space<hbm>> -> memref<128xi32, #tpu.memory_space<hbm>>
          tpu.enqueue_dma source(%dma_start3A_231 : memref<128xi32, #tpu.memory_space<hbm>>) target(%arg8 : memref<128xi32, #tpu.memory_space<vmem>>) target_semaphore(%run_scoped3A : memref<!tpu.dma_semaphore, #tpu.memory_space<semaphore_mem>>)
          %dma_wait3A_232 = tpu.memref_slice %arg3[%add3A_226] : memref<327680xi32, #tpu.memory_space<hbm>> -> memref<128xi32, #tpu.memory_space<hbm>>
          %dma_wait3A_233 = tpu.memref_slice %arg3[%add3A_226] : memref<327680xi32, #tpu.memory_space<hbm>> -> memref<128xi32, #tpu.memory_space<hbm>>
          tpu.wait_dma2 semaphore(%run_scoped3A : memref<!tpu.dma_semaphore, #tpu.memory_space<semaphore_mem>>) src(%dma_wait3A_233 : memref<128xi32, #tpu.memory_space<hbm>>) dst(%arg8 : memref<128xi32, #tpu.memory_space<vmem>>)
          tpu.yield
        }) : () -> ()
        "tpu.region"() ({
          %run_scoped3A = tpu.sem_alloc : memref<!tpu.dma_semaphore, #tpu.memory_space<semaphore_mem>>
          %dma_start3A_230 = tpu.memref_slice %arg4[%add3A_226] : memref<327680xi32, #tpu.memory_space<hbm>> -> memref<128xi32, #tpu.memory_space<hbm>>
          %dma_start3A_231 = tpu.memref_slice %arg4[%add3A_226] : memref<327680xi32, #tpu.memory_space<hbm>> -> memref<128xi32, #tpu.memory_space<hbm>>
          tpu.enqueue_dma source(%dma_start3A_231 : memref<128xi32, #tpu.memory_space<hbm>>) target(%arg10 : memref<128xi32, #tpu.memory_space<vmem>>) target_semaphore(%run_scoped3A : memref<!tpu.dma_semaphore, #tpu.memory_space<semaphore_mem>>)
          %dma_wait3A_232 = tpu.memref_slice %arg4[%add3A_226] : memref<327680xi32, #tpu.memory_space<hbm>> -> memref<128xi32, #tpu.memory_space<hbm>>
          %dma_wait3A_233 = tpu.memref_slice %arg4[%add3A_226] : memref<327680xi32, #tpu.memory_space<hbm>> -> memref<128xi32, #tpu.memory_space<hbm>>
          tpu.wait_dma2 semaphore(%run_scoped3A : memref<!tpu.dma_semaphore, #tpu.memory_space<semaphore_mem>>) src(%dma_wait3A_233 : memref<128xi32, #tpu.memory_space<hbm>>) dst(%arg10 : memref<128xi32, #tpu.memory_space<vmem>>)
          tpu.yield
        }) : () -> ()
        %dma_start3A_227 = arith.constant 0 : i32
        %dma_start3A_228 = arith.constant 0 : i32
        %dma_start3A_229 = tpu.memref_slice %arg2[%dma_start3A_227, %dma_start3A_228] : memref<10240x128xf32, #tpu.memory_space<hbm>> -> memref<10240x128xf32, #tpu.memory_space<hbm>>
        tpu.enqueue_indirect_dma source(%dma_start3A_229 : memref<10240x128xf32, #tpu.memory_space<hbm>>) target(%arg12 : memref<128x128xf32, #tpu.memory_space<vmem>>) offsets(%arg8 : memref<128xi32, #tpu.memory_space<vmem>>) semaphore(%arg15 : memref<!tpu.dma_semaphore, #tpu.memory_space<semaphore_mem>>)
      } else {
      }
    }
    %while3A_200 = arith.constant 1 : i32
    scf.for %while3A_206 = %while3A_198 to %while3A_194 step %while3A_200  : i32 {
      %mul3A_207 = arith.constant 2 : i32
      %mul3A_208 = arith.muli %while3A_206, %mul3A_207 : i32
      %dma_wait3A_209 = arith.constant 0 : i32
      %dma_wait3A_210 = arith.constant 0 : i32
      %dma_wait3A_211 = tpu.memref_slice %arg2[%dma_wait3A_209, %dma_wait3A_210] : memref<10240x128xf32, #tpu.memory_space<hbm>> -> memref<10240x128xf32, #tpu.memory_space<hbm>>
      tpu.wait_indirect_dma semaphore(%arg14 : memref<!tpu.dma_semaphore, #tpu.memory_space<semaphore_mem>>) src(%dma_wait3A_211 : memref<10240x128xf32, #tpu.memory_space<hbm>>) dst(%arg11 : memref<128x128xf32, #tpu.memory_space<vmem>>)
      "tpu.region"() ({
        %run_scoped3A = tpu.sem_alloc : memref<!tpu.dma_semaphore, #tpu.memory_space<semaphore_mem>>
        %dma_start3A_222 = arith.constant 0 : i32
        %dma_start3A_223 = arith.constant 0 : i32
        %dma_start3A_224 = tpu.memref_slice %arg13[%dma_start3A_222, %dma_start3A_223] : memref<10240x128xf32, #tpu.memory_space<vmem_shared>> -> memref<10240x128xf32, #tpu.memory_space<vmem_shared>>
        tpu.enqueue_indirect_dma source(%arg11 : memref<128x128xf32, #tpu.memory_space<vmem>>) target(%dma_start3A_224 : memref<10240x128xf32, #tpu.memory_space<vmem_shared>>) offsets(%arg9 : memref<128xi32, #tpu.memory_space<vmem>>) semaphore(%run_scoped3A : memref<!tpu.dma_semaphore, #tpu.memory_space<semaphore_mem>>) {add = true}
        %dma_wait3A_225 = arith.constant 0 : i32
        %dma_wait3A_226 = arith.constant 0 : i32
        %dma_wait3A_227 = tpu.memref_slice %arg13[%dma_wait3A_225, %dma_wait3A_226] : memref<10240x128xf32, #tpu.memory_space<vmem_shared>> -> memref<10240x128xf32, #tpu.memory_space<vmem_shared>>
        tpu.wait_indirect_dma semaphore(%run_scoped3A : memref<!tpu.dma_semaphore, #tpu.memory_space<semaphore_mem>>) src(%arg11 : memref<128x128xf32, #tpu.memory_space<vmem>>) dst(%dma_wait3A_227 : memref<10240x128xf32, #tpu.memory_space<vmem_shared>>)
        tpu.yield
      }) : () -> ()
      %lt3A = arith.constant 39 : i32
      %lt3A_212 = arith.cmpi slt, %while3A_206, %lt3A : i32
      %convert_element_type3A = arith.extui %lt3A_212 : i1 to i32
      %cond3A = arith.constant 0 : i32
      %cond3A_213 = arith.cmpi ne, %convert_element_type3A, %cond3A : i32
      scf.if %cond3A_213 {
        %add3A_222 = arith.constant 2 : i32
        %add3A_223 = arith.addi %mul3A_208, %add3A_222 : i32
        %mul3A_224 = arith.constant 128 : i32
        %mul3A_225 = arith.muli %add3A_223, %mul3A_224 : i32
        %add3A_226 = arith.addi %mul3A_180, %mul3A_225 : i32
        "tpu.region"() ({
          %run_scoped3A = tpu.sem_alloc : memref<!tpu.dma_semaphore, #tpu.memory_space<semaphore_mem>>
          %dma_start3A_230 = tpu.memref_slice %arg3[%add3A_226] : memref<327680xi32, #tpu.memory_space<hbm>> -> memref<128xi32, #tpu.memory_space<hbm>>
          %dma_start3A_231 = tpu.memref_slice %arg3[%add3A_226] : memref<327680xi32, #tpu.memory_space<hbm>> -> memref<128xi32, #tpu.memory_space<hbm>>
          tpu.enqueue_dma source(%dma_start3A_231 : memref<128xi32, #tpu.memory_space<hbm>>) target(%arg7 : memref<128xi32, #tpu.memory_space<vmem>>) target_semaphore(%run_scoped3A : memref<!tpu.dma_semaphore, #tpu.memory_space<semaphore_mem>>)
          %dma_wait3A_232 = tpu.memref_slice %arg3[%add3A_226] : memref<327680xi32, #tpu.memory_space<hbm>> -> memref<128xi32, #tpu.memory_space<hbm>>
          %dma_wait3A_233 = tpu.memref_slice %arg3[%add3A_226] : memref<327680xi32, #tpu.memory_space<hbm>> -> memref<128xi32, #tpu.memory_space<hbm>>
          tpu.wait_dma2 semaphore(%run_scoped3A : memref<!tpu.dma_semaphore, #tpu.memory_space<semaphore_mem>>) src(%dma_wait3A_233 : memref<128xi32, #tpu.memory_space<hbm>>) dst(%arg7 : memref<128xi32, #tpu.memory_space<vmem>>)
          tpu.yield
        }) : () -> ()
        "tpu.region"() ({
          %run_scoped3A = tpu.sem_alloc : memref<!tpu.dma_semaphore, #tpu.memory_space<semaphore_mem>>
          %dma_start3A_230 = tpu.memref_slice %arg4[%add3A_226] : memref<327680xi32, #tpu.memory_space<hbm>> -> memref<128xi32, #tpu.memory_space<hbm>>
          %dma_start3A_231 = tpu.memref_slice %arg4[%add3A_226] : memref<327680xi32, #tpu.memory_space<hbm>> -> memref<128xi32, #tpu.memory_space<hbm>>
          tpu.enqueue_dma source(%dma_start3A_231 : memref<128xi32, #tpu.memory_space<hbm>>) target(%arg9 : memref<128xi32, #tpu.memory_space<vmem>>) target_semaphore(%run_scoped3A : memref<!tpu.dma_semaphore, #tpu.memory_space<semaphore_mem>>)
          %dma_wait3A_232 = tpu.memref_slice %arg4[%add3A_226] : memref<327680xi32, #tpu.memory_space<hbm>> -> memref<128xi32, #tpu.memory_space<hbm>>
          %dma_wait3A_233 = tpu.memref_slice %arg4[%add3A_226] : memref<327680xi32, #tpu.memory_space<hbm>> -> memref<128xi32, #tpu.memory_space<hbm>>
          tpu.wait_dma2 semaphore(%run_scoped3A : memref<!tpu.dma_semaphore, #tpu.memory_space<semaphore_mem>>) src(%dma_wait3A_233 : memref<128xi32, #tpu.memory_space<hbm>>) dst(%arg9 : memref<128xi32, #tpu.memory_space<vmem>>)
          tpu.yield
        }) : () -> ()
        %dma_start3A_227 = arith.constant 0 : i32
        %dma_start3A_228 = arith.constant 0 : i32
        %dma_start3A_229 = tpu.memref_slice %arg2[%dma_start3A_227, %dma_start3A_228] : memref<10240x128xf32, #tpu.memory_space<hbm>> -> memref<10240x128xf32, #tpu.memory_space<hbm>>
        tpu.enqueue_indirect_dma source(%dma_start3A_229 : memref<10240x128xf32, #tpu.memory_space<hbm>>) target(%arg11 : memref<128x128xf32, #tpu.memory_space<vmem>>) offsets(%arg7 : memref<128xi32, #tpu.memory_space<vmem>>) semaphore(%arg14 : memref<!tpu.dma_semaphore, #tpu.memory_space<semaphore_mem>>)
      } else {
      }
      %dma_wait3A_214 = arith.constant 0 : i32
      %dma_wait3A_215 = arith.constant 0 : i32
      %dma_wait3A_216 = tpu.memref_slice %arg2[%dma_wait3A_214, %dma_wait3A_215] : memref<10240x128xf32, #tpu.memory_space<hbm>> -> memref<10240x128xf32, #tpu.memory_space<hbm>>
      tpu.wait_indirect_dma semaphore(%arg15 : memref<!tpu.dma_semaphore, #tpu.memory_space<semaphore_mem>>) src(%dma_wait3A_216 : memref<10240x128xf32, #tpu.memory_space<hbm>>) dst(%arg12 : memref<128x128xf32, #tpu.memory_space<vmem>>)
      "tpu.region"() ({
        %run_scoped3A = tpu.sem_alloc : memref<!tpu.dma_semaphore, #tpu.memory_space<semaphore_mem>>
        %dma_start3A_222 = arith.constant 0 : i32
        %dma_start3A_223 = arith.constant 0 : i32
        %dma_start3A_224 = tpu.memref_slice %arg13[%dma_start3A_222, %dma_start3A_223] : memref<10240x128xf32, #tpu.memory_space<vmem_shared>> -> memref<10240x128xf32, #tpu.memory_space<vmem_shared>>
        tpu.enqueue_indirect_dma source(%arg12 : memref<128x128xf32, #tpu.memory_space<vmem>>) target(%dma_start3A_224 : memref<10240x128xf32, #tpu.memory_space<vmem_shared>>) offsets(%arg10 : memref<128xi32, #tpu.memory_space<vmem>>) semaphore(%run_scoped3A : memref<!tpu.dma_semaphore, #tpu.memory_space<semaphore_mem>>) {add = true}
        %dma_wait3A_225 = arith.constant 0 : i32
        %dma_wait3A_226 = arith.constant 0 : i32
        %dma_wait3A_227 = tpu.memref_slice %arg13[%dma_wait3A_225, %dma_wait3A_226] : memref<10240x128xf32, #tpu.memory_space<vmem_shared>> -> memref<10240x128xf32, #tpu.memory_space<vmem_shared>>
        tpu.wait_indirect_dma semaphore(%run_scoped3A : memref<!tpu.dma_semaphore, #tpu.memory_space<semaphore_mem>>) src(%arg12 : memref<128x128xf32, #tpu.memory_space<vmem>>) dst(%dma_wait3A_227 : memref<10240x128xf32, #tpu.memory_space<vmem_shared>>)
        tpu.yield
      }) : () -> ()
      %lt3A_217 = arith.constant 39 : i32
      %lt3A_218 = arith.cmpi slt, %while3A_206, %lt3A_217 : i32
      %convert_element_type3A_219 = arith.extui %lt3A_218 : i1 to i32
      %cond3A_220 = arith.constant 0 : i32
      %cond3A_221 = arith.cmpi ne, %convert_element_type3A_219, %cond3A_220 : i32
      scf.if %cond3A_221 {
        %add3A_222 = arith.constant 3 : i32
        %add3A_223 = arith.addi %mul3A_208, %add3A_222 : i32
        %mul3A_224 = arith.constant 128 : i32
        %mul3A_225 = arith.muli %add3A_223, %mul3A_224 : i32
        %add3A_226 = arith.addi %mul3A_180, %mul3A_225 : i32
        "tpu.region"() ({
          %run_scoped3A = tpu.sem_alloc : memref<!tpu.dma_semaphore, #tpu.memory_space<semaphore_mem>>
          %dma_start3A_230 = tpu.memref_slice %arg3[%add3A_226] : memref<327680xi32, #tpu.memory_space<hbm>> -> memref<128xi32, #tpu.memory_space<hbm>>
          %dma_start3A_231 = tpu.memref_slice %arg3[%add3A_226] : memref<327680xi32, #tpu.memory_space<hbm>> -> memref<128xi32, #tpu.memory_space<hbm>>
          tpu.enqueue_dma source(%dma_start3A_231 : memref<128xi32, #tpu.memory_space<hbm>>) target(%arg8 : memref<128xi32, #tpu.memory_space<vmem>>) target_semaphore(%run_scoped3A : memref<!tpu.dma_semaphore, #tpu.memory_space<semaphore_mem>>)
          %dma_wait3A_232 = tpu.memref_slice %arg3[%add3A_226] : memref<327680xi32, #tpu.memory_space<hbm>> -> memref<128xi32, #tpu.memory_space<hbm>>
          %dma_wait3A_233 = tpu.memref_slice %arg3[%add3A_226] : memref<327680xi32, #tpu.memory_space<hbm>> -> memref<128xi32, #tpu.memory_space<hbm>>
          tpu.wait_dma2 semaphore(%run_scoped3A : memref<!tpu.dma_semaphore, #tpu.memory_space<semaphore_mem>>) src(%dma_wait3A_233 : memref<128xi32, #tpu.memory_space<hbm>>) dst(%arg8 : memref<128xi32, #tpu.memory_space<vmem>>)
          tpu.yield
        }) : () -> ()
        "tpu.region"() ({
          %run_scoped3A = tpu.sem_alloc : memref<!tpu.dma_semaphore, #tpu.memory_space<semaphore_mem>>
          %dma_start3A_230 = tpu.memref_slice %arg4[%add3A_226] : memref<327680xi32, #tpu.memory_space<hbm>> -> memref<128xi32, #tpu.memory_space<hbm>>
          %dma_start3A_231 = tpu.memref_slice %arg4[%add3A_226] : memref<327680xi32, #tpu.memory_space<hbm>> -> memref<128xi32, #tpu.memory_space<hbm>>
          tpu.enqueue_dma source(%dma_start3A_231 : memref<128xi32, #tpu.memory_space<hbm>>) target(%arg10 : memref<128xi32, #tpu.memory_space<vmem>>) target_semaphore(%run_scoped3A : memref<!tpu.dma_semaphore, #tpu.memory_space<semaphore_mem>>)
          %dma_wait3A_232 = tpu.memref_slice %arg4[%add3A_226] : memref<327680xi32, #tpu.memory_space<hbm>> -> memref<128xi32, #tpu.memory_space<hbm>>
          %dma_wait3A_233 = tpu.memref_slice %arg4[%add3A_226] : memref<327680xi32, #tpu.memory_space<hbm>> -> memref<128xi32, #tpu.memory_space<hbm>>
          tpu.wait_dma2 semaphore(%run_scoped3A : memref<!tpu.dma_semaphore, #tpu.memory_space<semaphore_mem>>) src(%dma_wait3A_233 : memref<128xi32, #tpu.memory_space<hbm>>) dst(%arg10 : memref<128xi32, #tpu.memory_space<vmem>>)
          tpu.yield
        }) : () -> ()
        %dma_start3A_227 = arith.constant 0 : i32
        %dma_start3A_228 = arith.constant 0 : i32
        %dma_start3A_229 = tpu.memref_slice %arg2[%dma_start3A_227, %dma_start3A_228] : memref<10240x128xf32, #tpu.memory_space<hbm>> -> memref<10240x128xf32, #tpu.memory_space<hbm>>
        tpu.enqueue_indirect_dma source(%dma_start3A_229 : memref<10240x128xf32, #tpu.memory_space<hbm>>) target(%arg12 : memref<128x128xf32, #tpu.memory_space<vmem>>) offsets(%arg8 : memref<128xi32, #tpu.memory_space<vmem>>) semaphore(%arg15 : memref<!tpu.dma_semaphore, #tpu.memory_space<semaphore_mem>>)
      } else {
      }
    }
    %barrier3A_201 = arith.constant 0 : index
    tpu.barrier barrier_id(%barrier3A_201)
    %mul3A_202 = arith.constant 640 : i32
    %mul3A_203 = arith.muli %arg1, %mul3A_202 : i32
    %mul3A_204 = arith.constant 640 : i32
    %mul3A_205 = arith.muli %arg1, %mul3A_204 : i32
    "tpu.region"() ({
      %run_scoped3A = tpu.sem_alloc : memref<!tpu.dma_semaphore, #tpu.memory_space<semaphore_mem>>
      %dma_start3A_206 = arith.constant 0 : i32
      %dma_start3A_207 = tpu.memref_slice %arg6[%arg0, %mul3A_205, %dma_start3A_206] : memref<2x10240x128xf32, #tpu.memory_space<hbm>> -> memref<1x640x128xf32, #tpu.memory_space<hbm>>
      %dma_start3A_208 = tpu.memref_squeeze %dma_start3A_207 : memref<1x640x128xf32, #tpu.memory_space<hbm>> -> memref<640x128xf32, #tpu.memory_space<hbm>>
      %dma_start3A_209 = arith.constant 0 : i32
      %dma_start3A_210 = tpu.memref_slice %arg13[%mul3A_203, %dma_start3A_209] : memref<10240x128xf32, #tpu.memory_space<vmem_shared>> -> memref<640x128xf32, #tpu.memory_space<vmem_shared>>
      tpu.enqueue_dma source(%dma_start3A_210 : memref<640x128xf32, #tpu.memory_space<vmem_shared>>) target(%dma_start3A_208 : memref<640x128xf32, #tpu.memory_space<hbm>>) target_semaphore(%run_scoped3A : memref<!tpu.dma_semaphore, #tpu.memory_space<semaphore_mem>>)
      %dma_wait3A_211 = arith.constant 0 : i32
      %dma_wait3A_212 = tpu.memref_slice %arg6[%arg0, %mul3A_205, %dma_wait3A_211] : memref<2x10240x128xf32, #tpu.memory_space<hbm>> -> memref<1x640x128xf32, #tpu.memory_space<hbm>>
      %dma_wait3A_213 = tpu.memref_squeeze %dma_wait3A_212 : memref<1x640x128xf32, #tpu.memory_space<hbm>> -> memref<640x128xf32, #tpu.memory_space<hbm>>
      %dma_wait3A_214 = arith.constant 0 : i32
      %dma_wait3A_215 = tpu.memref_slice %arg13[%mul3A_203, %dma_wait3A_214] : memref<10240x128xf32, #tpu.memory_space<vmem_shared>> -> memref<640x128xf32, #tpu.memory_space<vmem_shared>>
      tpu.wait_dma2 semaphore(%run_scoped3A : memref<!tpu.dma_semaphore, #tpu.memory_space<semaphore_mem>>) src(%dma_wait3A_215 : memref<640x128xf32, #tpu.memory_space<vmem_shared>>) dst(%dma_wait3A_213 : memref<640x128xf32, #tpu.memory_space<hbm>>)
      tpu.yield
    }) : () -> ()
    return
  }
}

module attributes {stable_mosaic.version = 14 : i64} {
  func.func @_enc1_body(%arg0: i32, %arg1: memref<1024x128xf32, #tpu.memory_space<vmem>>, %arg2: memref<2x1024x1xf32, #tpu.memory_space<vmem>>, %arg3: memref<2x1024x1xf32, #tpu.memory_space<vmem>>, %arg4: memref<128x128xf32, #tpu.memory_space<vmem>>, %arg5: memref<1024x128xf32, #tpu.memory_space<vmem>>, %arg6: memref<1024x1xf32, #tpu.memory_space<vmem>>, %arg7: memref<1024x1xf32, #tpu.memory_space<vmem>>) attributes {dimension_semantics = [#tpu.dimension_semantics<arbitrary>], iteration_bounds = array<i64: 10>, scalar_prefetch = 0 : i64, scratch_operands = 0 : i64, tpu.core_type = #tpu.core_type<tc>, window_params = [{transform_indices = @transform_0, window_bounds = array<i64: 1024, 128>}, {transform_indices = @transform_1, window_bounds = array<i64: 2, 1024, 1>}, {transform_indices = @transform_2, window_bounds = array<i64: 2, 1024, 1>}, {pipeline_mode = #tpu.pipeline_mode<synchronous>, transform_indices = @transform_3, window_bounds = array<i64: 128, 128>}, {transform_indices = @transform_4, window_bounds = array<i64: 1024, 128>}, {transform_indices = @transform_5, window_bounds = array<i64: 1024, 1>}, {transform_indices = @transform_6, window_bounds = array<i64: 1024, 1>}]} {
    %get3A = arith.constant 0 : index
    %get3A_0 = arith.constant 0 : index
    %get3A_1 = arith.constant 0 : index
    %get3A_2 = vector.load %arg2[%get3A, %get3A_0, %get3A_1] : memref<2x1024x1xf32, #tpu.memory_space<vmem>>, vector<1x1024x1xf32>
    %get3A_3 = vector.shape_cast %get3A_2 : vector<1x1024x1xf32> to vector<1024x1xf32>
    %get3A_4 = arith.constant 1 : index
    %get3A_5 = arith.constant 0 : index
    %get3A_6 = arith.constant 0 : index
    %get3A_7 = vector.load %arg2[%get3A_4, %get3A_5, %get3A_6] : memref<2x1024x1xf32, #tpu.memory_space<vmem>>, vector<1x1024x1xf32>
    %get3A_8 = vector.shape_cast %get3A_7 : vector<1x1024x1xf32> to vector<1024x1xf32>
    %add3A = arith.addf %get3A_3, %get3A_8 : vector<1024x1xf32>
    %get3A_9 = arith.constant 0 : index
    %get3A_10 = arith.constant 0 : index
    %get3A_11 = arith.constant 0 : index
    %get3A_12 = vector.load %arg3[%get3A_9, %get3A_10, %get3A_11] : memref<2x1024x1xf32, #tpu.memory_space<vmem>>, vector<1x1024x1xf32>
    %get3A_13 = vector.shape_cast %get3A_12 : vector<1x1024x1xf32> to vector<1024x1xf32>
    %get3A_14 = arith.constant 1 : index
    %get3A_15 = arith.constant 0 : index
    %get3A_16 = arith.constant 0 : index
    %get3A_17 = vector.load %arg3[%get3A_14, %get3A_15, %get3A_16] : memref<2x1024x1xf32, #tpu.memory_space<vmem>>, vector<1x1024x1xf32>
    %get3A_18 = vector.shape_cast %get3A_17 : vector<1x1024x1xf32> to vector<1024x1xf32>
    %add3A_19 = arith.addf %get3A_13, %get3A_18 : vector<1024x1xf32>
    %gt3A = arith.constant 0.000000e+00 : f32
    %gt3A_20 = vector.broadcast %gt3A : f32 to vector<1024x1xf32>
    %gt3A_21 = arith.cmpf ogt, %add3A, %gt3A_20 : vector<1024x1xf32>
    %rsqrt3A = math.rsqrt %add3A : vector<1024x1xf32>
    %jit3A = arith.constant 0.000000e+00 : f64
    %convert_element_type3A = arith.truncf %jit3A : f64 to f32
    %broadcast_in_dim3A = vector.broadcast %convert_element_type3A : f32 to vector<1024x1xf32>
    %select_n3A = arith.select %gt3A_21, %rsqrt3A, %broadcast_in_dim3A : vector<1024x1xi1>, vector<1024x1xf32>
    %gt3A_22 = arith.constant 0.000000e+00 : f32
    %gt3A_23 = vector.broadcast %gt3A_22 : f32 to vector<1024x1xf32>
    %gt3A_24 = arith.cmpf ogt, %add3A_19, %gt3A_23 : vector<1024x1xf32>
    %rsqrt3A_25 = math.rsqrt %add3A_19 : vector<1024x1xf32>
    %jit3A_26 = arith.constant 0.000000e+00 : f64
    %convert_element_type3A_27 = arith.truncf %jit3A_26 : f64 to f32
    %broadcast_in_dim3A_28 = vector.broadcast %convert_element_type3A_27 : f32 to vector<1024x1xf32>
    %select_n3A_29 = arith.select %gt3A_24, %rsqrt3A_25, %broadcast_in_dim3A_28 : vector<1024x1xi1>, vector<1024x1xf32>
    %swap3A = arith.constant 0 : index
    %swap3A_30 = arith.constant 0 : index
    %swap3A_31 = vector.load %arg6[%swap3A, %swap3A_30] : memref<1024x1xf32, #tpu.memory_space<vmem>>, vector<1024x1xf32>
    tpu.vector_store %arg6[%swap3A, %swap3A_30], %select_n3A {strides = array<i32>} : memref<1024x1xf32, #tpu.memory_space<vmem>>, vector<1024x1xf32>,
    %swap3A_32 = arith.constant 0 : index
    %swap3A_33 = arith.constant 0 : index
    %swap3A_34 = vector.load %arg7[%swap3A_32, %swap3A_33] : memref<1024x1xf32, #tpu.memory_space<vmem>>, vector<1024x1xf32>
    tpu.vector_store %arg7[%swap3A_32, %swap3A_33], %select_n3A_29 {strides = array<i32>} : memref<1024x1xf32, #tpu.memory_space<vmem>>, vector<1024x1xf32>,
    %get3A_35 = arith.constant 0 : index
    %get3A_36 = arith.constant 0 : index
    %get3A_37 = vector.load %arg1[%get3A_35, %get3A_36] : memref<1024x128xf32, #tpu.memory_space<vmem>>, vector<1024x128xf32>
    %mul3A = vector.broadcast %select_n3A : vector<1024x1xf32> to vector<1024x128xf32>
    %mul3A_38 = arith.mulf %get3A_37, %mul3A : vector<1024x128xf32>
    %get3A_39 = arith.constant 0 : index
    %get3A_40 = arith.constant 0 : index
    %get3A_41 = vector.load %arg4[%get3A_39, %get3A_40] : memref<128x128xf32, #tpu.memory_space<vmem>>, vector<128x128xf32>
    %dot_general3A = arith.constant dense<0.000000e+00> : vector<1024x128xf32>
    %dot_general3A_42 = tpu.matmul %mul3A_38, %get3A_41, %dot_general3A {dimension_numbers = #tpu.dot_dimension_numbers<[1], [0], [0], [1], [0, 0, 1, 1], [], []>, transpose_lhs_hint = false} : vector<1024x128xf32>, vector<128x128xf32>, vector<1024x128xf32> -> vector<1024x128xf32>
    %swap3A_43 = arith.constant 0 : index
    %swap3A_44 = arith.constant 0 : index
    %swap3A_45 = vector.load %arg5[%swap3A_43, %swap3A_44] : memref<1024x128xf32, #tpu.memory_space<vmem>>, vector<1024x128xf32>
    tpu.vector_store %arg5[%swap3A_43, %swap3A_44], %dot_general3A_42 {strides = array<i32>} : memref<1024x128xf32, #tpu.memory_space<vmem>>, vector<1024x128xf32>,
    return
  }
  func.func @transform_0(%arg0: i32) -> (i32, i32) {
    %c0_i32 = arith.constant 0 : i32
    %c0_i32_0 = arith.constant 0 : i32
    return %arg0, %c0_i32 : i32, i32
  }
  func.func @transform_1(%arg0: i32) -> (i32, i32, i32) {
    %c0_i32 = arith.constant 0 : i32
    %c0_i32_0 = arith.constant 0 : i32
    %c0_i32_1 = arith.constant 0 : i32
    return %c0_i32, %arg0, %c0_i32_0 : i32, i32, i32
  }
  func.func @transform_2(%arg0: i32) -> (i32, i32, i32) {
    %c0_i32 = arith.constant 0 : i32
    %c0_i32_0 = arith.constant 0 : i32
    %c0_i32_1 = arith.constant 0 : i32
    return %c0_i32, %arg0, %c0_i32_0 : i32, i32, i32
  }
  func.func @transform_3(%arg0: i32) -> (i32, i32) {
    %c0_i32 = arith.constant 0 : i32
    %c0_i32_0 = arith.constant 0 : i32
    %c0_i32_1 = arith.constant 0 : i32
    return %c0_i32, %c0_i32_0 : i32, i32
  }
  func.func @transform_4(%arg0: i32) -> (i32, i32) {
    %c0_i32 = arith.constant 0 : i32
    %c0_i32_0 = arith.constant 0 : i32
    return %arg0, %c0_i32 : i32, i32
  }
  func.func @transform_5(%arg0: i32) -> (i32, i32) {
    %c0_i32 = arith.constant 0 : i32
    %c0_i32_0 = arith.constant 0 : i32
    return %arg0, %c0_i32 : i32, i32
  }
  func.func @transform_6(%arg0: i32) -> (i32, i32) {
    %c0_i32 = arith.constant 0 : i32
    %c0_i32_0 = arith.constant 0 : i32
    return %arg0, %c0_i32 : i32, i32
  }
}

module attributes {stable_mosaic.version = 14 : i64} {
  func.func @_enc2_body(%arg0: i32, %arg1: memref<2x1024x128xf32, #tpu.memory_space<vmem>>, %arg2: memref<1024x1xf32, #tpu.memory_space<vmem>>, %arg3: memref<1024x1xf32, #tpu.memory_space<vmem>>, %arg4: memref<1x128xf32, #tpu.memory_space<vmem>>, %arg5: memref<1x1xf32, #tpu.memory_space<vmem>>, %arg6: memref<128x128xf32, #tpu.memory_space<vmem>>, %arg7: memref<1024x128xf32, #tpu.memory_space<vmem>>) attributes {dimension_semantics = [#tpu.dimension_semantics<arbitrary>], iteration_bounds = array<i64: 10>, scalar_prefetch = 0 : i64, scratch_operands = 0 : i64, tpu.core_type = #tpu.core_type<tc>, window_params = [{transform_indices = @transform_0, window_bounds = array<i64: 2, 1024, 128>}, {transform_indices = @transform_1, window_bounds = array<i64: 1024, 1>}, {transform_indices = @transform_2, window_bounds = array<i64: 1024, 1>}, {pipeline_mode = #tpu.pipeline_mode<synchronous>, transform_indices = @transform_3, window_bounds = array<i64: 1, 128>}, {pipeline_mode = #tpu.pipeline_mode<synchronous>, transform_indices = @transform_4, window_bounds = array<i64: 1, 1>}, {pipeline_mode = #tpu.pipeline_mode<synchronous>, transform_indices = @transform_5, window_bounds = array<i64: 128, 128>}, {transform_indices = @transform_6, window_bounds = array<i64: 1024, 128>}]} {
    %get3A = arith.constant 0 : index
    %get3A_0 = arith.constant 0 : index
    %get3A_1 = arith.constant 0 : index
    %get3A_2 = vector.load %arg1[%get3A, %get3A_0, %get3A_1] : memref<2x1024x128xf32, #tpu.memory_space<vmem>>, vector<1x1024x128xf32>
    %get3A_3 = vector.shape_cast %get3A_2 : vector<1x1024x128xf32> to vector<1024x128xf32>
    %get3A_4 = arith.constant 1 : index
    %get3A_5 = arith.constant 0 : index
    %get3A_6 = arith.constant 0 : index
    %get3A_7 = vector.load %arg1[%get3A_4, %get3A_5, %get3A_6] : memref<2x1024x128xf32, #tpu.memory_space<vmem>>, vector<1x1024x128xf32>
    %get3A_8 = vector.shape_cast %get3A_7 : vector<1x1024x128xf32> to vector<1024x128xf32>
    %add3A = arith.addf %get3A_3, %get3A_8 : vector<1024x128xf32>
    %get3A_9 = arith.constant 0 : index
    %get3A_10 = arith.constant 0 : index
    %get3A_11 = vector.load %arg3[%get3A_9, %get3A_10] : memref<1024x1xf32, #tpu.memory_space<vmem>>, vector<1024x1xf32>
    %mul3A = vector.broadcast %get3A_11 : vector<1024x1xf32> to vector<1024x128xf32>
    %mul3A_12 = arith.mulf %add3A, %mul3A : vector<1024x128xf32>
    %get3A_13 = arith.constant 0 : index
    %get3A_14 = arith.constant 0 : index
    %get3A_15 = vector.load %arg4[%get3A_13, %get3A_14] : memref<1x128xf32, #tpu.memory_space<vmem>>, vector<1x128xf32>
    %add3A_16 = vector.broadcast %get3A_15 : vector<1x128xf32> to vector<1024x128xf32>
    %add3A_17 = arith.addf %mul3A_12, %add3A_16 : vector<1024x128xf32>
    %ge3A = arith.constant 0.000000e+00 : f32
    %ge3A_18 = vector.broadcast %ge3A : f32 to vector<1024x128xf32>
    %ge3A_19 = arith.cmpf oge, %add3A_17, %ge3A_18 : vector<1024x128xf32>
    %get3A_20 = arith.constant 0 : index
    %get3A_21 = arith.constant 0 : index
    %get3A_22 = vector.load %arg5[%get3A_20, %get3A_21] : memref<1x1xf32, #tpu.memory_space<vmem>>, vector<1x1xf32>
    %mul3A_23 = vector.broadcast %get3A_22 : vector<1x1xf32> to vector<1024x128xf32>
    %mul3A_24 = arith.mulf %mul3A_23, %add3A_17 : vector<1024x128xf32>
    %select_n3A = arith.select %ge3A_19, %add3A_17, %mul3A_24 : vector<1024x128xi1>, vector<1024x128xf32>
    %get3A_25 = arith.constant 0 : index
    %get3A_26 = arith.constant 0 : index
    %get3A_27 = vector.load %arg2[%get3A_25, %get3A_26] : memref<1024x1xf32, #tpu.memory_space<vmem>>, vector<1024x1xf32>
    %mul3A_28 = vector.broadcast %get3A_27 : vector<1024x1xf32> to vector<1024x128xf32>
    %mul3A_29 = arith.mulf %select_n3A, %mul3A_28 : vector<1024x128xf32>
    %get3A_30 = arith.constant 0 : index
    %get3A_31 = arith.constant 0 : index
    %get3A_32 = vector.load %arg6[%get3A_30, %get3A_31] : memref<128x128xf32, #tpu.memory_space<vmem>>, vector<128x128xf32>
    %dot_general3A = arith.constant dense<0.000000e+00> : vector<1024x128xf32>
    %dot_general3A_33 = tpu.matmul %mul3A_29, %get3A_32, %dot_general3A {dimension_numbers = #tpu.dot_dimension_numbers<[1], [0], [0], [1], [0, 0, 1, 1], [], []>, transpose_lhs_hint = false} : vector<1024x128xf32>, vector<128x128xf32>, vector<1024x128xf32> -> vector<1024x128xf32>
    %swap3A = arith.constant 0 : index
    %swap3A_34 = arith.constant 0 : index
    %swap3A_35 = vector.load %arg7[%swap3A, %swap3A_34] : memref<1024x128xf32, #tpu.memory_space<vmem>>, vector<1024x128xf32>
    tpu.vector_store %arg7[%swap3A, %swap3A_34], %dot_general3A_33 {strides = array<i32>} : memref<1024x128xf32, #tpu.memory_space<vmem>>, vector<1024x128xf32>,
    return
  }
  func.func @transform_0(%arg0: i32) -> (i32, i32, i32) {
    %c0_i32 = arith.constant 0 : i32
    %c0_i32_0 = arith.constant 0 : i32
    %c0_i32_1 = arith.constant 0 : i32
    return %c0_i32, %arg0, %c0_i32_0 : i32, i32, i32
  }
  func.func @transform_1(%arg0: i32) -> (i32, i32) {
    %c0_i32 = arith.constant 0 : i32
    %c0_i32_0 = arith.constant 0 : i32
    return %arg0, %c0_i32 : i32, i32
  }
  func.func @transform_2(%arg0: i32) -> (i32, i32) {
    %c0_i32 = arith.constant 0 : i32
    %c0_i32_0 = arith.constant 0 : i32
    return %arg0, %c0_i32 : i32, i32
  }
  func.func @transform_3(%arg0: i32) -> (i32, i32) {
    %c0_i32 = arith.constant 0 : i32
    %c0_i32_0 = arith.constant 0 : i32
    %c0_i32_1 = arith.constant 0 : i32
    return %c0_i32, %c0_i32_0 : i32, i32
  }
  func.func @transform_4(%arg0: i32) -> (i32, i32) {
    %c0_i32 = arith.constant 0 : i32
    %c0_i32_0 = arith.constant 0 : i32
    %c0_i32_1 = arith.constant 0 : i32
    return %c0_i32, %c0_i32_0 : i32, i32
  }
  func.func @transform_5(%arg0: i32) -> (i32, i32) {
    %c0_i32 = arith.constant 0 : i32
    %c0_i32_0 = arith.constant 0 : i32
    %c0_i32_1 = arith.constant 0 : i32
    return %c0_i32, %c0_i32_0 : i32, i32
  }
  func.func @transform_6(%arg0: i32) -> (i32, i32) {
    %c0_i32 = arith.constant 0 : i32
    %c0_i32_0 = arith.constant 0 : i32
    return %arg0, %c0_i32 : i32, i32
  }
}

module attributes {stable_mosaic.version = 14 : i64} {
  func.func @_tail_body(%arg0: i32, %arg1: memref<2x1024x128xf32, #tpu.memory_space<vmem>>, %arg2: memref<1024x1xf32, #tpu.memory_space<vmem>>, %arg3: memref<1x128xf32, #tpu.memory_space<vmem>>, %arg4: memref<1x1xf32, #tpu.memory_space<vmem>>, %arg5: memref<1024x1xi32, #tpu.memory_space<vmem>>, %arg6: memref<2x128xf32, #tpu.memory_space<vmem>>, %arg7: memref<1x2xf32, #tpu.memory_space<vmem>>, %arg8: memref<512x2xf32, #tpu.memory_space<vmem>>, %arg9: memref<1024x2xf32, #tpu.memory_space<vmem>>, %arg10: memref<512x128xf32, #tpu.memory_space<vmem>>, %arg11: memref<512x1xf32, #tpu.memory_space<vmem>>, %arg12: memref<512x2xf32, #tpu.memory_space<vmem>>) attributes {dimension_semantics = [#tpu.dimension_semantics<arbitrary>], iteration_bounds = array<i64: 21>, scalar_prefetch = 0 : i64, scratch_operands = 3 : i64, tpu.core_type = #tpu.core_type<tc>, window_params = [{transform_indices = @transform_0, window_bounds = array<i64: 2, 1024, 128>}, {transform_indices = @transform_1, window_bounds = array<i64: 1024, 1>}, {pipeline_mode = #tpu.pipeline_mode<synchronous>, transform_indices = @transform_2, window_bounds = array<i64: 1, 128>}, {pipeline_mode = #tpu.pipeline_mode<synchronous>, transform_indices = @transform_3, window_bounds = array<i64: 1, 1>}, {transform_indices = @transform_4, window_bounds = array<i64: 1024, 1>}, {pipeline_mode = #tpu.pipeline_mode<synchronous>, transform_indices = @transform_5, window_bounds = array<i64: 2, 128>}, {pipeline_mode = #tpu.pipeline_mode<synchronous>, transform_indices = @transform_6, window_bounds = array<i64: 1, 2>}, {pipeline_mode = #tpu.pipeline_mode<synchronous>, transform_indices = @transform_7, window_bounds = array<i64: 512, 2>}, {transform_indices = @transform_8, window_bounds = array<i64: 1024, 2>}]} {
    %lt3A = arith.constant 10 : i32
    %lt3A_0 = arith.cmpi slt, %arg0, %lt3A : i32
    %convert_element_type3A = arith.extui %lt3A_0 : i1 to i32
    %cond3A = arith.constant 0 : i32
    %cond3A_1 = arith.cmpi ne, %convert_element_type3A, %cond3A : i32
    scf.if %cond3A_1 {
      %get3A = arith.constant 0 : index
      %get3A_10 = arith.constant 0 : index
      %get3A_11 = arith.constant 0 : index
      %get3A_12 = vector.load %arg1[%get3A, %get3A_10, %get3A_11] : memref<2x1024x128xf32, #tpu.memory_space<vmem>>, vector<1x1024x128xf32>
      %get3A_13 = vector.shape_cast %get3A_12 : vector<1x1024x128xf32> to vector<1024x128xf32>
      %get3A_14 = arith.constant 1 : index
      %get3A_15 = arith.constant 0 : index
      %get3A_16 = arith.constant 0 : index
      %get3A_17 = vector.load %arg1[%get3A_14, %get3A_15, %get3A_16] : memref<2x1024x128xf32, #tpu.memory_space<vmem>>, vector<1x1024x128xf32>
      %get3A_18 = vector.shape_cast %get3A_17 : vector<1x1024x128xf32> to vector<1024x128xf32>
      %add3A = arith.addf %get3A_13, %get3A_18 : vector<1024x128xf32>
      %get3A_19 = arith.constant 0 : index
      %get3A_20 = arith.constant 0 : index
      %get3A_21 = vector.load %arg2[%get3A_19, %get3A_20] : memref<1024x1xf32, #tpu.memory_space<vmem>>, vector<1024x1xf32>
      %mul3A = vector.broadcast %get3A_21 : vector<1024x1xf32> to vector<1024x128xf32>
      %mul3A_22 = arith.mulf %add3A, %mul3A : vector<1024x128xf32>
      %get3A_23 = arith.constant 0 : index
      %get3A_24 = arith.constant 0 : index
      %get3A_25 = vector.load %arg3[%get3A_23, %get3A_24] : memref<1x128xf32, #tpu.memory_space<vmem>>, vector<1x128xf32>
      %add3A_26 = vector.broadcast %get3A_25 : vector<1x128xf32> to vector<1024x128xf32>
      %add3A_27 = arith.addf %mul3A_22, %add3A_26 : vector<1024x128xf32>
      %ge3A = arith.constant 0.000000e+00 : f32
      %ge3A_28 = vector.broadcast %ge3A : f32 to vector<1024x128xf32>
      %ge3A_29 = arith.cmpf oge, %add3A_27, %ge3A_28 : vector<1024x128xf32>
      %get3A_30 = arith.constant 0 : index
      %get3A_31 = arith.constant 0 : index
      %get3A_32 = vector.load %arg4[%get3A_30, %get3A_31] : memref<1x1xf32, #tpu.memory_space<vmem>>, vector<1x1xf32>
      %mul3A_33 = vector.broadcast %get3A_32 : vector<1x1xf32> to vector<1024x128xf32>
      %mul3A_34 = arith.mulf %mul3A_33, %add3A_27 : vector<1024x128xf32>
      %select_n3A = arith.select %ge3A_29, %add3A_27, %mul3A_34 : vector<1024x128xi1>, vector<1024x128xf32>
      %get3A_35 = arith.constant 0 : index
      %get3A_36 = arith.constant 0 : index
      %get3A_37 = vector.load %arg5[%get3A_35, %get3A_36] : memref<1024x1xi32, #tpu.memory_space<vmem>>, vector<1024x1xi32>
      %iota3A = tpu.iota {dimensions = array<i32: 1>} : vector<1x512xi32>
      %eq3A_38 = vector.broadcast %get3A_37 : vector<1024x1xi32> to vector<1024x512xi32>
      %eq3A_39 = vector.broadcast %iota3A : vector<1x512xi32> to vector<1024x512xi32>
      %eq3A_40 = arith.cmpi eq, %eq3A_38, %eq3A_39 : vector<1024x512xi32>
      %convert_element_type3A_41 = arith.extui %eq3A_40 : vector<1024x512xi1> to vector<1024x512xi32>
      %convert_element_type3A_42 = arith.sitofp %convert_element_type3A_41 : vector<1024x512xi32> to vector<1024x512xf32>
      %dot_general3A = arith.constant dense<0.000000e+00> : vector<512x128xf32>
      %dot_general3A_43 = tpu.matmul %convert_element_type3A_42, %select_n3A, %dot_general3A {dimension_numbers = #tpu.dot_dimension_numbers<[0], [0], [1], [1], [0, 1, 1, 1], [], []>, transpose_lhs_hint = false} : vector<1024x512xf32>, vector<1024x128xf32>, vector<512x128xf32> -> vector<512x128xf32>
      %broadcast_in_dim3A = arith.constant 1.000000e+00 : f32
      %broadcast_in_dim3A_44 = vector.broadcast %broadcast_in_dim3A : f32 to vector<1024x1xf32>
      %dot_general3A_45 = arith.constant dense<0.000000e+00> : vector<512x1xf32>
      %dot_general3A_46 = tpu.matmul %convert_element_type3A_42, %broadcast_in_dim3A_44, %dot_general3A_45 {dimension_numbers = #tpu.dot_dimension_numbers<[0], [0], [1], [1], [0, 1, 1, 1], [], []>, transpose_lhs_hint = false} : vector<1024x512xf32>, vector<1024x1xf32>, vector<512x1xf32> -> vector<512x1xf32>
      %eq3A_47 = arith.constant 0 : i32
      %eq3A_48 = arith.cmpi eq, %arg0, %eq3A_47 : i32
      %convert_element_type3A_49 = arith.extui %eq3A_48 : i1 to i32
      %cond3A_50 = arith.constant 0 : i32
      %cond3A_51 = arith.cmpi ne, %convert_element_type3A_49, %cond3A_50 : i32
      scf.if %cond3A_51 {
        %swap3A = arith.constant 0 : index
        %swap3A_57 = arith.constant 0 : index
        %swap3A_58 = vector.load %arg10[%swap3A, %swap3A_57] : memref<512x128xf32, #tpu.memory_space<vmem>>, vector<512x128xf32>
        tpu.vector_store %arg10[%swap3A, %swap3A_57], %dot_general3A_43 {strides = array<i32>} : memref<512x128xf32, #tpu.memory_space<vmem>>, vector<512x128xf32>,
        %swap3A_59 = arith.constant 0 : index
        %swap3A_60 = arith.constant 0 : index
        %swap3A_61 = vector.load %arg11[%swap3A_59, %swap3A_60] : memref<512x1xf32, #tpu.memory_space<vmem>>, vector<512x1xf32>
        tpu.vector_store %arg11[%swap3A_59, %swap3A_60], %dot_general3A_46 {strides = array<i32>} : memref<512x1xf32, #tpu.memory_space<vmem>>, vector<512x1xf32>,
      } else {
      }
      %gt3A_52 = arith.constant 0 : i32
      %gt3A_53 = arith.cmpi sgt, %arg0, %gt3A_52 : i32
      %convert_element_type3A_54 = arith.extui %gt3A_53 : i1 to i32
      %cond3A_55 = arith.constant 0 : i32
      %cond3A_56 = arith.cmpi ne, %convert_element_type3A_54, %cond3A_55 : i32
      scf.if %cond3A_56 {
        %get3A_57 = arith.constant 0 : index
        %get3A_58 = arith.constant 0 : index
        %get3A_59 = vector.load %arg10[%get3A_57, %get3A_58] : memref<512x128xf32, #tpu.memory_space<vmem>>, vector<512x128xf32>
        %add3A_60 = arith.addf %get3A_59, %dot_general3A_43 : vector<512x128xf32>
        %swap3A = arith.constant 0 : index
        %swap3A_61 = arith.constant 0 : index
        %swap3A_62 = vector.load %arg10[%swap3A, %swap3A_61] : memref<512x128xf32, #tpu.memory_space<vmem>>, vector<512x128xf32>
        tpu.vector_store %arg10[%swap3A, %swap3A_61], %add3A_60 {strides = array<i32>} : memref<512x128xf32, #tpu.memory_space<vmem>>, vector<512x128xf32>,
        %get3A_63 = arith.constant 0 : index
        %get3A_64 = arith.constant 0 : index
        %get3A_65 = vector.load %arg11[%get3A_63, %get3A_64] : memref<512x1xf32, #tpu.memory_space<vmem>>, vector<512x1xf32>
        %add3A_66 = arith.addf %get3A_65, %dot_general3A_46 : vector<512x1xf32>
        %swap3A_67 = arith.constant 0 : index
        %swap3A_68 = arith.constant 0 : index
        %swap3A_69 = vector.load %arg11[%swap3A_67, %swap3A_68] : memref<512x1xf32, #tpu.memory_space<vmem>>, vector<512x1xf32>
        tpu.vector_store %arg11[%swap3A_67, %swap3A_68], %add3A_66 {strides = array<i32>} : memref<512x1xf32, #tpu.memory_space<vmem>>, vector<512x1xf32>,
      } else {
      }
    } else {
    }
    %eq3A = arith.constant 10 : i32
    %eq3A_2 = arith.cmpi eq, %arg0, %eq3A : i32
    %convert_element_type3A_3 = arith.extui %eq3A_2 : i1 to i32
    %cond3A_4 = arith.constant 0 : i32
    %cond3A_5 = arith.cmpi ne, %convert_element_type3A_3, %cond3A_4 : i32
    scf.if %cond3A_5 {
      %get3A = arith.constant 0 : index
      %get3A_10 = arith.constant 0 : index
      %get3A_11 = vector.load %arg10[%get3A, %get3A_10] : memref<512x128xf32, #tpu.memory_space<vmem>>, vector<512x128xf32>
      %get3A_12 = arith.constant 0 : index
      %get3A_13 = arith.constant 0 : index
      %get3A_14 = vector.load %arg11[%get3A_12, %get3A_13] : memref<512x1xf32, #tpu.memory_space<vmem>>, vector<512x1xf32>
      %gt3A_15 = arith.constant 0.000000e+00 : f32
      %gt3A_16 = vector.broadcast %gt3A_15 : f32 to vector<512x1xf32>
      %gt3A_17 = arith.cmpf ogt, %get3A_14, %gt3A_16 : vector<512x1xf32>
      %convert_element_type3A_18 = arith.extui %gt3A_17 : vector<512x1xi1> to vector<512x1xi32>
      %convert_element_type3A_19 = arith.sitofp %convert_element_type3A_18 : vector<512x1xi32> to vector<512x1xf32>
      %iota3A = tpu.iota {dimensions = array<i32: 0>} : vector<512x512xi32>
      %iota3A_20 = tpu.iota {dimensions = array<i32: 1>} : vector<512x512xi32>
      %gt3A_21 = arith.cmpi sgt, %iota3A, %iota3A_20 : vector<512x512xi32>
      %convert_element_type3A_22 = arith.extui %gt3A_21 : vector<512x512xi1> to vector<512x512xi32>
      %convert_element_type3A_23 = arith.sitofp %convert_element_type3A_22 : vector<512x512xi32> to vector<512x512xf32>
      %dot_general3A = arith.constant dense<0.000000e+00> : vector<512x1xf32>
      %dot_general3A_24 = tpu.matmul %convert_element_type3A_23, %convert_element_type3A_19, %dot_general3A {dimension_numbers = #tpu.dot_dimension_numbers<[1], [0], [0], [1], [0, 0, 1, 1], [], []>, transpose_lhs_hint = false} : vector<512x512xf32>, vector<512x1xf32>, vector<512x1xf32> -> vector<512x1xf32>
      %convert_element_type3A_25 = arith.fptosi %dot_general3A_24 : vector<512x1xf32> to vector<512x1xi32>
      %eq3A_26 = vector.broadcast %convert_element_type3A_25 : vector<512x1xi32> to vector<512x512xi32>
      %eq3A_27 = arith.cmpi eq, %eq3A_26, %iota3A_20 : vector<512x512xi32>
      %convert_element_type3A_28 = arith.extui %eq3A_27 : vector<512x512xi1> to vector<512x512xi32>
      %convert_element_type3A_29 = arith.sitofp %convert_element_type3A_28 : vector<512x512xi32> to vector<512x512xf32>
      %get3A_30 = arith.constant 0 : index
      %get3A_31 = arith.constant 0 : index
      %get3A_32 = vector.load %arg8[%get3A_30, %get3A_31] : memref<512x2xf32, #tpu.memory_space<vmem>>, vector<512x2xf32>
      %dot_general3A_33 = arith.constant dense<0.000000e+00> : vector<512x2xf32>
      %dot_general3A_34 = tpu.matmul %convert_element_type3A_29, %get3A_32, %dot_general3A_33 {dimension_numbers = #tpu.dot_dimension_numbers<[1], [0], [0], [1], [0, 0, 1, 1], [], []>, transpose_lhs_hint = false} : vector<512x512xf32>, vector<512x2xf32>, vector<512x2xf32> -> vector<512x2xf32>
      %get3A_35 = arith.constant 0 : index
      %get3A_36 = arith.constant 0 : index
      %get3A_37 = vector.load %arg6[%get3A_35, %get3A_36] : memref<2x128xf32, #tpu.memory_space<vmem>>, vector<2x128xf32>
      %dot_general3A_38 = arith.constant dense<0.000000e+00> : vector<512x2xf32>
      %dot_general3A_39 = tpu.matmul %get3A_11, %get3A_37, %dot_general3A_38 {dimension_numbers = #tpu.dot_dimension_numbers<[1], [1], [0], [0], [0, 0, 1, 0], [], []>, transpose_lhs_hint = false} : vector<512x128xf32>, vector<2x128xf32>, vector<512x2xf32> -> vector<512x2xf32>
      %get3A_40 = arith.constant 0 : index
      %get3A_41 = arith.constant 0 : index
      %get3A_42 = vector.load %arg7[%get3A_40, %get3A_41] : memref<1x2xf32, #tpu.memory_space<vmem>>, vector<1x2xf32>
      %add3A = vector.broadcast %get3A_42 : vector<1x2xf32> to vector<512x2xf32>
      %add3A_43 = arith.addf %dot_general3A_39, %add3A : vector<512x2xf32>
      %add3A_44 = arith.addf %add3A_43, %dot_general3A_34 : vector<512x2xf32>
      %slice3A = vector.extract_strided_slice %add3A_44 {offsets = [0, 1], sizes = [512, 1], strides = [1, 1]} : vector<512x2xf32> to vector<512x1xf32>
      %slice3A_45 = vector.extract_strided_slice %add3A_44 {offsets = [0, 0], sizes = [512, 1], strides = [1, 1]} : vector<512x2xf32> to vector<512x1xf32>
      %gt3A_46 = arith.cmpf ogt, %slice3A, %slice3A_45 : vector<512x1xf32>
      %convert_element_type3A_47 = arith.extui %gt3A_46 : vector<512x1xi1> to vector<512x1xi32>
      %convert_element_type3A_48 = arith.sitofp %convert_element_type3A_47 : vector<512x1xi32> to vector<512x1xf32>
      %sub3A = arith.constant 1.000000e+00 : f32
      %sub3A_49 = vector.broadcast %sub3A : f32 to vector<512x1xf32>
      %sub3A_50 = arith.subf %sub3A_49, %convert_element_type3A_48 : vector<512x1xf32>
      %concatenate3A = tpu.concatenate %sub3A_50, %convert_element_type3A_48 in 1 : vector<512x1xf32>, vector<512x1xf32> -> vector<512x2xf32>
      %swap3A = arith.constant 0 : index
      %swap3A_51 = arith.constant 0 : index
      %swap3A_52 = vector.load %arg12[%swap3A, %swap3A_51] : memref<512x2xf32, #tpu.memory_space<vmem>>, vector<512x2xf32>
      tpu.vector_store %arg12[%swap3A, %swap3A_51], %concatenate3A {strides = array<i32>} : memref<512x2xf32, #tpu.memory_space<vmem>>, vector<512x2xf32>,
    } else {
    }
    %gt3A = arith.constant 10 : i32
    %gt3A_6 = arith.cmpi sgt, %arg0, %gt3A : i32
    %convert_element_type3A_7 = arith.extui %gt3A_6 : i1 to i32
    %cond3A_8 = arith.constant 0 : i32
    %cond3A_9 = arith.cmpi ne, %convert_element_type3A_7, %cond3A_8 : i32
    scf.if %cond3A_9 {
      %get3A = arith.constant 0 : index
      %get3A_10 = arith.constant 0 : index
      %get3A_11 = vector.load %arg5[%get3A, %get3A_10] : memref<1024x1xi32, #tpu.memory_space<vmem>>, vector<1024x1xi32>
      %iota3A = tpu.iota {dimensions = array<i32: 1>} : vector<1x512xi32>
      %eq3A_12 = vector.broadcast %get3A_11 : vector<1024x1xi32> to vector<1024x512xi32>
      %eq3A_13 = vector.broadcast %iota3A : vector<1x512xi32> to vector<1024x512xi32>
      %eq3A_14 = arith.cmpi eq, %eq3A_12, %eq3A_13 : vector<1024x512xi32>
      %convert_element_type3A_15 = arith.extui %eq3A_14 : vector<1024x512xi1> to vector<1024x512xi32>
      %convert_element_type3A_16 = arith.sitofp %convert_element_type3A_15 : vector<1024x512xi32> to vector<1024x512xf32>
      %get3A_17 = arith.constant 0 : index
      %get3A_18 = arith.constant 0 : index
      %get3A_19 = vector.load %arg12[%get3A_17, %get3A_18] : memref<512x2xf32, #tpu.memory_space<vmem>>, vector<512x2xf32>
      %dot_general3A = arith.constant dense<0.000000e+00> : vector<1024x2xf32>
      %dot_general3A_20 = tpu.matmul %convert_element_type3A_16, %get3A_19, %dot_general3A {dimension_numbers = #tpu.dot_dimension_numbers<[1], [0], [0], [1], [0, 0, 1, 1], [], []>, transpose_lhs_hint = false} : vector<1024x512xf32>, vector<512x2xf32>, vector<1024x2xf32> -> vector<1024x2xf32>
      %swap3A = arith.constant 0 : index
      %swap3A_21 = arith.constant 0 : index
      %swap3A_22 = vector.load %arg9[%swap3A, %swap3A_21] : memref<1024x2xf32, #tpu.memory_space<vmem>>, vector<1024x2xf32>
      tpu.vector_store %arg9[%swap3A, %swap3A_21], %dot_general3A_20 {strides = array<i32>} : memref<1024x2xf32, #tpu.memory_space<vmem>>, vector<1024x2xf32>,
    } else {
    }
    return
  }
  func.func @transform_0(%arg0: i32) -> (i32, i32, i32) {
    %min3A = arith.constant 9 : i32
    %min3A_0 = arith.minsi %arg0, %min3A : i32
    %c0_i32 = arith.constant 0 : i32
    %c0_i32_1 = arith.constant 0 : i32
    %c0_i32_2 = arith.constant 0 : i32
    return %c0_i32, %min3A_0, %c0_i32_1 : i32, i32, i32
  }
  func.func @transform_1(%arg0: i32) -> (i32, i32) {
    %min3A = arith.constant 9 : i32
    %min3A_0 = arith.minsi %arg0, %min3A : i32
    %c0_i32 = arith.constant 0 : i32
    %c0_i32_1 = arith.constant 0 : i32
    return %min3A_0, %c0_i32 : i32, i32
  }
  func.func @transform_2(%arg0: i32) -> (i32, i32) {
    %c0_i32 = arith.constant 0 : i32
    %c0_i32_0 = arith.constant 0 : i32
    %c0_i32_1 = arith.constant 0 : i32
    return %c0_i32, %c0_i32_0 : i32, i32
  }
  func.func @transform_3(%arg0: i32) -> (i32, i32) {
    %c0_i32 = arith.constant 0 : i32
    %c0_i32_0 = arith.constant 0 : i32
    %c0_i32_1 = arith.constant 0 : i32
    return %c0_i32, %c0_i32_0 : i32, i32
  }
  func.func @transform_4(%arg0: i32) -> (i32, i32) {
    %lt3A = arith.constant 10 : i32
    %lt3A_0 = arith.cmpi slt, %arg0, %lt3A : i32
    %sub3A = arith.constant 10 : i32
    %sub3A_1 = arith.subi %arg0, %sub3A : i32
    %sub3A_2 = arith.constant 1 : i32
    %sub3A_3 = arith.subi %sub3A_1, %sub3A_2 : i32
    %max3A = arith.constant 0 : i32
    %max3A_4 = arith.maxsi %sub3A_3, %max3A : i32
    %select_n3A = arith.select %lt3A_0, %arg0, %max3A_4 : i32
    %c0_i32 = arith.constant 0 : i32
    %c0_i32_5 = arith.constant 0 : i32
    return %select_n3A, %c0_i32 : i32, i32
  }
  func.func @transform_5(%arg0: i32) -> (i32, i32) {
    %c0_i32 = arith.constant 0 : i32
    %c0_i32_0 = arith.constant 0 : i32
    %c0_i32_1 = arith.constant 0 : i32
    return %c0_i32, %c0_i32_0 : i32, i32
  }
  func.func @transform_6(%arg0: i32) -> (i32, i32) {
    %c0_i32 = arith.constant 0 : i32
    %c0_i32_0 = arith.constant 0 : i32
    %c0_i32_1 = arith.constant 0 : i32
    return %c0_i32, %c0_i32_0 : i32, i32
  }
  func.func @transform_7(%arg0: i32) -> (i32, i32) {
    %c0_i32 = arith.constant 0 : i32
    %c0_i32_0 = arith.constant 0 : i32
    %c0_i32_1 = arith.constant 0 : i32
    return %c0_i32, %c0_i32_0 : i32, i32
  }
  func.func @transform_8(%arg0: i32) -> (i32, i32) {
    %sub3A = arith.constant 10 : i32
    %sub3A_0 = arith.subi %arg0, %sub3A : i32
    %sub3A_1 = arith.constant 1 : i32
    %sub3A_2 = arith.subi %sub3A_0, %sub3A_1 : i32
    %max3A = arith.constant 0 : i32
    %max3A_3 = arith.maxsi %sub3A_2, %max3A : i32
    %c0_i32 = arith.constant 0 : i32
    %c0_i32_4 = arith.constant 0 : i32
    return %max3A_3, %c0_i32 : i32, i32
  }
}

</mosaic_0001>

<sc_bundles>
// kernel: kernel.11.cloned.1.call-start
scs
__scs_entry_jumppad:
0x0: {  	(pc) =	sbr.rel $0x88, $3  }
0x1: {  	(tag) =	ssettag $0x0;
	lr =	simm.s32 $0x1  }
0x2: {  	[smem:$0x3F96] =	sst lr;
	_ =	strace $0xD0000000  }
0x3: {  	_ = 	snop  }
0x4: {  	_ = 	snop  }
0x5: {  	_ = 	snop  }
0x6: {  	_ = 	snop  }
0x7: {  	_ = 	snop  }
__scs_overlays_trampoline_lowered:
0x8: {  	[smem:$0x3FA5] =	sst s0  }
0x9: {  	[smem:$0x3FA6] =	sst s1  }
0xa: {  	[smem:$0x3FA7] =	sst s2  }
0xb: {  	[smem:$0x3FA8] =	sst s3  }
0xc: {  	[smem:$0x3FA9] =	sst s4  }
0xd: {  	[smem:$0x3FAA] =	sst s5  }
0xe: {  	[smem:$0x3FAB] =	sst s6  }
0xf: {  	[smem:$0x3FAC] =	sst s7  }
0x10: {  	[smem:$0x3FAD] =	sst s8  }
0x11: {  	[smem:$0x3FAE] =	sst s9;
	s0 =	simm.s32 @!p0 $0x0  }
0x12: {  	s1 =	sld [smem:$0x3F94];
	s0 =	simm.s32 @p0 $0x1  }
0x13: {  	[smem:$0x3FAF] =	sst s0;
	s0 =	simm.s32 @!p1 $0x0  }
0x14: {  	s2 =	sld [smem:$0x3F93];
	s0 =	simm.s32 @p1 $0x1  }
0x15: {  	[smem:$0x3FB0] =	sst s0;
	s0 =	simm.s32 @!p2 $0x0  }
0x16: {  	s3 =	sld [smem:$0x3FDB];
	s0 =	simm.s32 @p2 $0x1  }
0x17: {  	s4 =	simm.s32 $0x1BF5;
	[smem:$0x3FB2] =	sst s0  }
0x18: {  	s0 =	sld [smem:$0x3F95];
	_ =	swait.ge [sflag:s4], $0x0  }
0x19: {  	s7 =	sld [smem:$0x3F96]  }
0x1a: {  	s8 =	sadd.s32 $0xFFFFE003, lr  }
0x1b: {  	s9 =	sadd.s32 $0xFFFFFEF7, lr;
	s5 =	simm.s32 $0xFFFFFFFF;
	p2 =	slt.u32 s8, $0xFFFFF086  }
0x1c: {  	p1 =	slt.u32 s9, $0xF7A;
	s5 =	simm.s32 @!p2 $0x0  }
0x1d: {  	s5 =	simm.s32 @p1 $0x1;
	p0 =	seq.s32 s7, s2  }
0x1e: {  	s7 =	smul.u32 @!p0 $0xF7A, s2;
	p2 =	seq.s32 @!p0 s5, $0x0  }
0x1f: {  	s9 =	smul.u32 $0xF7A, s1;
	s8 =	simm.s32 @!p0 $0x1BF5;
	p2 =	por !p2, p0  }
0x20: {  	[sflag:s8] =	ssyncset.s32 @!p0 $0xFFFFF086;
	s6 =	sadd.s32 @!p0 s3, s7;
	s7 =	simm.s32 @!p0 $0x108  }
0x21: {  	s3 =	sadd.s32 s3, s9;
	s6 =	sadd.s32 @!p0 $0x88, s6;
	s7 =	simm.s32 @p2 $0x1082  }
0x22: {  	[simem:s7], [sflag:s8] =	dma.local @!p0 [hbm:s6], $0xF7A  }
0x23: {  	s9 =	sor.u32 $0xD0000000, s2;
	s6 =	simm.s32 $0x108;
	_ =	swait.ge @!p0 [sflag:s8], $0x0  }
0x24: {  	s3 =	sadd.s32 $0x88, s3;
	s6 =	simm.s32 @!p1 $0x1082;
	[sflag:s4] =	ssyncset.s32 $0xFFFFF086  }
0x25: {  	[simem:s6], [sflag:s4] =	dma.local [hbm:s3], $0xF7A  }
0x26: {  	[smem:$0x3F96] =	sst s1;
	(tag) =	ssettag s2;
	_ =	strace s9  }
0x27: {  	s1 =	sld [smem:$0x3FA6]  }
0x28: {  	s2 =	sld [smem:$0x3FA7]  }
0x29: {  	s4 =	sld [smem:$0x3FA9]  }
0x2a: {  	p0 =	seq.s32 s5, $0x0;
	s5 =	sld [smem:$0x3FAA]  }
0x2b: {  	s6 =	sld [smem:$0x3FAB]  }
0x2c: {  	s7 =	sld [smem:$0x3FAC]  }
0x2d: {  	s3 =	simm.s32 $0x108;
	s8 =	sld [smem:$0x3FAD]  }
0x2e: {  	s3 =	simm.s32 @!p0 $0x1082;
	s9 =	sld [smem:$0x3FAE]  }
0x2f: {  	lr =	sadd.s32 s0, s3;
	s0 =	sld [smem:$0x3FA5]  }
0x30: {  	s3 =	sld [smem:$0x3FA8]  }
0x31: {  	[smem:$0x3FB1] =	sst s10  }
0x32: {  	s10 =	sld [smem:$0x3FAF];
	_ =	sdelay $0x3  }
0x33: {  	p0 =	seq.s32 s10, $0x1;
	s10 =	sld [smem:$0x3FB1];
	_ =	sdelay $0x3  }
0x34: {  	[smem:$0x3FB1] =	sst s10  }
0x35: {  	s10 =	sld [smem:$0x3FB0];
	_ =	sdelay $0x3  }
0x36: {  	p1 =	seq.s32 s10, $0x1;
	s10 =	sld [smem:$0x3FB1];
	_ =	sdelay $0x3  }
0x37: {  	[smem:$0x3FB1] =	sst s10  }
0x38: {  	s10 =	sld [smem:$0x3FB2]  }
0x39: {  	_ = 	snop;
	(pc) =	sbr.ind lr, $3  }
0x3a: {  	_ = 	snop  }
0x3b: {  	_ = 	snop  }
0x3c: {  	p2 =	seq.s32 s10, $0x1;
	s10 =	sld [smem:$0x3FB1]  }
0x3d: {  	_ =	shalt  }
0x3e: {  	_ =	shalt  }
0x3f: {  	_ =	shalt  }
0x40: {  	_ =	shalt  }
0x41: {  	_ =	shalt  }
0x42: {  	_ =	shalt  }
0x43: {  	_ =	shalt  }
0x44: {  	_ =	shalt  }
0x45: {  	_ =	shalt  }
0x46: {  	_ =	shalt  }
0x47: {  	_ =	shalt  }
0x48: {  	_ =	shalt  }
0x49: {  	_ =	shalt  }
0x4a: {  	_ =	shalt  }
0x4b: {  	_ =	shalt  }
0x4c: {  	_ =	shalt  }
0x4d: {  	_ =	shalt  }
0x4e: {  	_ =	shalt  }
0x4f: {  	_ =	shalt  }
0x50: {  	_ =	shalt  }
0x51: {  	_ =	shalt  }
0x52: {  	_ =	shalt  }
0x53: {  	_ =	shalt  }
0x54: {  	_ =	shalt  }
0x55: {  	_ =	shalt  }
0x56: {  	_ =	shalt  }
0x57: {  	_ =	shalt  }
0x58: {  	_ =	shalt  }
0x59: {  	_ =	shalt  }
0x5a: {  	_ =	shalt  }
0x5b: {  	_ =	shalt  }
0x5c: {  	_ =	shalt  }
0x5d: {  	_ =	shalt  }
0x5e: {  	_ =	shalt  }
0x5f: {  	_ =	shalt  }
0x60: {  	_ =	shalt  }
0x61: {  	_ =	shalt  }
0x62: {  	_ =	shalt  }
0x63: {  	_ =	shalt  }
0x64: {  	_ =	shalt  }
0x65: {  	_ =	shalt  }
0x66: {  	_ =	shalt  }
0x67: {  	_ =	shalt  }
0x68: {  	_ =	shalt  }
0x69: {  	_ =	shalt  }
0x6a: {  	_ =	shalt  }
0x6b: {  	_ =	shalt  }
0x6c: {  	_ =	shalt  }
0x6d: {  	_ =	shalt  }
0x6e: {  	_ =	shalt  }
0x6f: {  	_ =	shalt  }
0x70: {  	_ =	shalt  }
0x71: {  	_ =	shalt  }
0x72: {  	_ =	shalt  }
0x73: {  	_ =	shalt  }
0x74: {  	_ =	shalt  }
0x75: {  	_ =	shalt  }
0x76: {  	_ =	shalt  }
0x77: {  	_ =	shalt  }
0x78: {  	_ =	shalt  }
0x79: {  	_ =	shalt  }
0x7a: {  	_ =	shalt  }
0x7b: {  	_ =	shalt  }
0x7c: {  	_ =	shalt  }
0x7d: {  	_ =	shalt  }
0x7e: {  	_ =	shalt  }
0x7f: {  	_ =	shalt  }
0x80: {  	_ =	shalt  }
0x81: {  	_ =	shalt  }
0x82: {  	_ =	shalt  }
0x83: {  	_ =	shalt  }
0x84: {  	_ =	shalt  }
0x85: {  	_ =	shalt  }
0x86: {  	_ =	shalt  }
0x87: {  	_ =	shalt  }
.Lfunc_end0:
.L_simem_size_0:
called_computation.1_lowered:
.L_overlay_start_0:
0x88: {  	s2 =	sld [smem:$0x3FD9]  }
0x89: {  	s3 =	sld [smem:$0x3FFE];
	_ =	sdelay $0x1  }
0x8a: {  	s1 =	srdreg.scid  }
0x8b: {  	s0 =	sand.u32 $0x1, s1  }
0x8c: {  	s17 =	sshll.u32 s0, $0xA;
	s2 =	sadd.s32 s3, s2  }
0x8d: {  	s2 =	sadd.s32 s2, s17  }
0x8e: {  	[smem:$0x3FBD] =	sst s2  }
0x8f: {  	_ = 	snop  }
0x90: {  	s2 =	sld [smem:$0x3FD0];
	(tm) =	ssettm $0x1  }
0x91: {  	s18 =	sld [smem:$0x3FFB];
	_ =	sdelay $0x3  }
0x92: {  	_ =	strace s18  }
0x93: {  	s3 =	sld [smem:$0x3FFC];
	_ =	sdelay $0x3  }
0x94: {  	_ =	strace s3  }
0x95: {  	s3 =	sld [smem:$0x3FFD];
	_ =	sdelay $0x3  }
0x96: {  	_ =	strace s3  }
0x97: {  	_ =	strace $0x8FFFFFFF  }
0x98: {  	s19 =	sld [smem:$0x3FDB];
	_ =	sdelay $0x1  }
0x99: {  	s4 =	simm.s32 $_scs_section_size  }
0x9a: {  	s5 =	simm.s32 $_size__tile_overlayer_lowered;
	s6 =	simm.s32 $_tile_overlayer_lowered  }
0x9b: {  	s22 =	simm.s32 $0x1BFF;
	s21 =	sshll.u32 s6, $0x1;
	s3 =	sadd.s32 s4, s19  }
0x9c: {  	s7 =	simm.s32 $0x0;
	s20 =	sshll.u32 s5, $0x1;
	s5 =	sadd.s32 s21, s3  }
0x9d: {  	[timem:s7], [sflag:s22] =	dma.local [hbm:s5], s20  }
0x9e: {  	_ =	swait.ge [sflag:s22], s20  }
0x9f: {  	s4 =	ssub.s32 $0x0, s20;
	[sflag:s22] =	ssyncset.done $0x0  }
0xa0: {  	[sflag:s22] =	ssyncadd.s32 s4;
	_ =	sdelay $0x1  }
0xa1: {  	s23 =	simm.s32 $0x1B8B  }
0xa2: {  	_ =	swait.ge [sflag:s23], $0x1  }
0xa3: {  	[sflag:s23] =	ssyncset.done $0x0  }
0xa4: {  	s25 =	simm.s32 $0x1B8E;
	s24 =	sld [smem:$0x3FFE];
	[sflag:s23] =	ssyncadd.s32 $0xFFFFFFFF  }
0xa5: {  	s26 =	simm.s32 $execute0_lowered;
	[smem:$0x3FD2] =	sst s25  }
0xa6: {  	s5 =	sshll.u32 s26, $0x1;
	_ =	strace $0x80000049;
	[dreg:$0x1] =	wrdreg $0xFFFFFFFF  }
0xa7: {  	s28 =	simm.s32 $_size_execute0_lowered;
	s3 =	sadd.s32 s3, s5;
	[dreg:$0x0] =	wrdreg $0x0  }
0xa8: {  	s5 =	sshll.u32 s28, $0x1;
	[dreg:$0x2] =	wrdreg s3  }
0xa9: {  	[dreg:$0x3] =	wrdreg s5  }
0xaa: {  	[dreg:$0x4] =	wrdreg $0xC0  }
0xab: {  	_ =	task [dreg:s7], $0x5FFFF  }
0xac: {  	[dreg:$0x1] =	wrdreg $0xFFFFFFFF  }
0xad: {  	[dreg:$0x0] =	wrdreg $0x60  }
0xae: {  	[dreg:$0x2] =	wrdreg s24  }
0xaf: {  	[dreg:$0x3] =	wrdreg s2  }
0xb0: {  	[dreg:$0x4] =	wrdreg $0x82000  }
0xb1: {  	[dreg:$0x5] =	wrdreg $0x9  }
0xb2: {  	_ =	task.clear_ibuf [dreg:s7], $0x6FFFF;
	_ =	strace $0x90000049  }
0xb3: {  	s29 =	simm.s32 $0x9;
	_ =	strace $0x8000004B  }
0xb4: {  	_ =	swait.ge [sflag:s29], $0x1  }
0xb5: {  	[sflag:s29] =	ssyncadd.s32 $0xFFFFFFFF  }
0xb6: {  	_ =	strace $0x9000004B  }
0xb7: {  	_ =	sfence  }
0xb8: {  	s30 =	sld [smem:$0x0];
	_ =	sdelay $0x2  }
0xb9: {  	s31 =	sshll.u32 s1, $0xD;
	s1 =	sshrl.u32 s1, $0x2  }
0xba: {  	s3 =	sand.u32 $0x4000, s31;
	s1 =	sadd.s32 s1, s30  }
0xbb: {  	s0 =	sor.u32 s3, s0;
	s1 =	sshll.u32 s1, $0x11  }
0xbc: {  	s0 =	sor.u32 s1, s0  }
0xbd: {  	s0 =	sadd.s32 $0x8F2B, s0  }
0xbe: {  	[sflag:s0] =	ssyncadd.remote.s32 $0x1  }
0xbf: {  	_ =	sfence.sel $0xFFFF  }
0xc0: {  	[dreg:$0x0] =	wrdreg $0xFFFFFFFF;
	(pc) =	sbr.abs _section_cstart, $3  }
0xc1: {  	[dreg:$0x1] =	wrdreg $0xFFFFFFFF  }
0xc2: {  	_ =	task.clear_ibuf [dreg:s7], $0x2FFFF;
	_ =	strace $0x9FFFFFFF  }
0xc3: {  	(tm) =	ssettm $0x7FFFFFFF  }
tec
execute0_lowered:
.L_overlay_start_1:
0x0: {  	(tag) =	ssettag $0x1  }
0x1: {  	s0 =	rddreg [dreg:$0x0]  }
0x2: {  	s1 =	rddreg [dreg:$0x1]  }
0x3: {  	s2 =	rddreg [dreg:$0x2];
	s3 =	srdreg.scid  }
0x4: {  	s4 =	simm.s32 $0x0;
	s12 =	stileid.u32;
	s29 =	simm.s32 $0x3  }
0x5: {  	s30 =	simm.s32 $0x4;
	s31 =	simm.s32 $0x100;
	s3 =	sand.u32 $0x1, s3  }
0x6: {  	[smem:$0x7FF] =	sst s4;
	s7 =	smul.u32 $0x14000, s12;
	s5 =	sadd.s32 $0x16200, s0  }
0x7: {  	s8 =	sadd.s32 $0xC200, s0;
	s9 =	sadd.s32 $0x2200, s0;
	s10 =	smul.u32 $0x50000, s12  }
0x8: {  	s11 =	sshll.u32 s12, $0x1;
	s18 =	sshll.u32 s12, $0x6;
	s12 =	smul.u32 $0x5000, s12  }
0x9: {  	s6 =	smul.u32 $0x140000, s3;
	_ =	strace $0x8000004A;
	s26 =	ssub.s32 $0x2, s3  }
0xa: {  	s11 =	sor.u32 s3, s11;
	s3 =	smul.u32 $0x2800, s3;
	s28 =	sor.u32 $0x1C03, s18  }
0xb: {  	s13 =	sshrl.u32 s26, $0x1;
	s14 =	sshrl.u32 s10, $0x2;
	s15 =	smul.u32 $0x2800, s11  }
0xc: {  	s6 =	sadd.s32 s7, s6;
	s7 =	ssub.s32 s26, s13;
	s3 =	sadd.s32 s3, s12  }
0xd: {  	s6 =	sshrl.u32 s6, $0x3;
	s10 =	sshrl.u32 s15, $0x3;
	s20 =	sor.u32 $0x180, s3  }
0xe: {  	s3 =	sor.u32 $0x100, s3;
	s0 =	sadd.s32 s6, s0;
	s6 =	sadd.s32 s14, s2  }
0xf: {  	s13 =	sadd.s32 s8, s10;
	s19 =	sadd.s32 s9, s10;
	s10 =	sor.u32 $0x10, s10  }
0x10: {  	s26 =	sshrl.u32 s20, $0x3;
	s3 =	sshrl.u32 s3, $0x3;
	s11 =	sadd.s32 $0x2000, s6  }
0x11: {  	s16 =	sadd.s32 $0x4000, s6;
	s17 =	sadd.s32 $0x6000, s6;
	s21 =	sadd.s32 $0x8000, s6  }
0x12: {  	s22 =	sadd.s32 $0xA000, s6;
	s23 =	sadd.s32 $0xC000, s6;
	[dreg:$0x4] =	wrdreg s13  }
0x13: {  	s24 =	sadd.s32 $0xE000, s6;
	[dreg:$0x5] =	wrdreg s19;
	s25 =	sadd.s32 s8, s10  }
0x14: {  	s10 =	sadd.s32 s9, s10;
	s12 =	sadd.s32 s26, s9;
	s13 =	sadd.s32 s26, s8  }
0x15: {  	s14 =	sadd.s32 s3, s9;
	s15 =	sadd.s32 s3, s8;
	s9 =	sadd.s32 $0x10000, s6  }
0x16: {  	s0 =	sadd.s32 $0x3E200, s0;
	s26 =	sadd.s32 $0x12000, s6;
	[dreg:$0x6] =	wrdreg s25  }
0x17: {  	s3 =	simm.s32 $0x200;
	s8 =	simm.s32 $0x4200;
	[dreg:$0x7] =	wrdreg s10  }
0x18: {  	[dreg:$0x8] =	wrdreg s0;
	s10 =	smax.u32 s7, $0x1;
	s19 =	sshrl.u32 s11, $0x3  }
0x19: {  	s20 =	sshrl.u32 s16, $0x3;
	s25 =	sshrl.u32 s17, $0x3;
	s21 =	sshrl.u32 s21, $0x3  }
0x1a: {  	s22 =	sshrl.u32 s22, $0x3;
	s23 =	sshrl.u32 s23, $0x3;
	[dreg:$0x9] =	wrdreg s10  }
0x1b: {  	s24 =	sshrl.u32 s24, $0x3;
	s26 =	sshrl.u32 s26, $0x3;
	[dreg:$0xa] =	wrdreg s19  }
0x1c: {  	s0 =	simm.s32 $0x80;
	s7 =	simm.s32 $0x180;
	[dreg:$0xb] =	wrdreg s20  }
0x1d: {  	s11 =	simm.s32 $0x0;
	[dreg:$0xc] =	wrdreg s25;
	s25 =	sshrl.u32 s9, $0x3  }
0x1e: {  	s20 =	smov.u32 s18;
	s9 =	simm.s32 $0x1;
	s10 =	simm.s32 $0x2  }
.LBB2_1:
0x1f: {  	s16 =	sshrl.u32 s6, $0x3  }
0x20: {  	[spmem:s16], [sflag:s28] =	dma.local [hbm:s1], $0x400  }
0x21: {  	s17 =	rddreg [dreg:$0xa]  }
0x22: {  	[spmem:s17], [sflag:s28] =	dma.local [hbm:s1], $0x400  }
0x23: {  	s17 =	rddreg [dreg:$0xb]  }
0x24: {  	[spmem:s17], [sflag:s28] =	dma.local [hbm:s1], $0x400  }
0x25: {  	s17 =	rddreg [dreg:$0xc]  }
0x26: {  	[spmem:s17], [sflag:s28] =	dma.local [hbm:s1], $0x400  }
0x27: {  	[spmem:s21], [sflag:s28] =	dma.local [hbm:s1], $0x400  }
0x28: {  	[spmem:s22], [sflag:s28] =	dma.local [hbm:s1], $0x400  }
0x29: {  	[spmem:s23], [sflag:s28] =	dma.local [hbm:s1], $0x400  }
0x2a: {  	[spmem:s24], [sflag:s28] =	dma.local [hbm:s1], $0x400  }
0x2b: {  	[spmem:s25], [sflag:s28] =	dma.local [hbm:s1], $0x400  }
0x2c: {  	[spmem:s26], [sflag:s28] =	dma.local [hbm:s1], $0x400  }
0x2d: {  	_ =	swait.ge [sflag:s29], $0x400  }
0x2e: {  	[sflag:s29] =	ssyncset.done $0x0  }
0x2f: {  	[sflag:s29] =	ssyncadd.s32 $0xFFFFFC00  }
0x30: {  	_ =	swait.ge [sflag:s29], $0x400  }
0x31: {  	[sflag:s29] =	ssyncset.done $0x0  }
0x32: {  	[sflag:s29] =	ssyncadd.s32 $0xFFFFFC00  }
0x33: {  	_ =	swait.ge [sflag:s29], $0x400  }
0x34: {  	[sflag:s29] =	ssyncset.done $0x0  }
0x35: {  	[sflag:s29] =	ssyncadd.s32 $0xFFFFFC00  }
0x36: {  	_ =	swait.ge [sflag:s29], $0x400  }
0x37: {  	[sflag:s29] =	ssyncset.done $0x0  }
0x38: {  	[sflag:s29] =	ssyncadd.s32 $0xFFFFFC00  }
0x39: {  	_ =	swait.ge [sflag:s29], $0x400  }
0x3a: {  	[sflag:s29] =	ssyncset.done $0x0  }
0x3b: {  	[sflag:s29] =	ssyncadd.s32 $0xFFFFFC00  }
0x3c: {  	_ =	swait.ge [sflag:s29], $0x400  }
0x3d: {  	[sflag:s29] =	ssyncset.done $0x0  }
0x3e: {  	[sflag:s29] =	ssyncadd.s32 $0xFFFFFC00  }
0x3f: {  	_ =	swait.ge [sflag:s29], $0x400  }
0x40: {  	[sflag:s29] =	ssyncset.done $0x0  }
0x41: {  	[sflag:s29] =	ssyncadd.s32 $0xFFFFFC00  }
0x42: {  	_ =	swait.ge [sflag:s29], $0x400  }
0x43: {  	[sflag:s29] =	ssyncset.done $0x0  }
0x44: {  	[sflag:s29] =	ssyncadd.s32 $0xFFFFFC00  }
0x45: {  	_ =	swait.ge [sflag:s29], $0x400  }
0x46: {  	[sflag:s29] =	ssyncset.done $0x0  }
0x47: {  	[sflag:s29] =	ssyncadd.s32 $0xFFFFFC00  }
0x48: {  	_ =	swait.ge [sflag:s29], $0x400  }
0x49: {  	[sflag:s29] =	ssyncset.done $0x0  }
0x4a: {  	[sflag:s29] =	ssyncadd.s32 $0xFFFFFC00  }
0x4b: {  	[bflag:$0x0] =	sbarrier.arrive $0xFFFF  }
0x4c: {  	s18 =	rddreg [dreg:$0x4]  }
0x4d: {  	[tilespmem:s4], [sflag:$0x4] =	stream.linear.gather [hbm4b:s18+s4], $0x80, $0x38;
	[tilespmem:$0x1C200] =	vst v63  }
0x4e: {  	_ =	swait.ge [sflag:s30], $0x80  }
0x4f: {  	[sflag:s30] =	ssyncset.done $0x0  }
0x50: {  	s19 =	rddreg [dreg:$0x5];
	[sflag:s30] =	ssyncadd.s32 $0xFFFFFF80  }
0x51: {  	[tilespmem:s31], [sflag:$0x4] =	stream.linear.gather [hbm4b:s19+s4], $0x80, $0x38;
	[tilespmem:$0x1C200] =	vst v63  }
0x52: {  	_ =	swait.ge [sflag:s30], $0x80  }
0x53: {  	[sflag:s30] =	ssyncset.done $0x0  }
0x54: {  	[sflag:s30] =	ssyncadd.s32 $0xFFFFFF80  }
0x55: {  	[tilespmem:s3], [sflag:$0x1] =	stream.indirect.gather [hbm4b:s5+s0], $0x80, s4, s0, $0xb8;
	[tilespmem:$0x1C200] =	vst v63  }
0x56: {  	s18 =	rddreg [dreg:$0x6]  }
0x57: {  	[tilespmem:s0], [sflag:$0x4] =	stream.linear.gather [hbm4b:s18+s4], $0x80, $0x38;
	[tilespmem:$0x1C200] =	vst v63  }
0x58: {  	_ =	swait.ge [sflag:s30], $0x80  }
0x59: {  	[sflag:s30] =	ssyncset.done $0x0  }
0x5a: {  	s19 =	rddreg [dreg:$0x7];
	[sflag:s30] =	ssyncadd.s32 $0xFFFFFF80  }
0x5b: {  	[tilespmem:s7], [sflag:$0x4] =	stream.linear.gather [hbm4b:s19+s4], $0x80, $0x38;
	[tilespmem:$0x1C200] =	vst v63  }
0x5c: {  	_ =	swait.ge [sflag:s30], $0x80  }
0x5d: {  	[sflag:s30] =	ssyncset.done $0x0  }
0x5e: {  	[sflag:s30] =	ssyncadd.s32 $0xFFFFFF80  }
0x5f: {  	[tilespmem:s8], [sflag:$0x2] =	stream.indirect.gather [hbm4b:s5+s0], $0x80, s0, s0, $0xb8;
	[tilespmem:$0x1C200] =	vst v63  }
0x60: {  	_ =	swait.ge [sflag:s9], $0x4000  }
0x61: {  	[sflag:s9] =	ssyncset.done $0x0  }
0x62: {  	[sflag:s9] =	ssyncadd.s32 $0xFFFFC000  }
0x63: {  	[spmem:s2] =	stream.indirect.scatter.add.f32 [tilespmem:s3], [sflag:$0x4], $0x80, s31, s0, $0xb8;
	[tilespmem:$0x1C200] =	vst v63  }
0x64: {  	_ =	swait.ge [sflag:s30], $0x4000  }
0x65: {  	[sflag:s30] =	ssyncset.done $0x0  }
0x66: {  	s18 =	sadd.s32 $0x0, s15;
	[sflag:s30] =	ssyncadd.s32 $0xFFFFC000  }
0x67: {  	[tilespmem:s4], [sflag:$0x4] =	stream.linear.gather [hbm4b:s18+s4], $0x80, $0x38;
	[tilespmem:$0x1C200] =	vst v63  }
0x68: {  	_ =	swait.ge [sflag:s30], $0x80  }
0x69: {  	[sflag:s30] =	ssyncset.done $0x0  }
0x6a: {  	s19 =	sadd.s32 $0x0, s14;
	[sflag:s30] =	ssyncadd.s32 $0xFFFFFF80  }
0x6b: {  	[tilespmem:s31], [sflag:$0x4] =	stream.linear.gather [hbm4b:s19+s4], $0x80, $0x38;
	[tilespmem:$0x1C200] =	vst v63  }
0x6c: {  	_ =	swait.ge [sflag:s30], $0x80  }
0x6d: {  	[sflag:s30] =	ssyncset.done $0x0  }
0x6e: {  	[sflag:s30] =	ssyncadd.s32 $0xFFFFFF80  }
0x6f: {  	[tilespmem:s3], [sflag:$0x1] =	stream.indirect.gather [hbm4b:s5+s0], $0x80, s4, s0, $0xb8;
	[tilespmem:$0x1C200] =	vst v63  }
0x70: {  	_ =	swait.ge [sflag:s10], $0x4000  }
0x71: {  	[sflag:s10] =	ssyncset.done $0x0  }
0x72: {  	[sflag:s10] =	ssyncadd.s32 $0xFFFFC000  }
0x73: {  	[spmem:s2] =	stream.indirect.scatter.add.f32 [tilespmem:s8], [sflag:$0x4], $0x80, s7, s0, $0xb8;
	[tilespmem:$0x1C200] =	vst v63  }
0x74: {  	_ =	swait.ge [sflag:s30], $0x4000  }
0x75: {  	[sflag:s30] =	ssyncset.done $0x0  }
0x76: {  	s18 =	sadd.s32 $0x0, s13;
	[sflag:s30] =	ssyncadd.s32 $0xFFFFC000  }
0x77: {  	[tilespmem:s0], [sflag:$0x4] =	stream.linear.gather [hbm4b:s18+s4], $0x80, $0x38;
	[tilespmem:$0x1C200] =	vst v63  }
0x78: {  	_ =	swait.ge [sflag:s30], $0x80  }
0x79: {  	[sflag:s30] =	ssyncset.done $0x0  }
0x7a: {  	s19 =	sadd.s32 $0x0, s12;
	[sflag:s30] =	ssyncadd.s32 $0xFFFFFF80  }
0x7b: {  	[tilespmem:s7], [sflag:$0x4] =	stream.linear.gather [hbm4b:s19+s4], $0x80, $0x38;
	[tilespmem:$0x1C200] =	vst v63  }
0x7c: {  	_ =	swait.ge [sflag:s30], $0x80  }
0x7d: {  	[sflag:s30] =	ssyncset.done $0x0  }
0x7e: {  	s17 =	simm.s32 $0x20;
	[sflag:s30] =	ssyncadd.s32 $0xFFFFFF80  }
.LBB2_2:
0x7f: {  	[tilespmem:s8], [sflag:$0x2] =	stream.indirect.gather [hbm4b:s5+s0], $0x80, s0, s0, $0xb8;
	[tilespmem:$0x1C200] =	vst v63  }
0x80: {  	s18 =	smov.u32 s17  }
0x81: {  	p0 =	sne.s32 s17, $0x4C0;
	s17 =	sadd.s32 $0x20, s17;
	_ =	swait.ge [sflag:s9], $0x4000  }
0x82: {  	[sflag:s9] =	ssyncset.done $0x0  }
0x83: {  	[sflag:s9] =	ssyncadd.s32 $0xFFFFC000  }
0x84: {  	[spmem:s2] =	stream.indirect.scatter.add.f32 [tilespmem:s3], [sflag:$0x4], $0x80, s31, s0, $0xb8;
	[tilespmem:$0x1C200] =	vst v63  }
0x85: {  	_ =	swait.ge [sflag:s30], $0x4000  }
0x86: {  	[sflag:s30] =	ssyncset.done $0x0  }
0x87: {  	s19 =	sadd.s32 s18, s15;
	[sflag:s30] =	ssyncadd.s32 $0xFFFFC000  }
0x88: {  	[tilespmem:s4], [sflag:$0x4] =	stream.linear.gather [hbm4b:s19+s4], $0x80, $0x38;
	[tilespmem:$0x1C200] =	vst v63  }
0x89: {  	_ =	swait.ge [sflag:s30], $0x80  }
0x8a: {  	[sflag:s30] =	ssyncset.done $0x0  }
0x8b: {  	s19 =	sadd.s32 s18, s14;
	[sflag:s30] =	ssyncadd.s32 $0xFFFFFF80  }
0x8c: {  	[tilespmem:s31], [sflag:$0x4] =	stream.linear.gather [hbm4b:s19+s4], $0x80, $0x38;
	[tilespmem:$0x1C200] =	vst v63  }
0x8d: {  	_ =	swait.ge [sflag:s30], $0x80  }
0x8e: {  	[sflag:s30] =	ssyncset.done $0x0  }
0x8f: {  	[sflag:s30] =	ssyncadd.s32 $0xFFFFFF80  }
0x90: {  	[tilespmem:s3], [sflag:$0x1] =	stream.indirect.gather [hbm4b:s5+s0], $0x80, s4, s0, $0xb8;
	[tilespmem:$0x1C200] =	vst v63  }
0x91: {  	_ =	swait.ge [sflag:s10], $0x4000  }
0x92: {  	[sflag:s10] =	ssyncset.done $0x0  }
0x93: {  	[sflag:s10] =	ssyncadd.s32 $0xFFFFC000  }
0x94: {  	[spmem:s2] =	stream.indirect.scatter.add.f32 [tilespmem:s8], [sflag:$0x4], $0x80, s7, s0, $0xb8;
	[tilespmem:$0x1C200] =	vst v63  }
0x95: {  	_ =	swait.ge [sflag:s30], $0x4000  }
0x96: {  	[sflag:s30] =	ssyncset.done $0x0  }
0x97: {  	s19 =	sadd.s32 s18, s13;
	[sflag:s30] =	ssyncadd.s32 $0xFFFFC000  }
0x98: {  	[tilespmem:s0], [sflag:$0x4] =	stream.linear.gather [hbm4b:s19+s4], $0x80, $0x38;
	[tilespmem:$0x1C200] =	vst v63  }
0x99: {  	_ =	swait.ge [sflag:s30], $0x80  }
0x9a: {  	[sflag:s30] =	ssyncset.done $0x0  }
.Ltmp0:
0x9b: {  	s18 =	sadd.s32 s18, s12;
	[sflag:s30] =	ssyncadd.s32 $0xFFFFFF80;
	(pc) =	sbr.rel @p0 .LBB2_2-.Ltmp0, $4  }
0x9c: {  	[tilespmem:s7], [sflag:$0x4] =	stream.linear.gather [hbm4b:s18+s4], $0x80, $0x38;
	[tilespmem:$0x1C200] =	vst v63  }
0x9d: {  	_ =	swait.ge [sflag:s30], $0x80  }
0x9e: {  	[sflag:s30] =	ssyncset.done $0x0  }
0x9f: {  	[sflag:s30] =	ssyncadd.s32 $0xFFFFFF80  }
0xa0: {  	[tilespmem:s8], [sflag:$0x2] =	stream.indirect.gather [hbm4b:s5+s0], $0x80, s0, s0, $0xb8;
	[tilespmem:$0x1C200] =	vst v63  }
0xa1: {  	_ =	swait.ge [sflag:s9], $0x4000  }
0xa2: {  	[sflag:s9] =	ssyncset.done $0x0  }
0xa3: {  	[sflag:s9] =	ssyncadd.s32 $0xFFFFC000  }
0xa4: {  	[spmem:s2] =	stream.indirect.scatter.add.f32 [tilespmem:s3], [sflag:$0x4], $0x80, s31, s0, $0xb8;
	[tilespmem:$0x1C200] =	vst v63  }
0xa5: {  	_ =	swait.ge [sflag:s30], $0x4000  }
0xa6: {  	[sflag:s30] =	ssyncset.done $0x0  }
0xa7: {  	[sflag:s30] =	ssyncadd.s32 $0xFFFFC000  }
0xa8: {  	_ =	swait.ge [sflag:s10], $0x4000  }
0xa9: {  	[sflag:s10] =	ssyncset.done $0x0  }
0xaa: {  	[sflag:s10] =	ssyncadd.s32 $0xFFFFC000  }
0xab: {  	[spmem:s2] =	stream.indirect.scatter.add.f32 [tilespmem:s8], [sflag:$0x4], $0x80, s7, s0, $0xb8;
	[tilespmem:$0x1C200] =	vst v63  }
0xac: {  	_ =	swait.ge [sflag:s30], $0x4000  }
0xad: {  	[sflag:s30] =	ssyncset.done $0x0  }
0xae: {  	[sflag:s30] =	ssyncadd.s32 $0xFFFFC000  }
0xaf: {  	[bflag:$0x0] =	sbarrier.arrive $0xFFFF  }
0xb0: {  	s17 =	sor.u32 $0x1C04, s20;
	s18 =	rddreg [dreg:$0x8]  }
0xb1: {  	[hbm:s18], [sflag:s17] =	dma.local [spmem:s16], $0x2800  }
0xb2: {  	_ =	swait.ge [sflag:s30], $0x2800  }
0xb3: {  	s11 =	sadd.s32 $0x1, s11;
	s19 =	rddreg [dreg:$0x9]  }
0xb4: {  	p0 =	sne.s32 s11, s19  }
.Ltmp1:
0xb5: {  	_ = 	snop;
	(pc) =	sbr.rel @p0 .LBB2_1-.Ltmp1, $3  }
0xb6: {  	_ =	sdelay $0x1  }
0xb7: {  	[sflag:s30] =	ssyncset.done $0x0  }
0xb8: {  	[sflag:s30] =	ssyncadd.s32 $0xFFFFD800  }
0xb9: {  	_ =	sfence.sel $0x180000  }
0xba: {  	[bflag:$0x0] =	sbarrier.arrive $0xFFFF  }
0xbb: {  	_ =	strace $0x9000004A  }
0xbc: {  	s0 =	stileid.u32;
	[bflag:$0x2] =	sbarrier.arrive $0xFFFF  }
0xbd: {  	p0 =	sne.s32 s0, $0x0;
	s0 =	rddreg [dreg:$0x3]  }
0xbe: {  	s0 =	sadd.s32 @!p0 $0x100000, s0  }
0xbf: {  	[sflag:s0] =	ssyncadd.tile.s32 @!p0 $0x1;
	_ =	shalt  }
.Lfunc_end2:
_tile_overlayer_lowered:
.L_overlay_start_2:
0xc0: {  	(tag) =	ssettag $0x2  }
0xc1: {  	s0 =	rddreg [dreg:$0x0];
	s2 =	stileid.u32  }
0xc2: {  	s1 =	rddreg [dreg:$0x1];
	p0 =	sne.s32 s2, $0x0  }
0xc3: {  	s3 =	rddreg [dreg:$0x2];
	[bflag:$0x3] =	sbarrier.arrive $0xFFFF;
	s2 =	simm.s32 @!p0 $0x1C04  }
0xc4: {  	[timem:s3], [sflag:s2] =	dma.local @!p0 [hbm:s0], s1  }
0xc5: {  	s0 =	simm.s32 @!p0 $0x4  }
0xc6: {  	_ =	swait.ge @!p0 [sflag:s0], s1  }
0xc7: {  	s1 =	ssub.s32 @!p0 $0x0, s1;
	[sflag:s0] =	ssyncset.done @!p0 $0x0  }
0xc8: {  	[sflag:s0] =	ssyncadd.s32 @!p0 s1  }
0xc9: {  	[bflag:$0x3] =	sbarrier.arrive $0xFFFF  }
0xca: {  	_ =	shalt  }

// kernel: kernel.14.cloned.1.call-start
scs
__scs_entry_jumppad:
0x0: {  	(pc) =	sbr.rel $0x88, $3  }
0x1: {  	(tag) =	ssettag $0x0;
	lr =	simm.s32 $0x1  }
0x2: {  	[smem:$0x3F96] =	sst lr;
	_ =	strace $0xD0000000  }
0x3: {  	_ = 	snop  }
0x4: {  	_ = 	snop  }
0x5: {  	_ = 	snop  }
0x6: {  	_ = 	snop  }
0x7: {  	_ = 	snop  }
__scs_overlays_trampoline_lowered:
0x8: {  	[smem:$0x3FA5] =	sst s0  }
0x9: {  	[smem:$0x3FA6] =	sst s1  }
0xa: {  	[smem:$0x3FA7] =	sst s2  }
0xb: {  	[smem:$0x3FA8] =	sst s3  }
0xc: {  	[smem:$0x3FA9] =	sst s4  }
0xd: {  	[smem:$0x3FAA] =	sst s5  }
0xe: {  	[smem:$0x3FAB] =	sst s6  }
0xf: {  	[smem:$0x3FAC] =	sst s7  }
0x10: {  	[smem:$0x3FAD] =	sst s8  }
0x11: {  	[smem:$0x3FAE] =	sst s9;
	s0 =	simm.s32 @!p0 $0x0  }
0x12: {  	s1 =	sld [smem:$0x3F94];
	s0 =	simm.s32 @p0 $0x1  }
0x13: {  	[smem:$0x3FAF] =	sst s0;
	s0 =	simm.s32 @!p1 $0x0  }
0x14: {  	s2 =	sld [smem:$0x3F93];
	s0 =	simm.s32 @p1 $0x1  }
0x15: {  	[smem:$0x3FB0] =	sst s0;
	s0 =	simm.s32 @!p2 $0x0  }
0x16: {  	s3 =	sld [smem:$0x3FDB];
	s0 =	simm.s32 @p2 $0x1  }
0x17: {  	s4 =	simm.s32 $0x1BF5;
	[smem:$0x3FB2] =	sst s0  }
0x18: {  	s0 =	sld [smem:$0x3F95];
	_ =	swait.ge [sflag:s4], $0x0  }
0x19: {  	s7 =	sld [smem:$0x3F96]  }
0x1a: {  	s8 =	sadd.s32 $0xFFFFE003, lr  }
0x1b: {  	s9 =	sadd.s32 $0xFFFFFEF7, lr;
	s5 =	simm.s32 $0xFFFFFFFF;
	p2 =	slt.u32 s8, $0xFFFFF086  }
0x1c: {  	p1 =	slt.u32 s9, $0xF7A;
	s5 =	simm.s32 @!p2 $0x0  }
0x1d: {  	s5 =	simm.s32 @p1 $0x1;
	p0 =	seq.s32 s7, s2  }
0x1e: {  	s7 =	smul.u32 @!p0 $0xF7A, s2;
	p2 =	seq.s32 @!p0 s5, $0x0  }
0x1f: {  	s9 =	smul.u32 $0xF7A, s1;
	s8 =	simm.s32 @!p0 $0x1BF5;
	p2 =	por !p2, p0  }
0x20: {  	[sflag:s8] =	ssyncset.s32 @!p0 $0xFFFFF086;
	s6 =	sadd.s32 @!p0 s3, s7;
	s7 =	simm.s32 @!p0 $0x108  }
0x21: {  	s3 =	sadd.s32 s3, s9;
	s6 =	sadd.s32 @!p0 $0x88, s6;
	s7 =	simm.s32 @p2 $0x1082  }
0x22: {  	[simem:s7], [sflag:s8] =	dma.local @!p0 [hbm:s6], $0xF7A  }
0x23: {  	s9 =	sor.u32 $0xD0000000, s2;
	s6 =	simm.s32 $0x108;
	_ =	swait.ge @!p0 [sflag:s8], $0x0  }
0x24: {  	s3 =	sadd.s32 $0x88, s3;
	s6 =	simm.s32 @!p1 $0x1082;
	[sflag:s4] =	ssyncset.s32 $0xFFFFF086  }
0x25: {  	[simem:s6], [sflag:s4] =	dma.local [hbm:s3], $0xF7A  }
0x26: {  	[smem:$0x3F96] =	sst s1;
	(tag) =	ssettag s2;
	_ =	strace s9  }
0x27: {  	s1 =	sld [smem:$0x3FA6]  }
0x28: {  	s2 =	sld [smem:$0x3FA7]  }
0x29: {  	s4 =	sld [smem:$0x3FA9]  }
0x2a: {  	p0 =	seq.s32 s5, $0x0;
	s5 =	sld [smem:$0x3FAA]  }
0x2b: {  	s6 =	sld [smem:$0x3FAB]  }
0x2c: {  	s7 =	sld [smem:$0x3FAC]  }
0x2d: {  	s3 =	simm.s32 $0x108;
	s8 =	sld [smem:$0x3FAD]  }
0x2e: {  	s3 =	simm.s32 @!p0 $0x1082;
	s9 =	sld [smem:$0x3FAE]  }
0x2f: {  	lr =	sadd.s32 s0, s3;
	s0 =	sld [smem:$0x3FA5]  }
0x30: {  	s3 =	sld [smem:$0x3FA8]  }
0x31: {  	[smem:$0x3FB1] =	sst s10  }
0x32: {  	s10 =	sld [smem:$0x3FAF];
	_ =	sdelay $0x3  }
0x33: {  	p0 =	seq.s32 s10, $0x1;
	s10 =	sld [smem:$0x3FB1];
	_ =	sdelay $0x3  }
0x34: {  	[smem:$0x3FB1] =	sst s10  }
0x35: {  	s10 =	sld [smem:$0x3FB0];
	_ =	sdelay $0x3  }
0x36: {  	p1 =	seq.s32 s10, $0x1;
	s10 =	sld [smem:$0x3FB1];
	_ =	sdelay $0x3  }
0x37: {  	[smem:$0x3FB1] =	sst s10  }
0x38: {  	s10 =	sld [smem:$0x3FB2]  }
0x39: {  	_ = 	snop;
	(pc) =	sbr.ind lr, $3  }
0x3a: {  	_ = 	snop  }
0x3b: {  	_ = 	snop  }
0x3c: {  	p2 =	seq.s32 s10, $0x1;
	s10 =	sld [smem:$0x3FB1]  }
0x3d: {  	_ =	shalt  }
0x3e: {  	_ =	shalt  }
0x3f: {  	_ =	shalt  }
0x40: {  	_ =	shalt  }
0x41: {  	_ =	shalt  }
0x42: {  	_ =	shalt  }
0x43: {  	_ =	shalt  }
0x44: {  	_ =	shalt  }
0x45: {  	_ =	shalt  }
0x46: {  	_ =	shalt  }
0x47: {  	_ =	shalt  }
0x48: {  	_ =	shalt  }
0x49: {  	_ =	shalt  }
0x4a: {  	_ =	shalt  }
0x4b: {  	_ =	shalt  }
0x4c: {  	_ =	shalt  }
0x4d: {  	_ =	shalt  }
0x4e: {  	_ =	shalt  }
0x4f: {  	_ =	shalt  }
0x50: {  	_ =	shalt  }
0x51: {  	_ =	shalt  }
0x52: {  	_ =	shalt  }
0x53: {  	_ =	shalt  }
0x54: {  	_ =	shalt  }
0x55: {  	_ =	shalt  }
0x56: {  	_ =	shalt  }
0x57: {  	_ =	shalt  }
0x58: {  	_ =	shalt  }
0x59: {  	_ =	shalt  }
0x5a: {  	_ =	shalt  }
0x5b: {  	_ =	shalt  }
0x5c: {  	_ =	shalt  }
0x5d: {  	_ =	shalt  }
0x5e: {  	_ =	shalt  }
0x5f: {  	_ =	shalt  }
0x60: {  	_ =	shalt  }
0x61: {  	_ =	shalt  }
0x62: {  	_ =	shalt  }
0x63: {  	_ =	shalt  }
0x64: {  	_ =	shalt  }
0x65: {  	_ =	shalt  }
0x66: {  	_ =	shalt  }
0x67: {  	_ =	shalt  }
0x68: {  	_ =	shalt  }
0x69: {  	_ =	shalt  }
0x6a: {  	_ =	shalt  }
0x6b: {  	_ =	shalt  }
0x6c: {  	_ =	shalt  }
0x6d: {  	_ =	shalt  }
0x6e: {  	_ =	shalt  }
0x6f: {  	_ =	shalt  }
0x70: {  	_ =	shalt  }
0x71: {  	_ =	shalt  }
0x72: {  	_ =	shalt  }
0x73: {  	_ =	shalt  }
0x74: {  	_ =	shalt  }
0x75: {  	_ =	shalt  }
0x76: {  	_ =	shalt  }
0x77: {  	_ =	shalt  }
0x78: {  	_ =	shalt  }
0x79: {  	_ =	shalt  }
0x7a: {  	_ =	shalt  }
0x7b: {  	_ =	shalt  }
0x7c: {  	_ =	shalt  }
0x7d: {  	_ =	shalt  }
0x7e: {  	_ =	shalt  }
0x7f: {  	_ =	shalt  }
0x80: {  	_ =	shalt  }
0x81: {  	_ =	shalt  }
0x82: {  	_ =	shalt  }
0x83: {  	_ =	shalt  }
0x84: {  	_ =	shalt  }
0x85: {  	_ =	shalt  }
0x86: {  	_ =	shalt  }
0x87: {  	_ =	shalt  }
.Lfunc_end0:
.L_simem_size_0:
called_computation.2_lowered:
.L_overlay_start_0:
0x88: {  	s2 =	sld [smem:$0x3FD9]  }
0x89: {  	s3 =	sld [smem:$0x3FFE];
	_ =	sdelay $0x1  }
0x8a: {  	s1 =	srdreg.scid  }
0x8b: {  	s0 =	sand.u32 $0x1, s1  }
0x8c: {  	s17 =	sshll.u32 s0, $0xA;
	s2 =	sadd.s32 s3, s2  }
0x8d: {  	s2 =	sadd.s32 s2, s17  }
0x8e: {  	[smem:$0x3FBD] =	sst s2  }
0x8f: {  	_ = 	snop  }
0x90: {  	s2 =	sld [smem:$0x3FD0];
	(tm) =	ssettm $0x1  }
0x91: {  	s18 =	sld [smem:$0x3FFB];
	_ =	sdelay $0x3  }
0x92: {  	_ =	strace s18  }
0x93: {  	s3 =	sld [smem:$0x3FFC];
	_ =	sdelay $0x3  }
0x94: {  	_ =	strace s3  }
0x95: {  	s3 =	sld [smem:$0x3FFD];
	_ =	sdelay $0x3  }
0x96: {  	_ =	strace s3  }
0x97: {  	_ =	strace $0x8FFFFFFF  }
0x98: {  	s19 =	sld [smem:$0x3FDB];
	_ =	sdelay $0x1  }
0x99: {  	s4 =	simm.s32 $_scs_section_size  }
0x9a: {  	s5 =	simm.s32 $_size__tile_overlayer_lowered;
	s6 =	simm.s32 $_tile_overlayer_lowered  }
0x9b: {  	s22 =	simm.s32 $0x1BFF;
	s21 =	sshll.u32 s6, $0x1;
	s3 =	sadd.s32 s4, s19  }
0x9c: {  	s7 =	simm.s32 $0x0;
	s20 =	sshll.u32 s5, $0x1;
	s5 =	sadd.s32 s21, s3  }
0x9d: {  	[timem:s7], [sflag:s22] =	dma.local [hbm:s5], s20  }
0x9e: {  	_ =	swait.ge [sflag:s22], s20  }
0x9f: {  	s4 =	ssub.s32 $0x0, s20;
	[sflag:s22] =	ssyncset.done $0x0  }
0xa0: {  	[sflag:s22] =	ssyncadd.s32 s4;
	_ =	sdelay $0x1  }
0xa1: {  	s23 =	simm.s32 $0x1B8B  }
0xa2: {  	_ =	swait.ge [sflag:s23], $0x1  }
0xa3: {  	[sflag:s23] =	ssyncset.done $0x0  }
0xa4: {  	s25 =	simm.s32 $0x1B8E;
	s24 =	sld [smem:$0x3FFE];
	[sflag:s23] =	ssyncadd.s32 $0xFFFFFFFF  }
0xa5: {  	s26 =	simm.s32 $execute0_lowered;
	[smem:$0x3FD2] =	sst s25  }
0xa6: {  	s5 =	sshll.u32 s26, $0x1;
	_ =	strace $0x8000004C;
	[dreg:$0x1] =	wrdreg $0xFFFFFFFF  }
0xa7: {  	s28 =	simm.s32 $_size_execute0_lowered;
	s3 =	sadd.s32 s3, s5;
	[dreg:$0x0] =	wrdreg $0x0  }
0xa8: {  	s5 =	sshll.u32 s28, $0x1;
	[dreg:$0x2] =	wrdreg s3  }
0xa9: {  	[dreg:$0x3] =	wrdreg s5  }
0xaa: {  	[dreg:$0x4] =	wrdreg $0xC0  }
0xab: {  	_ =	task [dreg:s7], $0x5FFFF  }
0xac: {  	[dreg:$0x1] =	wrdreg $0xFFFFFFFF  }
0xad: {  	[dreg:$0x0] =	wrdreg $0x60  }
0xae: {  	[dreg:$0x2] =	wrdreg s24  }
0xaf: {  	[dreg:$0x3] =	wrdreg s2  }
0xb0: {  	[dreg:$0x4] =	wrdreg $0x82000  }
0xb1: {  	[dreg:$0x5] =	wrdreg $0x9  }
0xb2: {  	_ =	task.clear_ibuf [dreg:s7], $0x6FFFF;
	_ =	strace $0x9000004C  }
0xb3: {  	s29 =	simm.s32 $0x9;
	_ =	strace $0x8000004E  }
0xb4: {  	_ =	swait.ge [sflag:s29], $0x1  }
0xb5: {  	[sflag:s29] =	ssyncadd.s32 $0xFFFFFFFF  }
0xb6: {  	_ =	strace $0x9000004E  }
0xb7: {  	_ =	sfence  }
0xb8: {  	s30 =	sld [smem:$0x0];
	_ =	sdelay $0x2  }
0xb9: {  	s31 =	sshll.u32 s1, $0xD;
	s1 =	sshrl.u32 s1, $0x2  }
0xba: {  	s3 =	sand.u32 $0x4000, s31;
	s1 =	sadd.s32 s1, s30  }
0xbb: {  	s0 =	sor.u32 s3, s0;
	s1 =	sshll.u32 s1, $0x11  }
0xbc: {  	s0 =	sor.u32 s1, s0  }
0xbd: {  	s0 =	sadd.s32 $0x8F2B, s0  }
0xbe: {  	[sflag:s0] =	ssyncadd.remote.s32 $0x1  }
0xbf: {  	_ =	sfence.sel $0xFFFF  }
0xc0: {  	[dreg:$0x0] =	wrdreg $0xFFFFFFFF;
	(pc) =	sbr.abs _section_cstart, $3  }
0xc1: {  	[dreg:$0x1] =	wrdreg $0xFFFFFFFF  }
0xc2: {  	_ =	task.clear_ibuf [dreg:s7], $0x2FFFF;
	_ =	strace $0x9FFFFFFF  }
0xc3: {  	(tm) =	ssettm $0x7FFFFFFF  }
tec
execute0_lowered:
.L_overlay_start_1:
0x0: {  	(tag) =	ssettag $0x1  }
0x1: {  	s0 =	rddreg [dreg:$0x0]  }
0x2: {  	s1 =	rddreg [dreg:$0x1]  }
0x3: {  	s2 =	rddreg [dreg:$0x2];
	s3 =	srdreg.scid  }
0x4: {  	s4 =	simm.s32 $0x0;
	s12 =	stileid.u32;
	s29 =	simm.s32 $0x3  }
0x5: {  	s30 =	simm.s32 $0x4;
	s31 =	simm.s32 $0x100;
	s3 =	sand.u32 $0x1, s3  }
0x6: {  	[smem:$0x7FF] =	sst s4;
	s7 =	smul.u32 $0x14000, s12;
	s5 =	sadd.s32 $0x16200, s0  }
0x7: {  	s8 =	sadd.s32 $0xC200, s0;
	s9 =	sadd.s32 $0x2200, s0;
	s10 =	smul.u32 $0x50000, s12  }
0x8: {  	s11 =	sshll.u32 s12, $0x1;
	s18 =	sshll.u32 s12, $0x6;
	s12 =	smul.u32 $0x5000, s12  }
0x9: {  	s6 =	smul.u32 $0x140000, s3;
	_ =	strace $0x8000004D;
	s26 =	ssub.s32 $0x2, s3  }
0xa: {  	s11 =	sor.u32 s3, s11;
	s3 =	smul.u32 $0x2800, s3;
	s28 =	sor.u32 $0x1C03, s18  }
0xb: {  	s13 =	sshrl.u32 s26, $0x1;
	s14 =	sshrl.u32 s10, $0x2;
	s15 =	smul.u32 $0x2800, s11  }
0xc: {  	s6 =	sadd.s32 s7, s6;
	s7 =	ssub.s32 s26, s13;
	s3 =	sadd.s32 s3, s12  }
0xd: {  	s6 =	sshrl.u32 s6, $0x3;
	s10 =	sshrl.u32 s15, $0x3;
	s20 =	sor.u32 $0x180, s3  }
0xe: {  	s3 =	sor.u32 $0x100, s3;
	s0 =	sadd.s32 s6, s0;
	s6 =	sadd.s32 s14, s2  }
0xf: {  	s13 =	sadd.s32 s8, s10;
	s19 =	sadd.s32 s9, s10;
	s10 =	sor.u32 $0x10, s10  }
0x10: {  	s26 =	sshrl.u32 s20, $0x3;
	s3 =	sshrl.u32 s3, $0x3;
	s11 =	sadd.s32 $0x2000, s6  }
0x11: {  	s16 =	sadd.s32 $0x4000, s6;
	s17 =	sadd.s32 $0x6000, s6;
	s21 =	sadd.s32 $0x8000, s6  }
0x12: {  	s22 =	sadd.s32 $0xA000, s6;
	s23 =	sadd.s32 $0xC000, s6;
	[dreg:$0x4] =	wrdreg s13  }
0x13: {  	s24 =	sadd.s32 $0xE000, s6;
	[dreg:$0x5] =	wrdreg s19;
	s25 =	sadd.s32 s8, s10  }
0x14: {  	s10 =	sadd.s32 s9, s10;
	s12 =	sadd.s32 s26, s9;
	s13 =	sadd.s32 s26, s8  }
0x15: {  	s14 =	sadd.s32 s3, s9;
	s15 =	sadd.s32 s3, s8;
	s9 =	sadd.s32 $0x10000, s6  }
0x16: {  	s0 =	sadd.s32 $0x3E200, s0;
	s26 =	sadd.s32 $0x12000, s6;
	[dreg:$0x6] =	wrdreg s25  }
0x17: {  	s3 =	simm.s32 $0x200;
	s8 =	simm.s32 $0x4200;
	[dreg:$0x7] =	wrdreg s10  }
0x18: {  	[dreg:$0x8] =	wrdreg s0;
	s10 =	smax.u32 s7, $0x1;
	s19 =	sshrl.u32 s11, $0x3  }
0x19: {  	s20 =	sshrl.u32 s16, $0x3;
	s25 =	sshrl.u32 s17, $0x3;
	s21 =	sshrl.u32 s21, $0x3  }
0x1a: {  	s22 =	sshrl.u32 s22, $0x3;
	s23 =	sshrl.u32 s23, $0x3;
	[dreg:$0x9] =	wrdreg s10  }
0x1b: {  	s24 =	sshrl.u32 s24, $0x3;
	s26 =	sshrl.u32 s26, $0x3;
	[dreg:$0xa] =	wrdreg s19  }
0x1c: {  	s0 =	simm.s32 $0x80;
	s7 =	simm.s32 $0x180;
	[dreg:$0xb] =	wrdreg s20  }
0x1d: {  	s11 =	simm.s32 $0x0;
	[dreg:$0xc] =	wrdreg s25;
	s25 =	sshrl.u32 s9, $0x3  }
0x1e: {  	s20 =	smov.u32 s18;
	s9 =	simm.s32 $0x1;
	s10 =	simm.s32 $0x2  }
.LBB2_1:
0x1f: {  	s16 =	sshrl.u32 s6, $0x3  }
0x20: {  	[spmem:s16], [sflag:s28] =	dma.local [hbm:s1], $0x400  }
0x21: {  	s17 =	rddreg [dreg:$0xa]  }
0x22: {  	[spmem:s17], [sflag:s28] =	dma.local [hbm:s1], $0x400  }
0x23: {  	s17 =	rddreg [dreg:$0xb]  }
0x24: {  	[spmem:s17], [sflag:s28] =	dma.local [hbm:s1], $0x400  }
0x25: {  	s17 =	rddreg [dreg:$0xc]  }
0x26: {  	[spmem:s17], [sflag:s28] =	dma.local [hbm:s1], $0x400  }
0x27: {  	[spmem:s21], [sflag:s28] =	dma.local [hbm:s1], $0x400  }
0x28: {  	[spmem:s22], [sflag:s28] =	dma.local [hbm:s1], $0x400  }
0x29: {  	[spmem:s23], [sflag:s28] =	dma.local [hbm:s1], $0x400  }
0x2a: {  	[spmem:s24], [sflag:s28] =	dma.local [hbm:s1], $0x400  }
0x2b: {  	[spmem:s25], [sflag:s28] =	dma.local [hbm:s1], $0x400  }
0x2c: {  	[spmem:s26], [sflag:s28] =	dma.local [hbm:s1], $0x400  }
0x2d: {  	_ =	swait.ge [sflag:s29], $0x400  }
0x2e: {  	[sflag:s29] =	ssyncset.done $0x0  }
0x2f: {  	[sflag:s29] =	ssyncadd.s32 $0xFFFFFC00  }
0x30: {  	_ =	swait.ge [sflag:s29], $0x400  }
0x31: {  	[sflag:s29] =	ssyncset.done $0x0  }
0x32: {  	[sflag:s29] =	ssyncadd.s32 $0xFFFFFC00  }
0x33: {  	_ =	swait.ge [sflag:s29], $0x400  }
0x34: {  	[sflag:s29] =	ssyncset.done $0x0  }
0x35: {  	[sflag:s29] =	ssyncadd.s32 $0xFFFFFC00  }
0x36: {  	_ =	swait.ge [sflag:s29], $0x400  }
0x37: {  	[sflag:s29] =	ssyncset.done $0x0  }
0x38: {  	[sflag:s29] =	ssyncadd.s32 $0xFFFFFC00  }
0x39: {  	_ =	swait.ge [sflag:s29], $0x400  }
0x3a: {  	[sflag:s29] =	ssyncset.done $0x0  }
0x3b: {  	[sflag:s29] =	ssyncadd.s32 $0xFFFFFC00  }
0x3c: {  	_ =	swait.ge [sflag:s29], $0x400  }
0x3d: {  	[sflag:s29] =	ssyncset.done $0x0  }
0x3e: {  	[sflag:s29] =	ssyncadd.s32 $0xFFFFFC00  }
0x3f: {  	_ =	swait.ge [sflag:s29], $0x400  }
0x40: {  	[sflag:s29] =	ssyncset.done $0x0  }
0x41: {  	[sflag:s29] =	ssyncadd.s32 $0xFFFFFC00  }
0x42: {  	_ =	swait.ge [sflag:s29], $0x400  }
0x43: {  	[sflag:s29] =	ssyncset.done $0x0  }
0x44: {  	[sflag:s29] =	ssyncadd.s32 $0xFFFFFC00  }
0x45: {  	_ =	swait.ge [sflag:s29], $0x400  }
0x46: {  	[sflag:s29] =	ssyncset.done $0x0  }
0x47: {  	[sflag:s29] =	ssyncadd.s32 $0xFFFFFC00  }
0x48: {  	_ =	swait.ge [sflag:s29], $0x400  }
0x49: {  	[sflag:s29] =	ssyncset.done $0x0  }
0x4a: {  	[sflag:s29] =	ssyncadd.s32 $0xFFFFFC00  }
0x4b: {  	[bflag:$0x0] =	sbarrier.arrive $0xFFFF  }
0x4c: {  	s18 =	rddreg [dreg:$0x4]  }
0x4d: {  	[tilespmem:s4], [sflag:$0x4] =	stream.linear.gather [hbm4b:s18+s4], $0x80, $0x38;
	[tilespmem:$0x1C200] =	vst v63  }
0x4e: {  	_ =	swait.ge [sflag:s30], $0x80  }
0x4f: {  	[sflag:s30] =	ssyncset.done $0x0  }
0x50: {  	s19 =	rddreg [dreg:$0x5];
	[sflag:s30] =	ssyncadd.s32 $0xFFFFFF80  }
0x51: {  	[tilespmem:s31], [sflag:$0x4] =	stream.linear.gather [hbm4b:s19+s4], $0x80, $0x38;
	[tilespmem:$0x1C200] =	vst v63  }
0x52: {  	_ =	swait.ge [sflag:s30], $0x80  }
0x53: {  	[sflag:s30] =	ssyncset.done $0x0  }
0x54: {  	[sflag:s30] =	ssyncadd.s32 $0xFFFFFF80  }
0x55: {  	[tilespmem:s3], [sflag:$0x1] =	stream.indirect.gather [hbm4b:s5+s0], $0x80, s4, s0, $0xb8;
	[tilespmem:$0x1C200] =	vst v63  }
0x56: {  	s18 =	rddreg [dreg:$0x6]  }
0x57: {  	[tilespmem:s0], [sflag:$0x4] =	stream.linear.gather [hbm4b:s18+s4], $0x80, $0x38;
	[tilespmem:$0x1C200] =	vst v63  }
0x58: {  	_ =	swait.ge [sflag:s30], $0x80  }
0x59: {  	[sflag:s30] =	ssyncset.done $0x0  }
0x5a: {  	s19 =	rddreg [dreg:$0x7];
	[sflag:s30] =	ssyncadd.s32 $0xFFFFFF80  }
0x5b: {  	[tilespmem:s7], [sflag:$0x4] =	stream.linear.gather [hbm4b:s19+s4], $0x80, $0x38;
	[tilespmem:$0x1C200] =	vst v63  }
0x5c: {  	_ =	swait.ge [sflag:s30], $0x80  }
0x5d: {  	[sflag:s30] =	ssyncset.done $0x0  }
0x5e: {  	[sflag:s30] =	ssyncadd.s32 $0xFFFFFF80  }
0x5f: {  	[tilespmem:s8], [sflag:$0x2] =	stream.indirect.gather [hbm4b:s5+s0], $0x80, s0, s0, $0xb8;
	[tilespmem:$0x1C200] =	vst v63  }
0x60: {  	_ =	swait.ge [sflag:s9], $0x4000  }
0x61: {  	[sflag:s9] =	ssyncset.done $0x0  }
0x62: {  	[sflag:s9] =	ssyncadd.s32 $0xFFFFC000  }
0x63: {  	[spmem:s2] =	stream.indirect.scatter.add.f32 [tilespmem:s3], [sflag:$0x4], $0x80, s31, s0, $0xb8;
	[tilespmem:$0x1C200] =	vst v63  }
0x64: {  	_ =	swait.ge [sflag:s30], $0x4000  }
0x65: {  	[sflag:s30] =	ssyncset.done $0x0  }
0x66: {  	s18 =	sadd.s32 $0x0, s15;
	[sflag:s30] =	ssyncadd.s32 $0xFFFFC000  }
0x67: {  	[tilespmem:s4], [sflag:$0x4] =	stream.linear.gather [hbm4b:s18+s4], $0x80, $0x38;
	[tilespmem:$0x1C200] =	vst v63  }
0x68: {  	_ =	swait.ge [sflag:s30], $0x80  }
0x69: {  	[sflag:s30] =	ssyncset.done $0x0  }
0x6a: {  	s19 =	sadd.s32 $0x0, s14;
	[sflag:s30] =	ssyncadd.s32 $0xFFFFFF80  }
0x6b: {  	[tilespmem:s31], [sflag:$0x4] =	stream.linear.gather [hbm4b:s19+s4], $0x80, $0x38;
	[tilespmem:$0x1C200] =	vst v63  }
0x6c: {  	_ =	swait.ge [sflag:s30], $0x80  }
0x6d: {  	[sflag:s30] =	ssyncset.done $0x0  }
0x6e: {  	[sflag:s30] =	ssyncadd.s32 $0xFFFFFF80  }
0x6f: {  	[tilespmem:s3], [sflag:$0x1] =	stream.indirect.gather [hbm4b:s5+s0], $0x80, s4, s0, $0xb8;
	[tilespmem:$0x1C200] =	vst v63  }
0x70: {  	_ =	swait.ge [sflag:s10], $0x4000  }
0x71: {  	[sflag:s10] =	ssyncset.done $0x0  }
0x72: {  	[sflag:s10] =	ssyncadd.s32 $0xFFFFC000  }
0x73: {  	[spmem:s2] =	stream.indirect.scatter.add.f32 [tilespmem:s8], [sflag:$0x4], $0x80, s7, s0, $0xb8;
	[tilespmem:$0x1C200] =	vst v63  }
0x74: {  	_ =	swait.ge [sflag:s30], $0x4000  }
0x75: {  	[sflag:s30] =	ssyncset.done $0x0  }
0x76: {  	s18 =	sadd.s32 $0x0, s13;
	[sflag:s30] =	ssyncadd.s32 $0xFFFFC000  }
0x77: {  	[tilespmem:s0], [sflag:$0x4] =	stream.linear.gather [hbm4b:s18+s4], $0x80, $0x38;
	[tilespmem:$0x1C200] =	vst v63  }
0x78: {  	_ =	swait.ge [sflag:s30], $0x80  }
0x79: {  	[sflag:s30] =	ssyncset.done $0x0  }
0x7a: {  	s19 =	sadd.s32 $0x0, s12;
	[sflag:s30] =	ssyncadd.s32 $0xFFFFFF80  }
0x7b: {  	[tilespmem:s7], [sflag:$0x4] =	stream.linear.gather [hbm4b:s19+s4], $0x80, $0x38;
	[tilespmem:$0x1C200] =	vst v63  }
0x7c: {  	_ =	swait.ge [sflag:s30], $0x80  }
0x7d: {  	[sflag:s30] =	ssyncset.done $0x0  }
0x7e: {  	s17 =	simm.s32 $0x20;
	[sflag:s30] =	ssyncadd.s32 $0xFFFFFF80  }
.LBB2_2:
0x7f: {  	[tilespmem:s8], [sflag:$0x2] =	stream.indirect.gather [hbm4b:s5+s0], $0x80, s0, s0, $0xb8;
	[tilespmem:$0x1C200] =	vst v63  }
0x80: {  	s18 =	smov.u32 s17  }
0x81: {  	p0 =	sne.s32 s17, $0x4C0;
	s17 =	sadd.s32 $0x20, s17;
	_ =	swait.ge [sflag:s9], $0x4000  }
0x82: {  	[sflag:s9] =	ssyncset.done $0x0  }
0x83: {  	[sflag:s9] =	ssyncadd.s32 $0xFFFFC000  }
0x84: {  	[spmem:s2] =	stream.indirect.scatter.add.f32 [tilespmem:s3], [sflag:$0x4], $0x80, s31, s0, $0xb8;
	[tilespmem:$0x1C200] =	vst v63  }
0x85: {  	_ =	swait.ge [sflag:s30], $0x4000  }
0x86: {  	[sflag:s30] =	ssyncset.done $0x0  }
0x87: {  	s19 =	sadd.s32 s18, s15;
	[sflag:s30] =	ssyncadd.s32 $0xFFFFC000  }
0x88: {  	[tilespmem:s4], [sflag:$0x4] =	stream.linear.gather [hbm4b:s19+s4], $0x80, $0x38;
	[tilespmem:$0x1C200] =	vst v63  }
0x89: {  	_ =	swait.ge [sflag:s30], $0x80  }
0x8a: {  	[sflag:s30] =	ssyncset.done $0x0  }
0x8b: {  	s19 =	sadd.s32 s18, s14;
	[sflag:s30] =	ssyncadd.s32 $0xFFFFFF80  }
0x8c: {  	[tilespmem:s31], [sflag:$0x4] =	stream.linear.gather [hbm4b:s19+s4], $0x80, $0x38;
	[tilespmem:$0x1C200] =	vst v63  }
0x8d: {  	_ =	swait.ge [sflag:s30], $0x80  }
0x8e: {  	[sflag:s30] =	ssyncset.done $0x0  }
0x8f: {  	[sflag:s30] =	ssyncadd.s32 $0xFFFFFF80  }
0x90: {  	[tilespmem:s3], [sflag:$0x1] =	stream.indirect.gather [hbm4b:s5+s0], $0x80, s4, s0, $0xb8;
	[tilespmem:$0x1C200] =	vst v63  }
0x91: {  	_ =	swait.ge [sflag:s10], $0x4000  }
0x92: {  	[sflag:s10] =	ssyncset.done $0x0  }
0x93: {  	[sflag:s10] =	ssyncadd.s32 $0xFFFFC000  }
0x94: {  	[spmem:s2] =	stream.indirect.scatter.add.f32 [tilespmem:s8], [sflag:$0x4], $0x80, s7, s0, $0xb8;
	[tilespmem:$0x1C200] =	vst v63  }
0x95: {  	_ =	swait.ge [sflag:s30], $0x4000  }
0x96: {  	[sflag:s30] =	ssyncset.done $0x0  }
0x97: {  	s19 =	sadd.s32 s18, s13;
	[sflag:s30] =	ssyncadd.s32 $0xFFFFC000  }
0x98: {  	[tilespmem:s0], [sflag:$0x4] =	stream.linear.gather [hbm4b:s19+s4], $0x80, $0x38;
	[tilespmem:$0x1C200] =	vst v63  }
0x99: {  	_ =	swait.ge [sflag:s30], $0x80  }
0x9a: {  	[sflag:s30] =	ssyncset.done $0x0  }
.Ltmp0:
0x9b: {  	s18 =	sadd.s32 s18, s12;
	[sflag:s30] =	ssyncadd.s32 $0xFFFFFF80;
	(pc) =	sbr.rel @p0 .LBB2_2-.Ltmp0, $4  }
0x9c: {  	[tilespmem:s7], [sflag:$0x4] =	stream.linear.gather [hbm4b:s18+s4], $0x80, $0x38;
	[tilespmem:$0x1C200] =	vst v63  }
0x9d: {  	_ =	swait.ge [sflag:s30], $0x80  }
0x9e: {  	[sflag:s30] =	ssyncset.done $0x0  }
0x9f: {  	[sflag:s30] =	ssyncadd.s32 $0xFFFFFF80  }
0xa0: {  	[tilespmem:s8], [sflag:$0x2] =	stream.indirect.gather [hbm4b:s5+s0], $0x80, s0, s0, $0xb8;
	[tilespmem:$0x1C200] =	vst v63  }
0xa1: {  	_ =	swait.ge [sflag:s9], $0x4000  }
0xa2: {  	[sflag:s9] =	ssyncset.done $0x0  }
0xa3: {  	[sflag:s9] =	ssyncadd.s32 $0xFFFFC000  }
0xa4: {  	[spmem:s2] =	stream.indirect.scatter.add.f32 [tilespmem:s3], [sflag:$0x4], $0x80, s31, s0, $0xb8;
	[tilespmem:$0x1C200] =	vst v63  }
0xa5: {  	_ =	swait.ge [sflag:s30], $0x4000  }
0xa6: {  	[sflag:s30] =	ssyncset.done $0x0  }
0xa7: {  	[sflag:s30] =	ssyncadd.s32 $0xFFFFC000  }
0xa8: {  	_ =	swait.ge [sflag:s10], $0x4000  }
0xa9: {  	[sflag:s10] =	ssyncset.done $0x0  }
0xaa: {  	[sflag:s10] =	ssyncadd.s32 $0xFFFFC000  }
0xab: {  	[spmem:s2] =	stream.indirect.scatter.add.f32 [tilespmem:s8], [sflag:$0x4], $0x80, s7, s0, $0xb8;
	[tilespmem:$0x1C200] =	vst v63  }
0xac: {  	_ =	swait.ge [sflag:s30], $0x4000  }
0xad: {  	[sflag:s30] =	ssyncset.done $0x0  }
0xae: {  	[sflag:s30] =	ssyncadd.s32 $0xFFFFC000  }
0xaf: {  	[bflag:$0x0] =	sbarrier.arrive $0xFFFF  }
0xb0: {  	s17 =	sor.u32 $0x1C04, s20;
	s18 =	rddreg [dreg:$0x8]  }
0xb1: {  	[hbm:s18], [sflag:s17] =	dma.local [spmem:s16], $0x2800  }
0xb2: {  	_ =	swait.ge [sflag:s30], $0x2800  }
0xb3: {  	s11 =	sadd.s32 $0x1, s11;
	s19 =	rddreg [dreg:$0x9]  }
0xb4: {  	p0 =	sne.s32 s11, s19  }
.Ltmp1:
0xb5: {  	_ = 	snop;
	(pc) =	sbr.rel @p0 .LBB2_1-.Ltmp1, $3  }
0xb6: {  	_ =	sdelay $0x1  }
0xb7: {  	[sflag:s30] =	ssyncset.done $0x0  }
0xb8: {  	[sflag:s30] =	ssyncadd.s32 $0xFFFFD800  }
0xb9: {  	_ =	sfence.sel $0x180000  }
0xba: {  	[bflag:$0x0] =	sbarrier.arrive $0xFFFF  }
0xbb: {  	_ =	strace $0x9000004D  }
0xbc: {  	s0 =	stileid.u32;
	[bflag:$0x2] =	sbarrier.arrive $0xFFFF  }
0xbd: {  	p0 =	sne.s32 s0, $0x0;
	s0 =	rddreg [dreg:$0x3]  }
0xbe: {  	s0 =	sadd.s32 @!p0 $0x100000, s0  }
0xbf: {  	[sflag:s0] =	ssyncadd.tile.s32 @!p0 $0x1;
	_ =	shalt  }
.Lfunc_end2:
_tile_overlayer_lowered:
.L_overlay_start_2:
0xc0: {  	(tag) =	ssettag $0x2  }
0xc1: {  	s0 =	rddreg [dreg:$0x0];
	s2 =	stileid.u32  }
0xc2: {  	s1 =	rddreg [dreg:$0x1];
	p0 =	sne.s32 s2, $0x0  }
0xc3: {  	s3 =	rddreg [dreg:$0x2];
	[bflag:$0x3] =	sbarrier.arrive $0xFFFF;
	s2 =	simm.s32 @!p0 $0x1C04  }
0xc4: {  	[timem:s3], [sflag:s2] =	dma.local @!p0 [hbm:s0], s1  }
0xc5: {  	s0 =	simm.s32 @!p0 $0x4  }
0xc6: {  	_ =	swait.ge @!p0 [sflag:s0], s1  }
0xc7: {  	s1 =	ssub.s32 @!p0 $0x0, s1;
	[sflag:s0] =	ssyncset.done @!p0 $0x0  }
0xc8: {  	[sflag:s0] =	ssyncadd.s32 @!p0 s1  }
0xc9: {  	[bflag:$0x3] =	sbarrier.arrive $0xFFFF  }
0xca: {  	_ =	shalt  }

// kernel: kernel.8.cloned.1.call-start
scs
__scs_entry_jumppad:
0x0: {  	(pc) =	sbr.rel $0x88, $3  }
0x1: {  	(tag) =	ssettag $0x0;
	lr =	simm.s32 $0x1  }
0x2: {  	[smem:$0x3F96] =	sst lr;
	_ =	strace $0xD0000000  }
0x3: {  	_ = 	snop  }
0x4: {  	_ = 	snop  }
0x5: {  	_ = 	snop  }
0x6: {  	_ = 	snop  }
0x7: {  	_ = 	snop  }
__scs_overlays_trampoline_lowered:
0x8: {  	[smem:$0x3FA5] =	sst s0  }
0x9: {  	[smem:$0x3FA6] =	sst s1  }
0xa: {  	[smem:$0x3FA7] =	sst s2  }
0xb: {  	[smem:$0x3FA8] =	sst s3  }
0xc: {  	[smem:$0x3FA9] =	sst s4  }
0xd: {  	[smem:$0x3FAA] =	sst s5  }
0xe: {  	[smem:$0x3FAB] =	sst s6  }
0xf: {  	[smem:$0x3FAC] =	sst s7  }
0x10: {  	[smem:$0x3FAD] =	sst s8  }
0x11: {  	[smem:$0x3FAE] =	sst s9;
	s0 =	simm.s32 @!p0 $0x0  }
0x12: {  	s1 =	sld [smem:$0x3F94];
	s0 =	simm.s32 @p0 $0x1  }
0x13: {  	[smem:$0x3FAF] =	sst s0;
	s0 =	simm.s32 @!p1 $0x0  }
0x14: {  	s2 =	sld [smem:$0x3F93];
	s0 =	simm.s32 @p1 $0x1  }
0x15: {  	[smem:$0x3FB0] =	sst s0;
	s0 =	simm.s32 @!p2 $0x0  }
0x16: {  	s3 =	sld [smem:$0x3FDB];
	s0 =	simm.s32 @p2 $0x1  }
0x17: {  	s4 =	simm.s32 $0x1BF5;
	[smem:$0x3FB2] =	sst s0  }
0x18: {  	s0 =	sld [smem:$0x3F95];
	_ =	swait.ge [sflag:s4], $0x0  }
0x19: {  	s7 =	sld [smem:$0x3F96]  }
0x1a: {  	s8 =	sadd.s32 $0xFFFFE003, lr  }
0x1b: {  	s9 =	sadd.s32 $0xFFFFFEF7, lr;
	s5 =	simm.s32 $0xFFFFFFFF;
	p2 =	slt.u32 s8, $0xFFFFF086  }
0x1c: {  	p1 =	slt.u32 s9, $0xF7A;
	s5 =	simm.s32 @!p2 $0x0  }
0x1d: {  	s5 =	simm.s32 @p1 $0x1;
	p0 =	seq.s32 s7, s2  }
0x1e: {  	s7 =	smul.u32 @!p0 $0xF7A, s2;
	p2 =	seq.s32 @!p0 s5, $0x0  }
0x1f: {  	s9 =	smul.u32 $0xF7A, s1;
	s8 =	simm.s32 @!p0 $0x1BF5;
	p2 =	por !p2, p0  }
0x20: {  	[sflag:s8] =	ssyncset.s32 @!p0 $0xFFFFF086;
	s6 =	sadd.s32 @!p0 s3, s7;
	s7 =	simm.s32 @!p0 $0x108  }
0x21: {  	s3 =	sadd.s32 s3, s9;
	s6 =	sadd.s32 @!p0 $0x88, s6;
	s7 =	simm.s32 @p2 $0x1082  }
0x22: {  	[simem:s7], [sflag:s8] =	dma.local @!p0 [hbm:s6], $0xF7A  }
0x23: {  	s9 =	sor.u32 $0xD0000000, s2;
	s6 =	simm.s32 $0x108;
	_ =	swait.ge @!p0 [sflag:s8], $0x0  }
0x24: {  	s3 =	sadd.s32 $0x88, s3;
	s6 =	simm.s32 @!p1 $0x1082;
	[sflag:s4] =	ssyncset.s32 $0xFFFFF086  }
0x25: {  	[simem:s6], [sflag:s4] =	dma.local [hbm:s3], $0xF7A  }
0x26: {  	[smem:$0x3F96] =	sst s1;
	(tag) =	ssettag s2;
	_ =	strace s9  }
0x27: {  	s1 =	sld [smem:$0x3FA6]  }
0x28: {  	s2 =	sld [smem:$0x3FA7]  }
0x29: {  	s4 =	sld [smem:$0x3FA9]  }
0x2a: {  	p0 =	seq.s32 s5, $0x0;
	s5 =	sld [smem:$0x3FAA]  }
0x2b: {  	s6 =	sld [smem:$0x3FAB]  }
0x2c: {  	s7 =	sld [smem:$0x3FAC]  }
0x2d: {  	s3 =	simm.s32 $0x108;
	s8 =	sld [smem:$0x3FAD]  }
0x2e: {  	s3 =	simm.s32 @!p0 $0x1082;
	s9 =	sld [smem:$0x3FAE]  }
0x2f: {  	lr =	sadd.s32 s0, s3;
	s0 =	sld [smem:$0x3FA5]  }
0x30: {  	s3 =	sld [smem:$0x3FA8]  }
0x31: {  	[smem:$0x3FB1] =	sst s10  }
0x32: {  	s10 =	sld [smem:$0x3FAF];
	_ =	sdelay $0x3  }
0x33: {  	p0 =	seq.s32 s10, $0x1;
	s10 =	sld [smem:$0x3FB1];
	_ =	sdelay $0x3  }
0x34: {  	[smem:$0x3FB1] =	sst s10  }
0x35: {  	s10 =	sld [smem:$0x3FB0];
	_ =	sdelay $0x3  }
0x36: {  	p1 =	seq.s32 s10, $0x1;
	s10 =	sld [smem:$0x3FB1];
	_ =	sdelay $0x3  }
0x37: {  	[smem:$0x3FB1] =	sst s10  }
0x38: {  	s10 =	sld [smem:$0x3FB2]  }
0x39: {  	_ = 	snop;
	(pc) =	sbr.ind lr, $3  }
0x3a: {  	_ = 	snop  }
0x3b: {  	_ = 	snop  }
0x3c: {  	p2 =	seq.s32 s10, $0x1;
	s10 =	sld [smem:$0x3FB1]  }
0x3d: {  	_ =	shalt  }
0x3e: {  	_ =	shalt  }
0x3f: {  	_ =	shalt  }
0x40: {  	_ =	shalt  }
0x41: {  	_ =	shalt  }
0x42: {  	_ =	shalt  }
0x43: {  	_ =	shalt  }
0x44: {  	_ =	shalt  }
0x45: {  	_ =	shalt  }
0x46: {  	_ =	shalt  }
0x47: {  	_ =	shalt  }
0x48: {  	_ =	shalt  }
0x49: {  	_ =	shalt  }
0x4a: {  	_ =	shalt  }
0x4b: {  	_ =	shalt  }
0x4c: {  	_ =	shalt  }
0x4d: {  	_ =	shalt  }
0x4e: {  	_ =	shalt  }
0x4f: {  	_ =	shalt  }
0x50: {  	_ =	shalt  }
0x51: {  	_ =	shalt  }
0x52: {  	_ =	shalt  }
0x53: {  	_ =	shalt  }
0x54: {  	_ =	shalt  }
0x55: {  	_ =	shalt  }
0x56: {  	_ =	shalt  }
0x57: {  	_ =	shalt  }
0x58: {  	_ =	shalt  }
0x59: {  	_ =	shalt  }
0x5a: {  	_ =	shalt  }
0x5b: {  	_ =	shalt  }
0x5c: {  	_ =	shalt  }
0x5d: {  	_ =	shalt  }
0x5e: {  	_ =	shalt  }
0x5f: {  	_ =	shalt  }
0x60: {  	_ =	shalt  }
0x61: {  	_ =	shalt  }
0x62: {  	_ =	shalt  }
0x63: {  	_ =	shalt  }
0x64: {  	_ =	shalt  }
0x65: {  	_ =	shalt  }
0x66: {  	_ =	shalt  }
0x67: {  	_ =	shalt  }
0x68: {  	_ =	shalt  }
0x69: {  	_ =	shalt  }
0x6a: {  	_ =	shalt  }
0x6b: {  	_ =	shalt  }
0x6c: {  	_ =	shalt  }
0x6d: {  	_ =	shalt  }
0x6e: {  	_ =	shalt  }
0x6f: {  	_ =	shalt  }
0x70: {  	_ =	shalt  }
0x71: {  	_ =	shalt  }
0x72: {  	_ =	shalt  }
0x73: {  	_ =	shalt  }
0x74: {  	_ =	shalt  }
0x75: {  	_ =	shalt  }
0x76: {  	_ =	shalt  }
0x77: {  	_ =	shalt  }
0x78: {  	_ =	shalt  }
0x79: {  	_ =	shalt  }
0x7a: {  	_ =	shalt  }
0x7b: {  	_ =	shalt  }
0x7c: {  	_ =	shalt  }
0x7d: {  	_ =	shalt  }
0x7e: {  	_ =	shalt  }
0x7f: {  	_ =	shalt  }
0x80: {  	_ =	shalt  }
0x81: {  	_ =	shalt  }
0x82: {  	_ =	shalt  }
0x83: {  	_ =	shalt  }
0x84: {  	_ =	shalt  }
0x85: {  	_ =	shalt  }
0x86: {  	_ =	shalt  }
0x87: {  	_ =	shalt  }
.Lfunc_end0:
.L_simem_size_0:
called_computation_lowered:
.L_overlay_start_0:
0x88: {  	s2 =	sld [smem:$0x3FD9]  }
0x89: {  	s3 =	sld [smem:$0x3FFE];
	_ =	sdelay $0x1  }
0x8a: {  	s1 =	srdreg.scid  }
0x8b: {  	s0 =	sand.u32 $0x1, s1  }
0x8c: {  	s17 =	sshll.u32 s0, $0xA;
	s2 =	sadd.s32 s3, s2  }
0x8d: {  	s2 =	sadd.s32 s2, s17  }
0x8e: {  	[smem:$0x3FBD] =	sst s2  }
0x8f: {  	_ = 	snop  }
0x90: {  	s2 =	sld [smem:$0x3FD0];
	(tm) =	ssettm $0x1  }
0x91: {  	s18 =	sld [smem:$0x3FFB];
	_ =	sdelay $0x3  }
0x92: {  	_ =	strace s18  }
0x93: {  	s3 =	sld [smem:$0x3FFC];
	_ =	sdelay $0x3  }
0x94: {  	_ =	strace s3  }
0x95: {  	s3 =	sld [smem:$0x3FFD];
	_ =	sdelay $0x3  }
0x96: {  	_ =	strace s3  }
0x97: {  	_ =	strace $0x8FFFFFFF  }
0x98: {  	s19 =	sld [smem:$0x3FDB];
	_ =	sdelay $0x1  }
0x99: {  	s4 =	simm.s32 $_scs_section_size  }
0x9a: {  	s5 =	simm.s32 $_size__tile_overlayer_lowered;
	s6 =	simm.s32 $_tile_overlayer_lowered  }
0x9b: {  	s22 =	simm.s32 $0x1BFF;
	s21 =	sshll.u32 s6, $0x1;
	s3 =	sadd.s32 s4, s19  }
0x9c: {  	s7 =	simm.s32 $0x0;
	s20 =	sshll.u32 s5, $0x1;
	s5 =	sadd.s32 s21, s3  }
0x9d: {  	[timem:s7], [sflag:s22] =	dma.local [hbm:s5], s20  }
0x9e: {  	_ =	swait.ge [sflag:s22], s20  }
0x9f: {  	s4 =	ssub.s32 $0x0, s20;
	[sflag:s22] =	ssyncset.done $0x0  }
0xa0: {  	[sflag:s22] =	ssyncadd.s32 s4;
	_ =	sdelay $0x1  }
0xa1: {  	s23 =	simm.s32 $0x1B8B  }
0xa2: {  	_ =	swait.ge [sflag:s23], $0x1  }
0xa3: {  	[sflag:s23] =	ssyncset.done $0x0  }
0xa4: {  	s25 =	simm.s32 $0x1B8E;
	s24 =	sld [smem:$0x3FFE];
	[sflag:s23] =	ssyncadd.s32 $0xFFFFFFFF  }
0xa5: {  	s26 =	simm.s32 $execute0_lowered;
	[smem:$0x3FD2] =	sst s25  }
0xa6: {  	s5 =	sshll.u32 s26, $0x1;
	_ =	strace $0x80000046;
	[dreg:$0x1] =	wrdreg $0xFFFFFFFF  }
0xa7: {  	s28 =	simm.s32 $_size_execute0_lowered;
	s3 =	sadd.s32 s3, s5;
	[dreg:$0x0] =	wrdreg $0x0  }
0xa8: {  	s5 =	sshll.u32 s28, $0x1;
	[dreg:$0x2] =	wrdreg s3  }
0xa9: {  	[dreg:$0x3] =	wrdreg s5  }
0xaa: {  	[dreg:$0x4] =	wrdreg $0xC0  }
0xab: {  	_ =	task [dreg:s7], $0x5FFFF  }
0xac: {  	[dreg:$0x1] =	wrdreg $0xFFFFFFFF  }
0xad: {  	[dreg:$0x0] =	wrdreg $0x60  }
0xae: {  	[dreg:$0x2] =	wrdreg s24  }
0xaf: {  	[dreg:$0x3] =	wrdreg s2  }
0xb0: {  	[dreg:$0x4] =	wrdreg $0x50800  }
0xb1: {  	[dreg:$0x5] =	wrdreg $0x53000  }
0xb2: {  	[dreg:$0x6] =	wrdreg $0x9  }
0xb3: {  	_ =	task.clear_ibuf [dreg:s7], $0x7FFFF;
	_ =	strace $0x90000046  }
0xb4: {  	s29 =	simm.s32 $0x9;
	_ =	strace $0x80000048  }
0xb5: {  	_ =	swait.ge [sflag:s29], $0x1  }
0xb6: {  	[sflag:s29] =	ssyncadd.s32 $0xFFFFFFFF  }
0xb7: {  	_ =	strace $0x90000048  }
0xb8: {  	_ =	sfence  }
0xb9: {  	s30 =	sld [smem:$0x0];
	_ =	sdelay $0x2  }
0xba: {  	s31 =	sshll.u32 s1, $0xD;
	s1 =	sshrl.u32 s1, $0x2  }
0xbb: {  	s3 =	sand.u32 $0x4000, s31;
	s1 =	sadd.s32 s1, s30  }
0xbc: {  	s0 =	sor.u32 s3, s0;
	s1 =	sshll.u32 s1, $0x11  }
0xbd: {  	s0 =	sor.u32 s1, s0  }
0xbe: {  	s0 =	sadd.s32 $0x8F2B, s0  }
0xbf: {  	[sflag:s0] =	ssyncadd.remote.s32 $0x1  }
0xc0: {  	_ =	sfence.sel $0xFFFF  }
0xc1: {  	[dreg:$0x0] =	wrdreg $0xFFFFFFFF;
	(pc) =	sbr.abs _section_cstart, $3  }
0xc2: {  	[dreg:$0x1] =	wrdreg $0xFFFFFFFF  }
0xc3: {  	_ =	task.clear_ibuf [dreg:s7], $0x2FFFF;
	_ =	strace $0x9FFFFFFF  }
0xc4: {  	(tm) =	ssettm $0x7FFFFFFF  }
0xc5: {  	_ =	shalt  }
tec
execute0_lowered:
.L_overlay_start_1:
0x0: {  	(tag) =	ssettag $0x1  }
0x1: {  	s6 =	rddreg [dreg:$0x0]  }
0x2: {  	s9 =	rddreg [dreg:$0x1]  }
0x3: {  	s1 =	srdreg.scid;
	s2 =	rddreg [dreg:$0x2]  }
0x4: {  	s0 =	stileid.u32;
	s3 =	rddreg [dreg:$0x3]  }
0x5: {  	s4 =	simm.s32 $0x0;
	s16 =	simm.s32 $0x80;
	s17 =	simm.s32 $0x5000  }
0x6: {  	s18 =	simm.s32 $0x1;
	s19 =	simm.s32 $0x2;
	s20 =	simm.s32 $0x20  }
0x7: {  	s21 =	simm.s32 $0x10;
	s22 =	simm.s32 $0x0;
	s5 =	sand.u32 $0x1, s1  }
0x8: {  	s25 =	sshll.u32 s0, $0x1;
	s8 =	smul.u32 $0x500, s0;
	[smem:$0x7FF] =	sst s4  }
0x9: {  	s29 =	smul.u32 $0x280, s0;
	s31 =	sshll.u32 s0, $0x6;
	s1 =	sor.u32 s5, s25  }
0xa: {  	s10 =	sshll.u32 s5, $0x7;
	s28 =	ssub.s32 $0x2, s5;
	s5 =	sadd.s32 $0x16200, s6  }
0xb: {  	s7 =	smul.u32 $0x500, s1;
	s1 =	rddreg [dreg:$0x4];
	_ =	strace $0x80000047  }
0xc: {  	s26 =	sor.u32 s10, s8;
	s30 =	sshrl.u32 s28, $0x1;
	s14 =	sadd.s32 s29, s2  }
0xd: {  	s15 =	sadd.s32 s29, s3;
	s10 =	sshrl.u32 s26, $0x3;
	s13 =	ssub.s32 s28, s30  }
0xe: {  	s11 =	sadd.s32 s7, s6;
	s12 =	sadd.s32 s10, s6;
	s6 =	sor.u32 $0x1C03, s31  }
0xf: {  	s9 =	sadd.s32 s9, s10;
	s7 =	sadd.s32 $0xC200, s11;
	s8 =	sadd.s32 $0x2200, s11  }
0x10: {  	s10 =	sadd.s32 $0x16800, s12;
	s11 =	smax.u32 s13, $0x1;
	s12 =	sshrl.u32 s14, $0x3  }
0x11: {  	v0 =	vimm.f32 $1.000000000e+00;
	s13 =	simm.s32 $0x3;
	s14 =	sshrl.u32 s15, $0x3;
	s15 =	simm.s32 $0x2800  }
.LBB2_1:
0x12: {  	[spmem:s12], [sflag:s6] =	dma.local [hbm:s5], $0x50  }
0x13: {  	_ =	swait.ge [sflag:s13], $0x50  }
0x14: {  	[sflag:s13] =	ssyncset.done $0x0  }
0x15: {  	[sflag:s13] =	ssyncadd.s32 $0xFFFFFFB0  }
0x16: {  	[spmem:s14], [sflag:s6] =	dma.local [hbm:s5], $0x50  }
0x17: {  	_ =	swait.ge [sflag:s13], $0x50  }
0x18: {  	[sflag:s13] =	ssyncset.done $0x0  }
0x19: {  	[sflag:s13] =	ssyncadd.s32 $0xFFFFFFB0  }
0x1a: {  	[tilespmem:$0x5000] =	vst v0  }
0x1b: {  	[tilespmem:$0x5010] =	vst v0  }
0x1c: {  	[tilespmem:$0x5020] =	vst v0  }
0x1d: {  	[tilespmem:$0x5030] =	vst v0  }
0x1e: {  	[tilespmem:$0x5040] =	vst v0  }
0x1f: {  	[tilespmem:$0x5050] =	vst v0  }
0x20: {  	[tilespmem:$0x5060] =	vst v0  }
0x21: {  	[tilespmem:$0x5070] =	vst v0  }
0x22: {  	[tilespmem:s4], [sflag:$0x3] =	stream.linear.gather [hbm4b:s7+s4], $0x2800, $0x38;
	[tilespmem:$0x5580] =	vst v63  }
0x23: {  	_ =	swait.ge [sflag:s13], $0x2800  }
0x24: {  	[sflag:s13] =	ssyncset.done $0x0  }
0x25: {  	[sflag:s13] =	ssyncadd.s32 $0xFFFFD800  }
0x26: {  	[tilespmem:s15], [sflag:$0x3] =	stream.linear.gather [hbm4b:s8+s4], $0x2800, $0x38;
	[tilespmem:$0x5580] =	vst v63  }
0x27: {  	_ =	swait.ge [sflag:s13], $0x2800  }
0x28: {  	[sflag:s13] =	ssyncset.done $0x0  }
0x29: {  	[sflag:s13] =	ssyncadd.s32 $0xFFFFD800  }
0x2a: {  	s23 =	simm.s32 $0x0;
	[bflag:$0x0] =	sbarrier.arrive $0xFFFF  }
0x2b: {  	[spmem:s2] =	stream.indirect.scatter.add.f32 [tilespmem:s17], [sflag:$0x1], $0x1, s23, s16, $0xb8;
	[tilespmem:$0x5580] =	vst v63  }
0x2c: {  	s24 =	simm.s32 $0x2800  }
0x2d: {  	[spmem:s3] =	stream.indirect.scatter.add.f32 [tilespmem:s17], [sflag:$0x2], $0x1, s24, s16, $0xb8;
	[tilespmem:$0x5580] =	vst v63  }
0x2e: {  	s25 =	simm.s32 $0x80  }
0x2f: {  	[spmem:s2] =	stream.indirect.scatter.add.f32 [tilespmem:s17], [sflag:$0x1], $0x1, s25, s16, $0xb8;
	[tilespmem:$0x5580] =	vst v63  }
0x30: {  	s26 =	simm.s32 $0x2880  }
0x31: {  	[spmem:s3] =	stream.indirect.scatter.add.f32 [tilespmem:s17], [sflag:$0x2], $0x1, s26, s16, $0xb8;
	[tilespmem:$0x5580] =	vst v63  }
0x32: {  	s28 =	simm.s32 $0x100  }
0x33: {  	[spmem:s2] =	stream.indirect.scatter.add.f32 [tilespmem:s17], [sflag:$0x1], $0x1, s28, s16, $0xb8;
	[tilespmem:$0x5580] =	vst v63  }
0x34: {  	s29 =	simm.s32 $0x2900  }
0x35: {  	[spmem:s3] =	stream.indirect.scatter.add.f32 [tilespmem:s17], [sflag:$0x2], $0x1, s29, s16, $0xb8;
	[tilespmem:$0x5580] =	vst v63  }
0x36: {  	s30 =	simm.s32 $0x180  }
0x37: {  	[spmem:s2] =	stream.indirect.scatter.add.f32 [tilespmem:s17], [sflag:$0x1], $0x1, s30, s16, $0xb8;
	[tilespmem:$0x5580] =	vst v63  }
0x38: {  	s31 =	simm.s32 $0x2980  }
0x39: {  	[spmem:s3] =	stream.indirect.scatter.add.f32 [tilespmem:s17], [sflag:$0x2], $0x1, s31, s16, $0xb8;
	[tilespmem:$0x5580] =	vst v63  }
0x3a: {  	_ =	swait.ge [sflag:s18], $0x80  }
0x3b: {  	[sflag:s18] =	ssyncset.done $0x0  }
0x3c: {  	[sflag:s18] =	ssyncadd.s32 $0xFFFFFF80  }
0x3d: {  	_ =	swait.ge [sflag:s19], $0x80  }
0x3e: {  	[sflag:s19] =	ssyncset.done $0x0  }
0x3f: {  	[sflag:s19] =	ssyncadd.s32 $0xFFFFFF80  }
0x40: {  	_ =	swait.ge [sflag:s18], $0x80  }
0x41: {  	[sflag:s18] =	ssyncset.done $0x0  }
0x42: {  	[sflag:s18] =	ssyncadd.s32 $0xFFFFFF80  }
0x43: {  	_ =	swait.ge [sflag:s19], $0x80  }
0x44: {  	[sflag:s19] =	ssyncset.done $0x0  }
0x45: {  	[sflag:s19] =	ssyncadd.s32 $0xFFFFFF80  }
0x46: {  	_ =	swait.ge [sflag:s18], $0x80  }
0x47: {  	[sflag:s18] =	ssyncset.done $0x0  }
0x48: {  	[sflag:s18] =	ssyncadd.s32 $0xFFFFFF80  }
0x49: {  	_ =	swait.ge [sflag:s19], $0x80  }
0x4a: {  	[sflag:s19] =	ssyncset.done $0x0  }
0x4b: {  	[sflag:s19] =	ssyncadd.s32 $0xFFFFFF80  }
0x4c: {  	_ =	swait.ge [sflag:s18], $0x80  }
0x4d: {  	[sflag:s18] =	ssyncset.done $0x0  }
0x4e: {  	[sflag:s18] =	ssyncadd.s32 $0xFFFFFF80  }
0x4f: {  	_ =	swait.ge [sflag:s19], $0x80  }
0x50: {  	s23 =	simm.s32 $0x800;
	s25 =	simm.s32 $0x1000;
	[sflag:s19] =	ssyncset.done $0x0  }
.LBB2_2:
0x51: {  	s26 =	sshra.s32 s23, $0x2  }
0x52: {  	[sflag:s19] =	ssyncadd.s32 $0xFFFFFF80;
	s23 =	smov.u32 s25;
	s24 =	sadd.s32 $0x800, s25  }
0x53: {  	[spmem:s2] =	stream.indirect.scatter.add.f32 [tilespmem:s17], [sflag:$0x1], $0x1, s26, s16, $0xb8;
	[tilespmem:$0x5580] =	vst v63  }
0x54: {  	p0 =	sne.s32 s25, $0x9800;
	s25 =	sadd.s32 $0x2800, s26  }
0x55: {  	[spmem:s3] =	stream.indirect.scatter.add.f32 [tilespmem:s17], [sflag:$0x2], $0x1, s25, s16, $0xb8;
	[tilespmem:$0x5580] =	vst v63  }
0x56: {  	s25 =	sadd.s32 $0x80, s26  }
0x57: {  	[spmem:s2] =	stream.indirect.scatter.add.f32 [tilespmem:s17], [sflag:$0x1], $0x1, s25, s16, $0xb8;
	[tilespmem:$0x5580] =	vst v63  }
0x58: {  	s25 =	sadd.s32 $0x2880, s26  }
0x59: {  	[spmem:s3] =	stream.indirect.scatter.add.f32 [tilespmem:s17], [sflag:$0x2], $0x1, s25, s16, $0xb8;
	[tilespmem:$0x5580] =	vst v63  }
0x5a: {  	s25 =	sadd.s32 $0x100, s26  }
0x5b: {  	[spmem:s2] =	stream.indirect.scatter.add.f32 [tilespmem:s17], [sflag:$0x1], $0x1, s25, s16, $0xb8;
	[tilespmem:$0x5580] =	vst v63  }
0x5c: {  	s25 =	sadd.s32 $0x2900, s26  }
0x5d: {  	[spmem:s3] =	stream.indirect.scatter.add.f32 [tilespmem:s17], [sflag:$0x2], $0x1, s25, s16, $0xb8;
	[tilespmem:$0x5580] =	vst v63  }
0x5e: {  	s25 =	sadd.s32 $0x180, s26  }
0x5f: {  	[spmem:s2] =	stream.indirect.scatter.add.f32 [tilespmem:s17], [sflag:$0x1], $0x1, s25, s16, $0xb8;
	[tilespmem:$0x5580] =	vst v63  }
0x60: {  	s25 =	sadd.s32 $0x2980, s26  }
0x61: {  	[spmem:s3] =	stream.indirect.scatter.add.f32 [tilespmem:s17], [sflag:$0x2], $0x1, s25, s16, $0xb8;
	[tilespmem:$0x5580] =	vst v63  }
0x62: {  	_ =	swait.ge [sflag:s18], $0x80  }
0x63: {  	[sflag:s18] =	ssyncset.done $0x0  }
0x64: {  	[sflag:s18] =	ssyncadd.s32 $0xFFFFFF80  }
0x65: {  	_ =	swait.ge [sflag:s19], $0x80  }
0x66: {  	[sflag:s19] =	ssyncset.done $0x0  }
0x67: {  	[sflag:s19] =	ssyncadd.s32 $0xFFFFFF80  }
0x68: {  	_ =	swait.ge [sflag:s18], $0x80  }
0x69: {  	[sflag:s18] =	ssyncset.done $0x0  }
0x6a: {  	[sflag:s18] =	ssyncadd.s32 $0xFFFFFF80  }
0x6b: {  	_ =	swait.ge [sflag:s19], $0x80  }
0x6c: {  	[sflag:s19] =	ssyncset.done $0x0  }
0x6d: {  	[sflag:s19] =	ssyncadd.s32 $0xFFFFFF80  }
0x6e: {  	_ =	swait.ge [sflag:s18], $0x80  }
0x6f: {  	[sflag:s18] =	ssyncset.done $0x0  }
0x70: {  	[sflag:s18] =	ssyncadd.s32 $0xFFFFFF80  }
0x71: {  	_ =	swait.ge [sflag:s19], $0x80  }
0x72: {  	[sflag:s19] =	ssyncset.done $0x0  }
0x73: {  	[sflag:s19] =	ssyncadd.s32 $0xFFFFFF80  }
.Ltmp0:
0x74: {  	_ =	swait.ge [sflag:s18], $0x80;
	(pc) =	sbr.rel @p0 .LBB2_2-.Ltmp0, $4  }
0x75: {  	[sflag:s18] =	ssyncset.done $0x0  }
0x76: {  	[sflag:s18] =	ssyncadd.s32 $0xFFFFFF80  }
0x77: {  	_ =	swait.ge [sflag:s19], $0x80  }
0x78: {  	s25 =	smov.u32 s24;
	[sflag:s19] =	ssyncset.done $0x0  }
0x79: {  	s23 =	sshra.s32 s23, $0x2;
	[sflag:s19] =	ssyncadd.s32 $0xFFFFFF80  }
0x7a: {  	[spmem:s2] =	stream.indirect.scatter.add.f32 [tilespmem:s17], [sflag:$0x1], $0x1, s23, s16, $0xb8;
	[tilespmem:$0x5580] =	vst v63  }
0x7b: {  	s24 =	sadd.s32 $0x2800, s23  }
0x7c: {  	[spmem:s3] =	stream.indirect.scatter.add.f32 [tilespmem:s17], [sflag:$0x2], $0x1, s24, s16, $0xb8;
	[tilespmem:$0x5580] =	vst v63  }
0x7d: {  	s26 =	sadd.s32 $0x80, s23  }
0x7e: {  	[spmem:s2] =	stream.indirect.scatter.add.f32 [tilespmem:s17], [sflag:$0x1], $0x1, s26, s16, $0xb8;
	[tilespmem:$0x5580] =	vst v63  }
0x7f: {  	s28 =	sadd.s32 $0x2880, s23  }
0x80: {  	[spmem:s3] =	stream.indirect.scatter.add.f32 [tilespmem:s17], [sflag:$0x2], $0x1, s28, s16, $0xb8;
	[tilespmem:$0x5580] =	vst v63  }
0x81: {  	s29 =	sadd.s32 $0x100, s23  }
0x82: {  	[spmem:s2] =	stream.indirect.scatter.add.f32 [tilespmem:s17], [sflag:$0x1], $0x1, s29, s16, $0xb8;
	[tilespmem:$0x5580] =	vst v63  }
0x83: {  	s30 =	sadd.s32 $0x2900, s23  }
0x84: {  	[spmem:s3] =	stream.indirect.scatter.add.f32 [tilespmem:s17], [sflag:$0x2], $0x1, s30, s16, $0xb8;
	[tilespmem:$0x5580] =	vst v63  }
0x85: {  	s31 =	sadd.s32 $0x180, s23  }
0x86: {  	[spmem:s2] =	stream.indirect.scatter.add.f32 [tilespmem:s17], [sflag:$0x1], $0x1, s31, s16, $0xb8;
	[tilespmem:$0x5580] =	vst v63  }
0x87: {  	s23 =	sadd.s32 $0x2980, s23  }
0x88: {  	[spmem:s3] =	stream.indirect.scatter.add.f32 [tilespmem:s17], [sflag:$0x2], $0x1, s23, s16, $0xb8;
	[tilespmem:$0x5580] =	vst v63  }
0x89: {  	_ =	swait.ge [sflag:s18], $0x80  }
0x8a: {  	[sflag:s18] =	ssyncset.done $0x0  }
0x8b: {  	[sflag:s18] =	ssyncadd.s32 $0xFFFFFF80  }
0x8c: {  	_ =	swait.ge [sflag:s19], $0x80  }
0x8d: {  	[sflag:s19] =	ssyncset.done $0x0  }
0x8e: {  	[sflag:s19] =	ssyncadd.s32 $0xFFFFFF80  }
0x8f: {  	_ =	swait.ge [sflag:s18], $0x80  }
0x90: {  	[sflag:s18] =	ssyncset.done $0x0  }
0x91: {  	[sflag:s18] =	ssyncadd.s32 $0xFFFFFF80  }
0x92: {  	_ =	swait.ge [sflag:s19], $0x80  }
0x93: {  	[sflag:s19] =	ssyncset.done $0x0  }
0x94: {  	[sflag:s19] =	ssyncadd.s32 $0xFFFFFF80  }
0x95: {  	_ =	swait.ge [sflag:s18], $0x80  }
0x96: {  	[sflag:s18] =	ssyncset.done $0x0  }
0x97: {  	[sflag:s18] =	ssyncadd.s32 $0xFFFFFF80  }
0x98: {  	_ =	swait.ge [sflag:s19], $0x80  }
0x99: {  	[sflag:s19] =	ssyncset.done $0x0  }
0x9a: {  	[sflag:s19] =	ssyncadd.s32 $0xFFFFFF80  }
0x9b: {  	_ =	swait.ge [sflag:s18], $0x80  }
0x9c: {  	[sflag:s18] =	ssyncset.done $0x0  }
0x9d: {  	[sflag:s18] =	ssyncadd.s32 $0xFFFFFF80  }
0x9e: {  	_ =	swait.ge [sflag:s19], $0x80  }
0x9f: {  	[sflag:s19] =	ssyncset.done $0x0  }
0xa0: {  	[sflag:s19] =	ssyncadd.s32 $0xFFFFFF80  }
0xa1: {  	[bflag:$0x0] =	sbarrier.arrive $0xFFFF  }
0xa2: {  	[hbm:s9@s20], [sflag:s6] =	dma.strided [spmem:s12@s21], $0x50, s18, $0x10   }
0xa3: {  	s22 =	sadd.s32 $0x1, s22;
	_ =	swait.ge [sflag:s13], $0x50  }
0xa4: {  	p0 =	sne.s32 s22, s11;
	[sflag:s13] =	ssyncset.done $0x0  }
.Ltmp1:
0xa5: {  	[sflag:s13] =	ssyncadd.s32 $0xFFFFFFB0;
	(pc) =	sbr.rel @p0 .LBB2_1-.Ltmp1, $4  }
0xa6: {  	[hbm:s10@s20], [sflag:s6] =	dma.strided [spmem:s14@s21], $0x50, s18, $0x10   }
0xa7: {  	_ =	swait.ge [sflag:s13], $0x50  }
0xa8: {  	[sflag:s13] =	ssyncset.done $0x0  }
0xa9: {  	[sflag:s13] =	ssyncadd.s32 $0xFFFFFFB0  }
0xaa: {  	_ =	sfence.sel $0x180000  }
0xab: {  	[bflag:$0x0] =	sbarrier.arrive $0xFFFF  }
0xac: {  	p0 =	sne.s32 s0, $0x0;
	_ =	strace $0x90000047  }
0xad: {  	s0 =	sadd.s32 @!p0 $0x100000, s1;
	[bflag:$0x2] =	sbarrier.arrive $0xFFFF  }
0xae: {  	[sflag:s0] =	ssyncadd.tile.s32 @!p0 $0x1;
	_ =	shalt  }
.Lfunc_end2:
_tile_overlayer_lowered:
.L_overlay_start_2:
0xaf: {  	(tag) =	ssettag $0x2  }
0xb0: {  	s0 =	rddreg [dreg:$0x0];
	s2 =	stileid.u32  }
0xb1: {  	s1 =	rddreg [dreg:$0x1];
	p0 =	sne.s32 s2, $0x0  }
0xb2: {  	s3 =	rddreg [dreg:$0x2];
	[bflag:$0x3] =	sbarrier.arrive $0xFFFF;
	s2 =	simm.s32 @!p0 $0x1C03  }
0xb3: {  	[timem:s3], [sflag:s2] =	dma.local @!p0 [hbm:s0], s1  }
0xb4: {  	s0 =	simm.s32 @!p0 $0x3  }
0xb5: {  	_ =	swait.ge @!p0 [sflag:s0], s1  }
0xb6: {  	s1 =	ssub.s32 @!p0 $0x0, s1;
	[sflag:s0] =	ssyncset.done @!p0 $0x0  }
0xb7: {  	[sflag:s0] =	ssyncadd.s32 @!p0 s1  }
0xb8: {  	[bflag:$0x3] =	sbarrier.arrive $0xFFFF  }
0xb9: {  	_ =	shalt  }

</sc_bundles>
